<compile_context>
chip_gen: v7x
topology: tpu7x:2x2x1
jax: 0.10.2.dev20260603
libtpu: 0.0.44.dev20260713+nightly
codegen_flags: <defaults>
</compile_context>

<pallas_src>
import functools

import jax
import jax.numpy as jnp
from jax import lax
from jax.experimental import pallas as pl
from jax.experimental.pallas import tpu as pltpu
from jax.experimental.pallas import tpu_sc as plsc

GS = 256
NP = 2_000_000
NC = 2
NS = 16
NW = NC * NS
NB = NP // 128
BLOCKS = 25
CHUNK = BLOCKS * 128
NCHUNK = NP // CHUNK
BASE_TRIPS = NCHUNK // NW
EXTRA = NCHUNK % NW


def _deposit_body(pos_hbm, chg_hbm, out_hbm, grid_v, pos_v, chg_v, sems):
    c = lax.axis_index("c")
    s = lax.axis_index("s")
    wid = s * NC + c
    zeros16 = jnp.zeros((16,), jnp.float32)
    trips = jnp.where(wid < EXTRA, BASE_TRIPS + 1, BASE_TRIPS)

    def start_fetch(j, b):
        ck = wid + j * NW
        pltpu.async_copy(pos_hbm.at[pl.ds(ck * BLOCKS, BLOCKS)],
                         pos_v.at[b], sems[b])
        pltpu.async_copy(chg_hbm.at[pl.ds(ck * CHUNK, CHUNK)],
                         chg_v.at[b], sems[b])

    def wait_fetch(j, b):
        ck = wid + j * NW
        pltpu.make_async_copy(pos_hbm.at[pl.ds(ck * BLOCKS, BLOCKS)],
                              pos_v.at[b], sems[b]).wait()
        pltpu.make_async_copy(chg_hbm.at[pl.ds(ck * CHUNK, CHUNK)],
                              chg_v.at[b], sems[b]).wait()

    def compute_chunk(b):
        @plsc.parallel_loop(0, BLOCKS, unroll=5)
        def block_body(blk):
            for sub in range(8):
                xs = pos_v[b, blk, 0, pl.ds(sub * 16, 16)]
                ys = pos_v[b, blk, 1, pl.ds(sub * 16, 16)]
                cs = chg_v[b, pl.ds(blk * 128 + sub * 16, 16)]
                cxi = xs.astype(jnp.int32)
                cyi = ys.astype(jnp.int32)
                fx = xs - cxi.astype(jnp.float32)
                fy = ys - cyi.astype(jnp.float32)
                cx = plsc.bitcast(
                    jnp.minimum(plsc.bitcast(cxi, jnp.uint32),
                                jnp.uint32(GS - 2)), jnp.int32)
                cy = plsc.bitcast(
                    jnp.minimum(plsc.bitcast(cyi, jnp.uint32),
                                jnp.uint32(GS - 2)), jnp.int32)
                flat = lax.shift_left(cx, 8) + cy
                flat01 = flat + 1
                flat10 = flat + GS
                flat11 = flat + (GS + 1)
                gx = 1.0 - fx
                gy = 1.0 - fy
                a = gx * cs
                b2 = fx * cs
                plsc.addupdate_scatter(grid_v, [flat], a * gy)
                plsc.addupdate_scatter(grid_v, [flat10], b2 * gy)
                plsc.addupdate_scatter(grid_v, [flat01], a * fy)
                plsc.addupdate_scatter(grid_v, [flat11], b2 * fy)

    start_fetch(0, 0)

    @plsc.parallel_loop(0, GS * GS // 16, unroll=8)
    def zero_body(i):
        grid_v[pl.ds(i * 16, 16)] = zeros16

    def pair_body(p, carry):
        for b in range(2):
            j = p * 2 + b

            @pl.when(j < trips)
            def _():
                wait_fetch(j, b)

                @pl.when(j + 1 < trips)
                def _():
                    start_fetch(j + 1, 1 - b)

                compute_chunk(b)

        return carry

    lax.fori_loop(0, (BASE_TRIPS + 2) // 2, pair_body, 0)

    pltpu.sync_copy(grid_v, out_hbm.at[wid])


_deposit = functools.partial(
    pl.kernel,
    out_type=jax.ShapeDtypeStruct((NW, GS * GS), jnp.float32),
    mesh=plsc.VectorSubcoreMesh(core_axis_name="c", subcore_axis_name="s"),
    scratch_types=[
        pltpu.VMEM((GS * GS,), jnp.float32),
        pltpu.VMEM((2, BLOCKS, 2, 128), jnp.float32),
        pltpu.VMEM((2, CHUNK), jnp.float32),
        [pltpu.SemaphoreType.DMA, pltpu.SemaphoreType.DMA],
    ],
    compiler_params=pltpu.CompilerParams(needs_layout_passes=False),
)(_deposit_body)


def _sum_partials_body(p_ref, o_ref):
    o_ref[...] = jnp.sum(p_ref[...], axis=0).reshape(GS, GS)


_sum_partials = pl.pallas_call(
    _sum_partials_body,
    out_shape=jax.ShapeDtypeStruct((GS, GS), jnp.float32),
)


def kernel(positions, charges):
    pos_blocked = positions.T.reshape(2, NB, 128).transpose(1, 0, 2)
    partials = _deposit(pos_blocked, charges)
    return _sum_partials(partials)

# --- scband reference (transcript-rebuilt; emitter-appended) ---
"""Pipeline reference for scband-model-15307263443706 (READ-ONLY COPY).

The authoritative reference and input builder live on the scoring server;
editing this copy changes nothing except your own understanding.
"""

import jax, jax.numpy as jnp
import numpy as np

GRID_SIZE = 256
N = 2000000


def setup_inputs(seed: int = 0) -> dict:
    key = jax.random.key(seed)
    k1, k2 = jax.random.split(key)
    # positions in [0, grid_size)
    positions = jax.random.uniform(k1, (N, 2), dtype=jnp.float32) * GRID_SIZE
    charges = jax.random.normal(k2, (N,), dtype=jnp.float32)
    return {"positions": positions, "charges": charges}


def reference(positions, charges):
    gs = GRID_SIZE
    cell_x = jnp.floor(positions[:, 0]).astype(jnp.int32)
    cell_y = jnp.floor(positions[:, 1]).astype(jnp.int32)
    # fractional offsets computed BEFORE clamping, matching the torch module
    fx = positions[:, 0] - cell_x.astype(positions.dtype)
    fy = positions[:, 1] - cell_y.astype(positions.dtype)
    cell_x = jnp.clip(cell_x, 0, gs - 2)
    cell_y = jnp.clip(cell_y, 0, gs - 2)
    w00 = (1 - fx) * (1 - fy) * charges
    w10 = fx * (1 - fy) * charges
    w01 = (1 - fx) * fy * charges
    w11 = fx * fy * charges
    grid = jnp.zeros((gs, gs), dtype=positions.dtype)
    grid = grid.at[cell_x, cell_y].add(w00)
    grid = grid.at[cell_x + 1, cell_y].add(w10)
    grid = grid.at[cell_x, cell_y + 1].add(w01)
    grid = grid.at[cell_x + 1, cell_y + 1].add(w11)
    return grid

if __name__ == "__main__":
    import jax
    _d = setup_inputs()
    print(jax.jit(kernel)(*tuple(_d.values())))

</pallas_src>

<mosaic_0001>
#map = affine_map<(d0, d1) -> (0, 0, 0)>
#map1 = affine_map<(d0, d1) -> (0)>
#map2 = affine_map<(d0, d1) -> (0, 0)>
module attributes {stable_mosaic.version = 14 : i64} {
  func.func @_deposit_body(%arg0: i32, %arg1: i32, %arg2: memref<15625x2x128xf32, #tpu.memory_space<hbm>>, %arg3: memref<2000000xf32, #tpu.memory_space<hbm>>, %arg4: memref<32x65536xf32, #tpu.memory_space<hbm>>, %arg5: memref<65536xf32, #tpu.memory_space<vmem>>, %arg6: memref<2x25x2x128xf32, #tpu.memory_space<vmem>>, %arg7: memref<2x3200xf32, #tpu.memory_space<vmem>>, %arg8: memref<!tpu.dma_semaphore, #tpu.memory_space<semaphore_mem>>, %arg9: memref<!tpu.dma_semaphore, #tpu.memory_space<semaphore_mem>>) attributes {dimension_semantics = [#tpu.dimension_semantics<core_parallel>, #tpu.dimension_semantics<subcore_parallel>], iteration_bounds = array<i64: 2, 16>, scalar_prefetch = 0 : i64, scratch_operands = 5 : i64, tpu.core_type = #tpu.core_type<sc_vector_subcore>, window_params = [{transform_indices = #map}, {transform_indices = #map1}, {transform_indices = #map2}]} {
    %mul3A = arith.constant 2 : i32
    %mul3A_0 = arith.muli %arg1, %mul3A : i32
    %add3A = arith.addi %mul3A_0, %arg0 : i32
    %broadcast_in_dim3A = arith.constant 0.000000e+00 : f32
    %broadcast_in_dim3A_1 = vector.broadcast %broadcast_in_dim3A : f32 to vector<16xf32>
    %lt3A = arith.constant 17 : i32
    %lt3A_2 = arith.cmpi slt, %add3A, %lt3A : i32
    %jit3A = arith.constant 20 : i32
    %jit3A_3 = arith.constant 19 : i32
    %select_n3A = arith.select %lt3A_2, %jit3A, %jit3A_3 : i32
    %add3A_4 = arith.constant 0 : i32
    %add3A_5 = arith.addi %add3A, %add3A_4 : i32
    %mul3A_6 = arith.constant 25 : i32
    %mul3A_7 = arith.muli %add3A_5, %mul3A_6 : i32
    %dma_start3A = arith.constant 0 : i32
    %dma_start3A_8 = arith.constant 0 : i32
    %dma_start3A_9 = arith.constant 0 : i32
    %dma_start3A_10 = arith.constant 0 : i32
    %dma_start3A_11 = tpu.memref_slice %arg6[%dma_start3A, %dma_start3A_8, %dma_start3A_9, %dma_start3A_10] : memref<2x25x2x128xf32, #tpu.memory_space<vmem>> -> memref<1x25x2x128xf32, #tpu.memory_space<vmem>>
    %dma_start3A_12 = tpu.memref_squeeze %dma_start3A_11 : memref<1x25x2x128xf32, #tpu.memory_space<vmem>> -> memref<25x2x128xf32, #tpu.memory_space<vmem>>
    %dma_start3A_13 = arith.constant 0 : i32
    %dma_start3A_14 = arith.constant 0 : i32
    %dma_start3A_15 = tpu.memref_slice %arg2[%mul3A_7, %dma_start3A_13, %dma_start3A_14] : memref<15625x2x128xf32, #tpu.memory_space<hbm>> -> memref<25x2x128xf32, #tpu.memory_space<hbm>>
    %dma_start3A_16 = arith.constant 0 : i32
    %dma_start3A_17 = arith.constant 0 : i32
    %dma_start3A_18 = arith.constant 0 : i32
    %dma_start3A_19 = tpu.memref_slice %arg6[%dma_start3A, %dma_start3A_16, %dma_start3A_17, %dma_start3A_18] : memref<2x25x2x128xf32, #tpu.memory_space<vmem>> -> memref<1x25x2x128xf32, #tpu.memory_space<vmem>>
    %dma_start3A_20 = tpu.memref_squeeze %dma_start3A_19 : memref<1x25x2x128xf32, #tpu.memory_space<vmem>> -> memref<25x2x128xf32, #tpu.memory_space<vmem>>
    %dma_start3A_21 = arith.constant 0 : i32
    %dma_start3A_22 = arith.constant 0 : i32
    %dma_start3A_23 = tpu.memref_slice %arg2[%mul3A_7, %dma_start3A_21, %dma_start3A_22] : memref<15625x2x128xf32, #tpu.memory_space<hbm>> -> memref<25x2x128xf32, #tpu.memory_space<hbm>>
    tpu.enqueue_dma source(%dma_start3A_23 : memref<25x2x128xf32, #tpu.memory_space<hbm>>) target(%dma_start3A_20 : memref<25x2x128xf32, #tpu.memory_space<vmem>>) target_semaphore(%arg8 : memref<!tpu.dma_semaphore, #tpu.memory_space<semaphore_mem>>)
    %mul3A_24 = arith.constant 3200 : i32
    %mul3A_25 = arith.muli %add3A_5, %mul3A_24 : i32
    %dma_start3A_26 = arith.constant 0 : i32
    %dma_start3A_27 = arith.constant 0 : i32
    %dma_start3A_28 = tpu.memref_slice %arg7[%dma_start3A_26, %dma_start3A_27] : memref<2x3200xf32, #tpu.memory_space<vmem>> -> memref<1x3200xf32, #tpu.memory_space<vmem>>
    %dma_start3A_29 = tpu.memref_squeeze %dma_start3A_28 : memref<1x3200xf32, #tpu.memory_space<vmem>> -> memref<3200xf32, #tpu.memory_space<vmem>>
    %dma_start3A_30 = tpu.memref_slice %arg3[%mul3A_25] : memref<2000000xf32, #tpu.memory_space<hbm>> -> memref<3200xf32, #tpu.memory_space<hbm>>
    %dma_start3A_31 = arith.constant 0 : i32
    %dma_start3A_32 = tpu.memref_slice %arg7[%dma_start3A_26, %dma_start3A_31] : memref<2x3200xf32, #tpu.memory_space<vmem>> -> memref<1x3200xf32, #tpu.memory_space<vmem>>
    %dma_start3A_33 = tpu.memref_squeeze %dma_start3A_32 : memref<1x3200xf32, #tpu.memory_space<vmem>> -> memref<3200xf32, #tpu.memory_space<vmem>>
    %dma_start3A_34 = tpu.memref_slice %arg3[%mul3A_25] : memref<2000000xf32, #tpu.memory_space<hbm>> -> memref<3200xf32, #tpu.memory_space<hbm>>
    tpu.enqueue_dma source(%dma_start3A_34 : memref<3200xf32, #tpu.memory_space<hbm>>) target(%dma_start3A_33 : memref<3200xf32, #tpu.memory_space<vmem>>) target_semaphore(%arg8 : memref<!tpu.dma_semaphore, #tpu.memory_space<semaphore_mem>>)
    %parallel_loop3A = arith.constant 0 : i32
    %parallel_loop3A_35 = arith.constant 4096 : i32
    %parallel_loop3A_36 = arith.constant 1 : i32
    scf.for %parallel_loop3A_42 = %parallel_loop3A to %parallel_loop3A_35 step %parallel_loop3A_36  : i32 {
      %parallel_loop3A_43 = arith.constant 16 : i32
      %parallel_loop3A_44 = arith.muli %parallel_loop3A_42, %parallel_loop3A_43 : i32
      %parallel_loop3A_45 = arith.index_cast %parallel_loop3A_44 : i32 to index
      %parallel_loop3A_46 = tpu.vector_load %arg5[%parallel_loop3A_45] {strides = array<i32>} : memref<65536xf32, #tpu.memory_space<vmem>>, vector<16xf32>,
      tpu.vector_store %arg5[%parallel_loop3A_45], %broadcast_in_dim3A_1 {strides = array<i32>} : memref<65536xf32, #tpu.memory_space<vmem>>, vector<16xf32>,
    } {sc.loop_unroll_factor = 8 : i64, sc.parallel_access}
    %scan3A = arith.constant 0 : i32
    %scan3A_37 = arith.constant 0 : i32
    %scan3A_38 = arith.constant 10 : i32
    %scan3A_39 = arith.addi %scan3A_37, %scan3A_38 : i32
    %scan3A_40 = arith.constant 1 : i32
    scf.for %scan3A_42 = %scan3A_37 to %scan3A_39 step %scan3A_40  : i32 {
      %mul3A_43 = arith.constant 2 : i32
      %mul3A_44 = arith.muli %scan3A_42, %mul3A_43 : i32
      %add3A_45 = arith.constant 0 : i32
      %add3A_46 = arith.addi %mul3A_44, %add3A_45 : i32
      %lt3A_47 = arith.cmpi slt, %add3A_46, %select_n3A : i32
      %convert_element_type3A = arith.extui %lt3A_47 : i1 to i32
      %cond3A = arith.constant 0 : i32
      %cond3A_48 = arith.cmpi ne, %convert_element_type3A, %cond3A : i32
      scf.if %cond3A_48 {
        %mul3A_57 = arith.constant 32 : i32
        %mul3A_58 = arith.muli %add3A_46, %mul3A_57 : i32
        %add3A_59 = arith.addi %add3A, %mul3A_58 : i32
        %mul3A_60 = arith.constant 25 : i32
        %mul3A_61 = arith.muli %add3A_59, %mul3A_60 : i32
        %dma_wait3A = arith.constant 0 : i32
        %dma_wait3A_62 = arith.constant 0 : i32
        %dma_wait3A_63 = arith.constant 0 : i32
        %dma_wait3A_64 = arith.constant 0 : i32
        %dma_wait3A_65 = tpu.memref_slice %arg6[%dma_wait3A, %dma_wait3A_62, %dma_wait3A_63, %dma_wait3A_64] : memref<2x25x2x128xf32, #tpu.memory_space<vmem>> -> memref<1x25x2x128xf32, #tpu.memory_space<vmem>>
        %dma_wait3A_66 = tpu.memref_squeeze %dma_wait3A_65 : memref<1x25x2x128xf32, #tpu.memory_space<vmem>> -> memref<25x2x128xf32, #tpu.memory_space<vmem>>
        %dma_wait3A_67 = arith.constant 0 : i32
        %dma_wait3A_68 = arith.constant 0 : i32
        %dma_wait3A_69 = tpu.memref_slice %arg2[%mul3A_61, %dma_wait3A_67, %dma_wait3A_68] : memref<15625x2x128xf32, #tpu.memory_space<hbm>> -> memref<25x2x128xf32, #tpu.memory_space<hbm>>
        %dma_wait3A_70 = arith.constant 0 : i32
        %dma_wait3A_71 = arith.constant 0 : i32
        %dma_wait3A_72 = arith.constant 0 : i32
        %dma_wait3A_73 = tpu.memref_slice %arg6[%dma_wait3A, %dma_wait3A_70, %dma_wait3A_71, %dma_wait3A_72] : memref<2x25x2x128xf32, #tpu.memory_space<vmem>> -> memref<1x25x2x128xf32, #tpu.memory_space<vmem>>
        %dma_wait3A_74 = tpu.memref_squeeze %dma_wait3A_73 : memref<1x25x2x128xf32, #tpu.memory_space<vmem>> -> memref<25x2x128xf32, #tpu.memory_space<vmem>>
        %dma_wait3A_75 = arith.constant 0 : i32
        %dma_wait3A_76 = arith.constant 0 : i32
        %dma_wait3A_77 = tpu.memref_slice %arg2[%mul3A_61, %dma_wait3A_75, %dma_wait3A_76] : memref<15625x2x128xf32, #tpu.memory_space<hbm>> -> memref<25x2x128xf32, #tpu.memory_space<hbm>>
        tpu.wait_dma2 semaphore(%arg8 : memref<!tpu.dma_semaphore, #tpu.memory_space<semaphore_mem>>) src(%dma_wait3A_77 : memref<25x2x128xf32, #tpu.memory_space<hbm>>) dst(%dma_wait3A_74 : memref<25x2x128xf32, #tpu.memory_space<vmem>>)
        %mul3A_78 = arith.constant 3200 : i32
        %mul3A_79 = arith.muli %add3A_59, %mul3A_78 : i32
        %dma_wait3A_80 = arith.constant 0 : i32
        %dma_wait3A_81 = arith.constant 0 : i32
        %dma_wait3A_82 = tpu.memref_slice %arg7[%dma_wait3A_80, %dma_wait3A_81] : memref<2x3200xf32, #tpu.memory_space<vmem>> -> memref<1x3200xf32, #tpu.memory_space<vmem>>
        %dma_wait3A_83 = tpu.memref_squeeze %dma_wait3A_82 : memref<1x3200xf32, #tpu.memory_space<vmem>> -> memref<3200xf32, #tpu.memory_space<vmem>>
        %dma_wait3A_84 = tpu.memref_slice %arg3[%mul3A_79] : memref<2000000xf32, #tpu.memory_space<hbm>> -> memref<3200xf32, #tpu.memory_space<hbm>>
        %dma_wait3A_85 = arith.constant 0 : i32
        %dma_wait3A_86 = tpu.memref_slice %arg7[%dma_wait3A_80, %dma_wait3A_85] : memref<2x3200xf32, #tpu.memory_space<vmem>> -> memref<1x3200xf32, #tpu.memory_space<vmem>>
        %dma_wait3A_87 = tpu.memref_squeeze %dma_wait3A_86 : memref<1x3200xf32, #tpu.memory_space<vmem>> -> memref<3200xf32, #tpu.memory_space<vmem>>
        %dma_wait3A_88 = tpu.memref_slice %arg3[%mul3A_79] : memref<2000000xf32, #tpu.memory_space<hbm>> -> memref<3200xf32, #tpu.memory_space<hbm>>
        tpu.wait_dma2 semaphore(%arg8 : memref<!tpu.dma_semaphore, #tpu.memory_space<semaphore_mem>>) src(%dma_wait3A_88 : memref<3200xf32, #tpu.memory_space<hbm>>) dst(%dma_wait3A_87 : memref<3200xf32, #tpu.memory_space<vmem>>)
        %add3A_89 = arith.constant 1 : i32
        %add3A_90 = arith.addi %add3A_46, %add3A_89 : i32
        %lt3A_91 = arith.cmpi slt, %add3A_90, %select_n3A : i32
        %convert_element_type3A_92 = arith.extui %lt3A_91 : i1 to i32
        %cond3A_93 = arith.constant 0 : i32
        %cond3A_94 = arith.cmpi ne, %convert_element_type3A_92, %cond3A_93 : i32
        scf.if %cond3A_94 {
          %add3A_98 = arith.constant 1 : i32
          %add3A_99 = arith.addi %add3A_46, %add3A_98 : i32
          %mul3A_100 = arith.constant 32 : i32
          %mul3A_101 = arith.muli %add3A_99, %mul3A_100 : i32
          %add3A_102 = arith.addi %add3A, %mul3A_101 : i32
          %mul3A_103 = arith.constant 25 : i32
          %mul3A_104 = arith.muli %add3A_102, %mul3A_103 : i32
          %dma_start3A_105 = arith.constant 1 : i32
          %dma_start3A_106 = arith.constant 0 : i32
          %dma_start3A_107 = arith.constant 0 : i32
          %dma_start3A_108 = arith.constant 0 : i32
          %dma_start3A_109 = tpu.memref_slice %arg6[%dma_start3A_105, %dma_start3A_106, %dma_start3A_107, %dma_start3A_108] : memref<2x25x2x128xf32, #tpu.memory_space<vmem>> -> memref<1x25x2x128xf32, #tpu.memory_space<vmem>>
          %dma_start3A_110 = tpu.memref_squeeze %dma_start3A_109 : memref<1x25x2x128xf32, #tpu.memory_space<vmem>> -> memref<25x2x128xf32, #tpu.memory_space<vmem>>
          %dma_start3A_111 = arith.constant 0 : i32
          %dma_start3A_112 = arith.constant 0 : i32
          %dma_start3A_113 = tpu.memref_slice %arg2[%mul3A_104, %dma_start3A_111, %dma_start3A_112] : memref<15625x2x128xf32, #tpu.memory_space<hbm>> -> memref<25x2x128xf32, #tpu.memory_space<hbm>>
          %dma_start3A_114 = arith.constant 0 : i32
          %dma_start3A_115 = arith.constant 0 : i32
          %dma_start3A_116 = arith.constant 0 : i32
          %dma_start3A_117 = tpu.memref_slice %arg6[%dma_start3A_105, %dma_start3A_114, %dma_start3A_115, %dma_start3A_116] : memref<2x25x2x128xf32, #tpu.memory_space<vmem>> -> memref<1x25x2x128xf32, #tpu.memory_space<vmem>>
          %dma_start3A_118 = tpu.memref_squeeze %dma_start3A_117 : memref<1x25x2x128xf32, #tpu.memory_space<vmem>> -> memref<25x2x128xf32, #tpu.memory_space<vmem>>
          %dma_start3A_119 = arith.constant 0 : i32
          %dma_start3A_120 = arith.constant 0 : i32
          %dma_start3A_121 = tpu.memref_slice %arg2[%mul3A_104, %dma_start3A_119, %dma_start3A_120] : memref<15625x2x128xf32, #tpu.memory_space<hbm>> -> memref<25x2x128xf32, #tpu.memory_space<hbm>>
          tpu.enqueue_dma source(%dma_start3A_121 : memref<25x2x128xf32, #tpu.memory_space<hbm>>) target(%dma_start3A_118 : memref<25x2x128xf32, #tpu.memory_space<vmem>>) target_semaphore(%arg9 : memref<!tpu.dma_semaphore, #tpu.memory_space<semaphore_mem>>)
          %mul3A_122 = arith.constant 3200 : i32
          %mul3A_123 = arith.muli %add3A_102, %mul3A_122 : i32
          %dma_start3A_124 = arith.constant 1 : i32
          %dma_start3A_125 = arith.constant 0 : i32
          %dma_start3A_126 = tpu.memref_slice %arg7[%dma_start3A_124, %dma_start3A_125] : memref<2x3200xf32, #tpu.memory_space<vmem>> -> memref<1x3200xf32, #tpu.memory_space<vmem>>
          %dma_start3A_127 = tpu.memref_squeeze %dma_start3A_126 : memref<1x3200xf32, #tpu.memory_space<vmem>> -> memref<3200xf32, #tpu.memory_space<vmem>>
          %dma_start3A_128 = tpu.memref_slice %arg3[%mul3A_123] : memref<2000000xf32, #tpu.memory_space<hbm>> -> memref<3200xf32, #tpu.memory_space<hbm>>
          %dma_start3A_129 = arith.constant 0 : i32
          %dma_start3A_130 = tpu.memref_slice %arg7[%dma_start3A_124, %dma_start3A_129] : memref<2x3200xf32, #tpu.memory_space<vmem>> -> memref<1x3200xf32, #tpu.memory_space<vmem>>
          %dma_start3A_131 = tpu.memref_squeeze %dma_start3A_130 : memref<1x3200xf32, #tpu.memory_space<vmem>> -> memref<3200xf32, #tpu.memory_space<vmem>>
          %dma_start3A_132 = tpu.memref_slice %arg3[%mul3A_123] : memref<2000000xf32, #tpu.memory_space<hbm>> -> memref<3200xf32, #tpu.memory_space<hbm>>
          tpu.enqueue_dma source(%dma_start3A_132 : memref<3200xf32, #tpu.memory_space<hbm>>) target(%dma_start3A_131 : memref<3200xf32, #tpu.memory_space<vmem>>) target_semaphore(%arg9 : memref<!tpu.dma_semaphore, #tpu.memory_space<semaphore_mem>>)
        } else {
        }
        %parallel_loop3A_95 = arith.constant 0 : i32
        %parallel_loop3A_96 = arith.constant 25 : i32
        %parallel_loop3A_97 = arith.constant 1 : i32
        scf.for %parallel_loop3A_98 = %parallel_loop3A_95 to %parallel_loop3A_96 step %parallel_loop3A_97  : i32 {
          %parallel_loop3A_99 = arith.constant 0 : i32
          %parallel_loop3A_100 = arith.constant 0 : i32
          %parallel_loop3A_101 = arith.index_cast %parallel_loop3A_99 : i32 to index
          %parallel_loop3A_102 = arith.index_cast %parallel_loop3A_98 : i32 to index
          %parallel_loop3A_103 = arith.index_cast %parallel_loop3A_100 : i32 to index
          %parallel_loop3A_104 = arith.constant 0 : index
          %parallel_loop3A_105 = tpu.vector_load %arg6[%parallel_loop3A_101, %parallel_loop3A_102, %parallel_loop3A_103, %parallel_loop3A_104] {strides = array<i32>} : memref<2x25x2x128xf32, #tpu.memory_space<vmem>>, vector<16xf32>,
          %parallel_loop3A_106 = arith.constant 0 : i32
          %parallel_loop3A_107 = arith.constant 1 : i32
          %parallel_loop3A_108 = arith.index_cast %parallel_loop3A_106 : i32 to index
          %parallel_loop3A_109 = arith.index_cast %parallel_loop3A_98 : i32 to index
          %parallel_loop3A_110 = arith.index_cast %parallel_loop3A_107 : i32 to index
          %parallel_loop3A_111 = arith.constant 0 : index
          %parallel_loop3A_112 = tpu.vector_load %arg6[%parallel_loop3A_108, %parallel_loop3A_109, %parallel_loop3A_110, %parallel_loop3A_111] {strides = array<i32>} : memref<2x25x2x128xf32, #tpu.memory_space<vmem>>, vector<16xf32>,
          %parallel_loop3A_113 = arith.constant 128 : i32
          %parallel_loop3A_114 = arith.muli %parallel_loop3A_98, %parallel_loop3A_113 : i32
          %parallel_loop3A_115 = arith.constant 0 : i32
          %parallel_loop3A_116 = arith.addi %parallel_loop3A_114, %parallel_loop3A_115 : i32
          %parallel_loop3A_117 = arith.constant 0 : i32
          %parallel_loop3A_118 = arith.index_cast %parallel_loop3A_117 : i32 to index
          %parallel_loop3A_119 = arith.index_cast %parallel_loop3A_116 : i32 to index
          %parallel_loop3A_120 = tpu.vector_load %arg7[%parallel_loop3A_118, %parallel_loop3A_119] {strides = array<i32>} : memref<2x3200xf32, #tpu.memory_space<vmem>>, vector<16xf32>,
          %parallel_loop3A_121 = arith.fptosi %parallel_loop3A_105 : vector<16xf32> to vector<16xi32>
          %parallel_loop3A_122 = arith.fptosi %parallel_loop3A_112 : vector<16xf32> to vector<16xi32>
          %parallel_loop3A_123 = arith.sitofp %parallel_loop3A_121 : vector<16xi32> to vector<16xf32>
          %parallel_loop3A_124 = arith.subf %parallel_loop3A_105, %parallel_loop3A_123 : vector<16xf32>
          %parallel_loop3A_125 = arith.sitofp %parallel_loop3A_122 : vector<16xi32> to vector<16xf32>
          %parallel_loop3A_126 = arith.subf %parallel_loop3A_112, %parallel_loop3A_125 : vector<16xf32>
          %parallel_loop3A_127 = vector.bitcast %parallel_loop3A_121 : vector<16xi32> to vector<16xi32>
          %parallel_loop3A_128 = arith.constant 254 : i32
          %parallel_loop3A_129 = vector.broadcast %parallel_loop3A_128 : i32 to vector<16xi32>
          %parallel_loop3A_130 = arith.minui %parallel_loop3A_127, %parallel_loop3A_129 : vector<16xi32>
          %parallel_loop3A_131 = vector.bitcast %parallel_loop3A_130 : vector<16xi32> to vector<16xi32>
          %parallel_loop3A_132 = vector.bitcast %parallel_loop3A_122 : vector<16xi32> to vector<16xi32>
          %parallel_loop3A_133 = arith.constant 254 : i32
          %parallel_loop3A_134 = vector.broadcast %parallel_loop3A_133 : i32 to vector<16xi32>
          %parallel_loop3A_135 = arith.minui %parallel_loop3A_132, %parallel_loop3A_134 : vector<16xi32>
          %parallel_loop3A_136 = vector.bitcast %parallel_loop3A_135 : vector<16xi32> to vector<16xi32>
          %parallel_loop3A_137 = arith.constant 8 : i32
          %parallel_loop3A_138 = vector.broadcast %parallel_loop3A_137 : i32 to vector<16xi32>
          %parallel_loop3A_139 = arith.shli %parallel_loop3A_131, %parallel_loop3A_138 : vector<16xi32>
          %parallel_loop3A_140 = arith.addi %parallel_loop3A_139, %parallel_loop3A_136 : vector<16xi32>
          %parallel_loop3A_141 = arith.constant 1 : i32
          %parallel_loop3A_142 = vector.broadcast %parallel_loop3A_141 : i32 to vector<16xi32>
          %parallel_loop3A_143 = arith.addi %parallel_loop3A_140, %parallel_loop3A_142 : vector<16xi32>
          %parallel_loop3A_144 = arith.constant 256 : i32
          %parallel_loop3A_145 = vector.broadcast %parallel_loop3A_144 : i32 to vector<16xi32>
          %parallel_loop3A_146 = arith.addi %parallel_loop3A_140, %parallel_loop3A_145 : vector<16xi32>
          %parallel_loop3A_147 = arith.constant 257 : i32
          %parallel_loop3A_148 = vector.broadcast %parallel_loop3A_147 : i32 to vector<16xi32>
          %parallel_loop3A_149 = arith.addi %parallel_loop3A_140, %parallel_loop3A_148 : vector<16xi32>
          %parallel_loop3A_150 = arith.constant 1.000000e+00 : f32
          %parallel_loop3A_151 = vector.broadcast %parallel_loop3A_150 : f32 to vector<16xf32>
          %parallel_loop3A_152 = arith.subf %parallel_loop3A_151, %parallel_loop3A_124 : vector<16xf32>
          %parallel_loop3A_153 = arith.constant 1.000000e+00 : f32
          %parallel_loop3A_154 = vector.broadcast %parallel_loop3A_153 : f32 to vector<16xf32>
          %parallel_loop3A_155 = arith.subf %parallel_loop3A_154, %parallel_loop3A_126 : vector<16xf32>
          %parallel_loop3A_156 = arith.mulf %parallel_loop3A_152, %parallel_loop3A_120 : vector<16xf32>
          %parallel_loop3A_157 = arith.mulf %parallel_loop3A_124, %parallel_loop3A_120 : vector<16xf32>
          %parallel_loop3A_158 = arith.mulf %parallel_loop3A_156, %parallel_loop3A_155 : vector<16xf32>
          tpu.vector_store_idx %arg5[%parallel_loop3A_140], %parallel_loop3A_158 {add = true} : memref<65536xf32, #tpu.memory_space<vmem>>[vector<16xi32>], vector<16xf32>,
          %parallel_loop3A_159 = arith.mulf %parallel_loop3A_157, %parallel_loop3A_155 : vector<16xf32>
          tpu.vector_store_idx %arg5[%parallel_loop3A_146], %parallel_loop3A_159 {add = true} : memref<65536xf32, #tpu.memory_space<vmem>>[vector<16xi32>], vector<16xf32>,
          %parallel_loop3A_160 = arith.mulf %parallel_loop3A_156, %parallel_loop3A_126 : vector<16xf32>
          tpu.vector_store_idx %arg5[%parallel_loop3A_143], %parallel_loop3A_160 {add = true} : memref<65536xf32, #tpu.memory_space<vmem>>[vector<16xi32>], vector<16xf32>,
          %parallel_loop3A_161 = arith.mulf %parallel_loop3A_157, %parallel_loop3A_126 : vector<16xf32>
          tpu.vector_store_idx %arg5[%parallel_loop3A_149], %parallel_loop3A_161 {add = true} : memref<65536xf32, #tpu.memory_space<vmem>>[vector<16xi32>], vector<16xf32>,
          %parallel_loop3A_162 = arith.constant 0 : i32
          %parallel_loop3A_163 = arith.constant 0 : i32
          %parallel_loop3A_164 = arith.index_cast %parallel_loop3A_162 : i32 to index
          %parallel_loop3A_165 = arith.index_cast %parallel_loop3A_98 : i32 to index
          %parallel_loop3A_166 = arith.index_cast %parallel_loop3A_163 : i32 to index
          %parallel_loop3A_167 = arith.constant 16 : index
          %parallel_loop3A_168 = tpu.vector_load %arg6[%parallel_loop3A_164, %parallel_loop3A_165, %parallel_loop3A_166, %parallel_loop3A_167] {strides = array<i32>} : memref<2x25x2x128xf32, #tpu.memory_space<vmem>>, vector<16xf32>,
          %parallel_loop3A_169 = arith.constant 0 : i32
          %parallel_loop3A_170 = arith.constant 1 : i32
          %parallel_loop3A_171 = arith.index_cast %parallel_loop3A_169 : i32 to index
          %parallel_loop3A_172 = arith.index_cast %parallel_loop3A_98 : i32 to index
          %parallel_loop3A_173 = arith.index_cast %parallel_loop3A_170 : i32 to index
          %parallel_loop3A_174 = arith.constant 16 : index
          %parallel_loop3A_175 = tpu.vector_load %arg6[%parallel_loop3A_171, %parallel_loop3A_172, %parallel_loop3A_173, %parallel_loop3A_174] {strides = array<i32>} : memref<2x25x2x128xf32, #tpu.memory_space<vmem>>, vector<16xf32>,
          %parallel_loop3A_176 = arith.constant 128 : i32
          %parallel_loop3A_177 = arith.muli %parallel_loop3A_98, %parallel_loop3A_176 : i32
          %parallel_loop3A_178 = arith.constant 16 : i32
          %parallel_loop3A_179 = arith.addi %parallel_loop3A_177, %parallel_loop3A_178 : i32
          %parallel_loop3A_180 = arith.constant 0 : i32
          %parallel_loop3A_181 = arith.index_cast %parallel_loop3A_180 : i32 to index
          %parallel_loop3A_182 = arith.index_cast %parallel_loop3A_179 : i32 to index
          %parallel_loop3A_183 = tpu.vector_load %arg7[%parallel_loop3A_181, %parallel_loop3A_182] {strides = array<i32>} : memref<2x3200xf32, #tpu.memory_space<vmem>>, vector<16xf32>,
          %parallel_loop3A_184 = arith.fptosi %parallel_loop3A_168 : vector<16xf32> to vector<16xi32>
          %parallel_loop3A_185 = arith.fptosi %parallel_loop3A_175 : vector<16xf32> to vector<16xi32>
          %parallel_loop3A_186 = arith.sitofp %parallel_loop3A_184 : vector<16xi32> to vector<16xf32>
          %parallel_loop3A_187 = arith.subf %parallel_loop3A_168, %parallel_loop3A_186 : vector<16xf32>
          %parallel_loop3A_188 = arith.sitofp %parallel_loop3A_185 : vector<16xi32> to vector<16xf32>
          %parallel_loop3A_189 = arith.subf %parallel_loop3A_175, %parallel_loop3A_188 : vector<16xf32>
          %parallel_loop3A_190 = vector.bitcast %parallel_loop3A_184 : vector<16xi32> to vector<16xi32>
          %parallel_loop3A_191 = arith.constant 254 : i32
          %parallel_loop3A_192 = vector.broadcast %parallel_loop3A_191 : i32 to vector<16xi32>
          %parallel_loop3A_193 = arith.minui %parallel_loop3A_190, %parallel_loop3A_192 : vector<16xi32>
          %parallel_loop3A_194 = vector.bitcast %parallel_loop3A_193 : vector<16xi32> to vector<16xi32>
          %parallel_loop3A_195 = vector.bitcast %parallel_loop3A_185 : vector<16xi32> to vector<16xi32>
          %parallel_loop3A_196 = arith.constant 254 : i32
          %parallel_loop3A_197 = vector.broadcast %parallel_loop3A_196 : i32 to vector<16xi32>
          %parallel_loop3A_198 = arith.minui %parallel_loop3A_195, %parallel_loop3A_197 : vector<16xi32>
          %parallel_loop3A_199 = vector.bitcast %parallel_loop3A_198 : vector<16xi32> to vector<16xi32>
          %parallel_loop3A_200 = arith.constant 8 : i32
          %parallel_loop3A_201 = vector.broadcast %parallel_loop3A_200 : i32 to vector<16xi32>
          %parallel_loop3A_202 = arith.shli %parallel_loop3A_194, %parallel_loop3A_201 : vector<16xi32>
          %parallel_loop3A_203 = arith.addi %parallel_loop3A_202, %parallel_loop3A_199 : vector<16xi32>
          %parallel_loop3A_204 = arith.constant 1 : i32
          %parallel_loop3A_205 = vector.broadcast %parallel_loop3A_204 : i32 to vector<16xi32>
          %parallel_loop3A_206 = arith.addi %parallel_loop3A_203, %parallel_loop3A_205 : vector<16xi32>
          %parallel_loop3A_207 = arith.constant 256 : i32
          %parallel_loop3A_208 = vector.broadcast %parallel_loop3A_207 : i32 to vector<16xi32>
          %parallel_loop3A_209 = arith.addi %parallel_loop3A_203, %parallel_loop3A_208 : vector<16xi32>
          %parallel_loop3A_210 = arith.constant 257 : i32
          %parallel_loop3A_211 = vector.broadcast %parallel_loop3A_210 : i32 to vector<16xi32>
          %parallel_loop3A_212 = arith.addi %parallel_loop3A_203, %parallel_loop3A_211 : vector<16xi32>
          %parallel_loop3A_213 = arith.constant 1.000000e+00 : f32
          %parallel_loop3A_214 = vector.broadcast %parallel_loop3A_213 : f32 to vector<16xf32>
          %parallel_loop3A_215 = arith.subf %parallel_loop3A_214, %parallel_loop3A_187 : vector<16xf32>
          %parallel_loop3A_216 = arith.constant 1.000000e+00 : f32
          %parallel_loop3A_217 = vector.broadcast %parallel_loop3A_216 : f32 to vector<16xf32>
          %parallel_loop3A_218 = arith.subf %parallel_loop3A_217, %parallel_loop3A_189 : vector<16xf32>
          %parallel_loop3A_219 = arith.mulf %parallel_loop3A_215, %parallel_loop3A_183 : vector<16xf32>
          %parallel_loop3A_220 = arith.mulf %parallel_loop3A_187, %parallel_loop3A_183 : vector<16xf32>
          %parallel_loop3A_221 = arith.mulf %parallel_loop3A_219, %parallel_loop3A_218 : vector<16xf32>
          tpu.vector_store_idx %arg5[%parallel_loop3A_203], %parallel_loop3A_221 {add = true} : memref<65536xf32, #tpu.memory_space<vmem>>[vector<16xi32>], vector<16xf32>,
          %parallel_loop3A_222 = arith.mulf %parallel_loop3A_220, %parallel_loop3A_218 : vector<16xf32>
          tpu.vector_store_idx %arg5[%parallel_loop3A_209], %parallel_loop3A_222 {add = true} : memref<65536xf32, #tpu.memory_space<vmem>>[vector<16xi32>], vector<16xf32>,
          %parallel_loop3A_223 = arith.mulf %parallel_loop3A_219, %parallel_loop3A_189 : vector<16xf32>
          tpu.vector_store_idx %arg5[%parallel_loop3A_206], %parallel_loop3A_223 {add = true} : memref<65536xf32, #tpu.memory_space<vmem>>[vector<16xi32>], vector<16xf32>,
          %parallel_loop3A_224 = arith.mulf %parallel_loop3A_220, %parallel_loop3A_189 : vector<16xf32>
          tpu.vector_store_idx %arg5[%parallel_loop3A_212], %parallel_loop3A_224 {add = true} : memref<65536xf32, #tpu.memory_space<vmem>>[vector<16xi32>], vector<16xf32>,
          %parallel_loop3A_225 = arith.constant 0 : i32
          %parallel_loop3A_226 = arith.constant 0 : i32
          %parallel_loop3A_227 = arith.index_cast %parallel_loop3A_225 : i32 to index
          %parallel_loop3A_228 = arith.index_cast %parallel_loop3A_98 : i32 to index
          %parallel_loop3A_229 = arith.index_cast %parallel_loop3A_226 : i32 to index
          %parallel_loop3A_230 = arith.constant 32 : index
          %parallel_loop3A_231 = tpu.vector_load %arg6[%parallel_loop3A_227, %parallel_loop3A_228, %parallel_loop3A_229, %parallel_loop3A_230] {strides = array<i32>} : memref<2x25x2x128xf32, #tpu.memory_space<vmem>>, vector<16xf32>,
          %parallel_loop3A_232 = arith.constant 0 : i32
          %parallel_loop3A_233 = arith.constant 1 : i32
          %parallel_loop3A_234 = arith.index_cast %parallel_loop3A_232 : i32 to index
          %parallel_loop3A_235 = arith.index_cast %parallel_loop3A_98 : i32 to index
          %parallel_loop3A_236 = arith.index_cast %parallel_loop3A_233 : i32 to index
          %parallel_loop3A_237 = arith.constant 32 : index
          %parallel_loop3A_238 = tpu.vector_load %arg6[%parallel_loop3A_234, %parallel_loop3A_235, %parallel_loop3A_236, %parallel_loop3A_237] {strides = array<i32>} : memref<2x25x2x128xf32, #tpu.memory_space<vmem>>, vector<16xf32>,
          %parallel_loop3A_239 = arith.constant 128 : i32
          %parallel_loop3A_240 = arith.muli %parallel_loop3A_98, %parallel_loop3A_239 : i32
          %parallel_loop3A_241 = arith.constant 32 : i32
          %parallel_loop3A_242 = arith.addi %parallel_loop3A_240, %parallel_loop3A_241 : i32
          %parallel_loop3A_243 = arith.constant 0 : i32
          %parallel_loop3A_244 = arith.index_cast %parallel_loop3A_243 : i32 to index
          %parallel_loop3A_245 = arith.index_cast %parallel_loop3A_242 : i32 to index
          %parallel_loop3A_246 = tpu.vector_load %arg7[%parallel_loop3A_244, %parallel_loop3A_245] {strides = array<i32>} : memref<2x3200xf32, #tpu.memory_space<vmem>>, vector<16xf32>,
          %parallel_loop3A_247 = arith.fptosi %parallel_loop3A_231 : vector<16xf32> to vector<16xi32>
          %parallel_loop3A_248 = arith.fptosi %parallel_loop3A_238 : vector<16xf32> to vector<16xi32>
          %parallel_loop3A_249 = arith.sitofp %parallel_loop3A_247 : vector<16xi32> to vector<16xf32>
          %parallel_loop3A_250 = arith.subf %parallel_loop3A_231, %parallel_loop3A_249 : vector<16xf32>
          %parallel_loop3A_251 = arith.sitofp %parallel_loop3A_248 : vector<16xi32> to vector<16xf32>
          %parallel_loop3A_252 = arith.subf %parallel_loop3A_238, %parallel_loop3A_251 : vector<16xf32>
          %parallel_loop3A_253 = vector.bitcast %parallel_loop3A_247 : vector<16xi32> to vector<16xi32>
          %parallel_loop3A_254 = arith.constant 254 : i32
          %parallel_loop3A_255 = vector.broadcast %parallel_loop3A_254 : i32 to vector<16xi32>
          %parallel_loop3A_256 = arith.minui %parallel_loop3A_253, %parallel_loop3A_255 : vector<16xi32>
          %parallel_loop3A_257 = vector.bitcast %parallel_loop3A_256 : vector<16xi32> to vector<16xi32>
          %parallel_loop3A_258 = vector.bitcast %parallel_loop3A_248 : vector<16xi32> to vector<16xi32>
          %parallel_loop3A_259 = arith.constant 254 : i32
          %parallel_loop3A_260 = vector.broadcast %parallel_loop3A_259 : i32 to vector<16xi32>
          %parallel_loop3A_261 = arith.minui %parallel_loop3A_258, %parallel_loop3A_260 : vector<16xi32>
          %parallel_loop3A_262 = vector.bitcast %parallel_loop3A_261 : vector<16xi32> to vector<16xi32>
          %parallel_loop3A_263 = arith.constant 8 : i32
          %parallel_loop3A_264 = vector.broadcast %parallel_loop3A_263 : i32 to vector<16xi32>
          %parallel_loop3A_265 = arith.shli %parallel_loop3A_257, %parallel_loop3A_264 : vector<16xi32>
          %parallel_loop3A_266 = arith.addi %parallel_loop3A_265, %parallel_loop3A_262 : vector<16xi32>
          %parallel_loop3A_267 = arith.constant 1 : i32
          %parallel_loop3A_268 = vector.broadcast %parallel_loop3A_267 : i32 to vector<16xi32>
          %parallel_loop3A_269 = arith.addi %parallel_loop3A_266, %parallel_loop3A_268 : vector<16xi32>
          %parallel_loop3A_270 = arith.constant 256 : i32
          %parallel_loop3A_271 = vector.broadcast %parallel_loop3A_270 : i32 to vector<16xi32>
          %parallel_loop3A_272 = arith.addi %parallel_loop3A_266, %parallel_loop3A_271 : vector<16xi32>
          %parallel_loop3A_273 = arith.constant 257 : i32
          %parallel_loop3A_274 = vector.broadcast %parallel_loop3A_273 : i32 to vector<16xi32>
          %parallel_loop3A_275 = arith.addi %parallel_loop3A_266, %parallel_loop3A_274 : vector<16xi32>
          %parallel_loop3A_276 = arith.constant 1.000000e+00 : f32
          %parallel_loop3A_277 = vector.broadcast %parallel_loop3A_276 : f32 to vector<16xf32>
          %parallel_loop3A_278 = arith.subf %parallel_loop3A_277, %parallel_loop3A_250 : vector<16xf32>
          %parallel_loop3A_279 = arith.constant 1.000000e+00 : f32
          %parallel_loop3A_280 = vector.broadcast %parallel_loop3A_279 : f32 to vector<16xf32>
          %parallel_loop3A_281 = arith.subf %parallel_loop3A_280, %parallel_loop3A_252 : vector<16xf32>
          %parallel_loop3A_282 = arith.mulf %parallel_loop3A_278, %parallel_loop3A_246 : vector<16xf32>
          %parallel_loop3A_283 = arith.mulf %parallel_loop3A_250, %parallel_loop3A_246 : vector<16xf32>
          %parallel_loop3A_284 = arith.mulf %parallel_loop3A_282, %parallel_loop3A_281 : vector<16xf32>
          tpu.vector_store_idx %arg5[%parallel_loop3A_266], %parallel_loop3A_284 {add = true} : memref<65536xf32, #tpu.memory_space<vmem>>[vector<16xi32>], vector<16xf32>,
          %parallel_loop3A_285 = arith.mulf %parallel_loop3A_283, %parallel_loop3A_281 : vector<16xf32>
          tpu.vector_store_idx %arg5[%parallel_loop3A_272], %parallel_loop3A_285 {add = true} : memref<65536xf32, #tpu.memory_space<vmem>>[vector<16xi32>], vector<16xf32>,
          %parallel_loop3A_286 = arith.mulf %parallel_loop3A_282, %parallel_loop3A_252 : vector<16xf32>
          tpu.vector_store_idx %arg5[%parallel_loop3A_269], %parallel_loop3A_286 {add = true} : memref<65536xf32, #tpu.memory_space<vmem>>[vector<16xi32>], vector<16xf32>,
          %parallel_loop3A_287 = arith.mulf %parallel_loop3A_283, %parallel_loop3A_252 : vector<16xf32>
          tpu.vector_store_idx %arg5[%parallel_loop3A_275], %parallel_loop3A_287 {add = true} : memref<65536xf32, #tpu.memory_space<vmem>>[vector<16xi32>], vector<16xf32>,
          %parallel_loop3A_288 = arith.constant 0 : i32
          %parallel_loop3A_289 = arith.constant 0 : i32
          %parallel_loop3A_290 = arith.index_cast %parallel_loop3A_288 : i32 to index
          %parallel_loop3A_291 = arith.index_cast %parallel_loop3A_98 : i32 to index
          %parallel_loop3A_292 = arith.index_cast %parallel_loop3A_289 : i32 to index
          %parallel_loop3A_293 = arith.constant 48 : index
          %parallel_loop3A_294 = tpu.vector_load %arg6[%parallel_loop3A_290, %parallel_loop3A_291, %parallel_loop3A_292, %parallel_loop3A_293] {strides = array<i32>} : memref<2x25x2x128xf32, #tpu.memory_space<vmem>>, vector<16xf32>,
          %parallel_loop3A_295 = arith.constant 0 : i32
          %parallel_loop3A_296 = arith.constant 1 : i32
          %parallel_loop3A_297 = arith.index_cast %parallel_loop3A_295 : i32 to index
          %parallel_loop3A_298 = arith.index_cast %parallel_loop3A_98 : i32 to index
          %parallel_loop3A_299 = arith.index_cast %parallel_loop3A_296 : i32 to index
          %parallel_loop3A_300 = arith.constant 48 : index
          %parallel_loop3A_301 = tpu.vector_load %arg6[%parallel_loop3A_297, %parallel_loop3A_298, %parallel_loop3A_299, %parallel_loop3A_300] {strides = array<i32>} : memref<2x25x2x128xf32, #tpu.memory_space<vmem>>, vector<16xf32>,
          %parallel_loop3A_302 = arith.constant 128 : i32
          %parallel_loop3A_303 = arith.muli %parallel_loop3A_98, %parallel_loop3A_302 : i32
          %parallel_loop3A_304 = arith.constant 48 : i32
          %parallel_loop3A_305 = arith.addi %parallel_loop3A_303, %parallel_loop3A_304 : i32
          %parallel_loop3A_306 = arith.constant 0 : i32
          %parallel_loop3A_307 = arith.index_cast %parallel_loop3A_306 : i32 to index
          %parallel_loop3A_308 = arith.index_cast %parallel_loop3A_305 : i32 to index
          %parallel_loop3A_309 = tpu.vector_load %arg7[%parallel_loop3A_307, %parallel_loop3A_308] {strides = array<i32>} : memref<2x3200xf32, #tpu.memory_space<vmem>>, vector<16xf32>,
          %parallel_loop3A_310 = arith.fptosi %parallel_loop3A_294 : vector<16xf32> to vector<16xi32>
          %parallel_loop3A_311 = arith.fptosi %parallel_loop3A_301 : vector<16xf32> to vector<16xi32>
          %parallel_loop3A_312 = arith.sitofp %parallel_loop3A_310 : vector<16xi32> to vector<16xf32>
          %parallel_loop3A_313 = arith.subf %parallel_loop3A_294, %parallel_loop3A_312 : vector<16xf32>
          %parallel_loop3A_314 = arith.sitofp %parallel_loop3A_311 : vector<16xi32> to vector<16xf32>
          %parallel_loop3A_315 = arith.subf %parallel_loop3A_301, %parallel_loop3A_314 : vector<16xf32>
          %parallel_loop3A_316 = vector.bitcast %parallel_loop3A_310 : vector<16xi32> to vector<16xi32>
          %parallel_loop3A_317 = arith.constant 254 : i32
          %parallel_loop3A_318 = vector.broadcast %parallel_loop3A_317 : i32 to vector<16xi32>
          %parallel_loop3A_319 = arith.minui %parallel_loop3A_316, %parallel_loop3A_318 : vector<16xi32>
          %parallel_loop3A_320 = vector.bitcast %parallel_loop3A_319 : vector<16xi32> to vector<16xi32>
          %parallel_loop3A_321 = vector.bitcast %parallel_loop3A_311 : vector<16xi32> to vector<16xi32>
          %parallel_loop3A_322 = arith.constant 254 : i32
          %parallel_loop3A_323 = vector.broadcast %parallel_loop3A_322 : i32 to vector<16xi32>
          %parallel_loop3A_324 = arith.minui %parallel_loop3A_321, %parallel_loop3A_323 : vector<16xi32>
          %parallel_loop3A_325 = vector.bitcast %parallel_loop3A_324 : vector<16xi32> to vector<16xi32>
          %parallel_loop3A_326 = arith.constant 8 : i32
          %parallel_loop3A_327 = vector.broadcast %parallel_loop3A_326 : i32 to vector<16xi32>
          %parallel_loop3A_328 = arith.shli %parallel_loop3A_320, %parallel_loop3A_327 : vector<16xi32>
          %parallel_loop3A_329 = arith.addi %parallel_loop3A_328, %parallel_loop3A_325 : vector<16xi32>
          %parallel_loop3A_330 = arith.constant 1 : i32
          %parallel_loop3A_331 = vector.broadcast %parallel_loop3A_330 : i32 to vector<16xi32>
          %parallel_loop3A_332 = arith.addi %parallel_loop3A_329, %parallel_loop3A_331 : vector<16xi32>
          %parallel_loop3A_333 = arith.constant 256 : i32
          %parallel_loop3A_334 = vector.broadcast %parallel_loop3A_333 : i32 to vector<16xi32>
          %parallel_loop3A_335 = arith.addi %parallel_loop3A_329, %parallel_loop3A_334 : vector<16xi32>
          %parallel_loop3A_336 = arith.constant 257 : i32
          %parallel_loop3A_337 = vector.broadcast %parallel_loop3A_336 : i32 to vector<16xi32>
          %parallel_loop3A_338 = arith.addi %parallel_loop3A_329, %parallel_loop3A_337 : vector<16xi32>
          %parallel_loop3A_339 = arith.constant 1.000000e+00 : f32
          %parallel_loop3A_340 = vector.broadcast %parallel_loop3A_339 : f32 to vector<16xf32>
          %parallel_loop3A_341 = arith.subf %parallel_loop3A_340, %parallel_loop3A_313 : vector<16xf32>
          %parallel_loop3A_342 = arith.constant 1.000000e+00 : f32
          %parallel_loop3A_343 = vector.broadcast %parallel_loop3A_342 : f32 to vector<16xf32>
          %parallel_loop3A_344 = arith.subf %parallel_loop3A_343, %parallel_loop3A_315 : vector<16xf32>
          %parallel_loop3A_345 = arith.mulf %parallel_loop3A_341, %parallel_loop3A_309 : vector<16xf32>
          %parallel_loop3A_346 = arith.mulf %parallel_loop3A_313, %parallel_loop3A_309 : vector<16xf32>
          %parallel_loop3A_347 = arith.mulf %parallel_loop3A_345, %parallel_loop3A_344 : vector<16xf32>
          tpu.vector_store_idx %arg5[%parallel_loop3A_329], %parallel_loop3A_347 {add = true} : memref<65536xf32, #tpu.memory_space<vmem>>[vector<16xi32>], vector<16xf32>,
          %parallel_loop3A_348 = arith.mulf %parallel_loop3A_346, %parallel_loop3A_344 : vector<16xf32>
          tpu.vector_store_idx %arg5[%parallel_loop3A_335], %parallel_loop3A_348 {add = true} : memref<65536xf32, #tpu.memory_space<vmem>>[vector<16xi32>], vector<16xf32>,
          %parallel_loop3A_349 = arith.mulf %parallel_loop3A_345, %parallel_loop3A_315 : vector<16xf32>
          tpu.vector_store_idx %arg5[%parallel_loop3A_332], %parallel_loop3A_349 {add = true} : memref<65536xf32, #tpu.memory_space<vmem>>[vector<16xi32>], vector<16xf32>,
          %parallel_loop3A_350 = arith.mulf %parallel_loop3A_346, %parallel_loop3A_315 : vector<16xf32>
          tpu.vector_store_idx %arg5[%parallel_loop3A_338], %parallel_loop3A_350 {add = true} : memref<65536xf32, #tpu.memory_space<vmem>>[vector<16xi32>], vector<16xf32>,
          %parallel_loop3A_351 = arith.constant 0 : i32
          %parallel_loop3A_352 = arith.constant 0 : i32
          %parallel_loop3A_353 = arith.index_cast %parallel_loop3A_351 : i32 to index
          %parallel_loop3A_354 = arith.index_cast %parallel_loop3A_98 : i32 to index
          %parallel_loop3A_355 = arith.index_cast %parallel_loop3A_352 : i32 to index
          %parallel_loop3A_356 = arith.constant 64 : index
          %parallel_loop3A_357 = tpu.vector_load %arg6[%parallel_loop3A_353, %parallel_loop3A_354, %parallel_loop3A_355, %parallel_loop3A_356] {strides = array<i32>} : memref<2x25x2x128xf32, #tpu.memory_space<vmem>>, vector<16xf32>,
          %parallel_loop3A_358 = arith.constant 0 : i32
          %parallel_loop3A_359 = arith.constant 1 : i32
          %parallel_loop3A_360 = arith.index_cast %parallel_loop3A_358 : i32 to index
          %parallel_loop3A_361 = arith.index_cast %parallel_loop3A_98 : i32 to index
          %parallel_loop3A_362 = arith.index_cast %parallel_loop3A_359 : i32 to index
          %parallel_loop3A_363 = arith.constant 64 : index
          %parallel_loop3A_364 = tpu.vector_load %arg6[%parallel_loop3A_360, %parallel_loop3A_361, %parallel_loop3A_362, %parallel_loop3A_363] {strides = array<i32>} : memref<2x25x2x128xf32, #tpu.memory_space<vmem>>, vector<16xf32>,
          %parallel_loop3A_365 = arith.constant 128 : i32
          %parallel_loop3A_366 = arith.muli %parallel_loop3A_98, %parallel_loop3A_365 : i32
          %parallel_loop3A_367 = arith.constant 64 : i32
          %parallel_loop3A_368 = arith.addi %parallel_loop3A_366, %parallel_loop3A_367 : i32
          %parallel_loop3A_369 = arith.constant 0 : i32
          %parallel_loop3A_370 = arith.index_cast %parallel_loop3A_369 : i32 to index
          %parallel_loop3A_371 = arith.index_cast %parallel_loop3A_368 : i32 to index
          %parallel_loop3A_372 = tpu.vector_load %arg7[%parallel_loop3A_370, %parallel_loop3A_371] {strides = array<i32>} : memref<2x3200xf32, #tpu.memory_space<vmem>>, vector<16xf32>,
          %parallel_loop3A_373 = arith.fptosi %parallel_loop3A_357 : vector<16xf32> to vector<16xi32>
          %parallel_loop3A_374 = arith.fptosi %parallel_loop3A_364 : vector<16xf32> to vector<16xi32>
          %parallel_loop3A_375 = arith.sitofp %parallel_loop3A_373 : vector<16xi32> to vector<16xf32>
          %parallel_loop3A_376 = arith.subf %parallel_loop3A_357, %parallel_loop3A_375 : vector<16xf32>
          %parallel_loop3A_377 = arith.sitofp %parallel_loop3A_374 : vector<16xi32> to vector<16xf32>
          %parallel_loop3A_378 = arith.subf %parallel_loop3A_364, %parallel_loop3A_377 : vector<16xf32>
          %parallel_loop3A_379 = vector.bitcast %parallel_loop3A_373 : vector<16xi32> to vector<16xi32>
          %parallel_loop3A_380 = arith.constant 254 : i32
          %parallel_loop3A_381 = vector.broadcast %parallel_loop3A_380 : i32 to vector<16xi32>
          %parallel_loop3A_382 = arith.minui %parallel_loop3A_379, %parallel_loop3A_381 : vector<16xi32>
          %parallel_loop3A_383 = vector.bitcast %parallel_loop3A_382 : vector<16xi32> to vector<16xi32>
          %parallel_loop3A_384 = vector.bitcast %parallel_loop3A_374 : vector<16xi32> to vector<16xi32>
          %parallel_loop3A_385 = arith.constant 254 : i32
          %parallel_loop3A_386 = vector.broadcast %parallel_loop3A_385 : i32 to vector<16xi32>
          %parallel_loop3A_387 = arith.minui %parallel_loop3A_384, %parallel_loop3A_386 : vector<16xi32>
          %parallel_loop3A_388 = vector.bitcast %parallel_loop3A_387 : vector<16xi32> to vector<16xi32>
          %parallel_loop3A_389 = arith.constant 8 : i32
          %parallel_loop3A_390 = vector.broadcast %parallel_loop3A_389 : i32 to vector<16xi32>
          %parallel_loop3A_391 = arith.shli %parallel_loop3A_383, %parallel_loop3A_390 : vector<16xi32>
          %parallel_loop3A_392 = arith.addi %parallel_loop3A_391, %parallel_loop3A_388 : vector<16xi32>
          %parallel_loop3A_393 = arith.constant 1 : i32
          %parallel_loop3A_394 = vector.broadcast %parallel_loop3A_393 : i32 to vector<16xi32>
          %parallel_loop3A_395 = arith.addi %parallel_loop3A_392, %parallel_loop3A_394 : vector<16xi32>
          %parallel_loop3A_396 = arith.constant 256 : i32
          %parallel_loop3A_397 = vector.broadcast %parallel_loop3A_396 : i32 to vector<16xi32>
          %parallel_loop3A_398 = arith.addi %parallel_loop3A_392, %parallel_loop3A_397 : vector<16xi32>
          %parallel_loop3A_399 = arith.constant 257 : i32
          %parallel_loop3A_400 = vector.broadcast %parallel_loop3A_399 : i32 to vector<16xi32>
          %parallel_loop3A_401 = arith.addi %parallel_loop3A_392, %parallel_loop3A_400 : vector<16xi32>
          %parallel_loop3A_402 = arith.constant 1.000000e+00 : f32
          %parallel_loop3A_403 = vector.broadcast %parallel_loop3A_402 : f32 to vector<16xf32>
          %parallel_loop3A_404 = arith.subf %parallel_loop3A_403, %parallel_loop3A_376 : vector<16xf32>
          %parallel_loop3A_405 = arith.constant 1.000000e+00 : f32
          %parallel_loop3A_406 = vector.broadcast %parallel_loop3A_405 : f32 to vector<16xf32>
          %parallel_loop3A_407 = arith.subf %parallel_loop3A_406, %parallel_loop3A_378 : vector<16xf32>
          %parallel_loop3A_408 = arith.mulf %parallel_loop3A_404, %parallel_loop3A_372 : vector<16xf32>
          %parallel_loop3A_409 = arith.mulf %parallel_loop3A_376, %parallel_loop3A_372 : vector<16xf32>
          %parallel_loop3A_410 = arith.mulf %parallel_loop3A_408, %parallel_loop3A_407 : vector<16xf32>
          tpu.vector_store_idx %arg5[%parallel_loop3A_392], %parallel_loop3A_410 {add = true} : memref<65536xf32, #tpu.memory_space<vmem>>[vector<16xi32>], vector<16xf32>,
          %parallel_loop3A_411 = arith.mulf %parallel_loop3A_409, %parallel_loop3A_407 : vector<16xf32>
          tpu.vector_store_idx %arg5[%parallel_loop3A_398], %parallel_loop3A_411 {add = true} : memref<65536xf32, #tpu.memory_space<vmem>>[vector<16xi32>], vector<16xf32>,
          %parallel_loop3A_412 = arith.mulf %parallel_loop3A_408, %parallel_loop3A_378 : vector<16xf32>
          tpu.vector_store_idx %arg5[%parallel_loop3A_395], %parallel_loop3A_412 {add = true} : memref<65536xf32, #tpu.memory_space<vmem>>[vector<16xi32>], vector<16xf32>,
          %parallel_loop3A_413 = arith.mulf %parallel_loop3A_409, %parallel_loop3A_378 : vector<16xf32>
          tpu.vector_store_idx %arg5[%parallel_loop3A_401], %parallel_loop3A_413 {add = true} : memref<65536xf32, #tpu.memory_space<vmem>>[vector<16xi32>], vector<16xf32>,
          %parallel_loop3A_414 = arith.constant 0 : i32
          %parallel_loop3A_415 = arith.constant 0 : i32
          %parallel_loop3A_416 = arith.index_cast %parallel_loop3A_414 : i32 to index
          %parallel_loop3A_417 = arith.index_cast %parallel_loop3A_98 : i32 to index
          %parallel_loop3A_418 = arith.index_cast %parallel_loop3A_415 : i32 to index
          %parallel_loop3A_419 = arith.constant 80 : index
          %parallel_loop3A_420 = tpu.vector_load %arg6[%parallel_loop3A_416, %parallel_loop3A_417, %parallel_loop3A_418, %parallel_loop3A_419] {strides = array<i32>} : memref<2x25x2x128xf32, #tpu.memory_space<vmem>>, vector<16xf32>,
          %parallel_loop3A_421 = arith.constant 0 : i32
          %parallel_loop3A_422 = arith.constant 1 : i32
          %parallel_loop3A_423 = arith.index_cast %parallel_loop3A_421 : i32 to index
          %parallel_loop3A_424 = arith.index_cast %parallel_loop3A_98 : i32 to index
          %parallel_loop3A_425 = arith.index_cast %parallel_loop3A_422 : i32 to index
          %parallel_loop3A_426 = arith.constant 80 : index
          %parallel_loop3A_427 = tpu.vector_load %arg6[%parallel_loop3A_423, %parallel_loop3A_424, %parallel_loop3A_425, %parallel_loop3A_426] {strides = array<i32>} : memref<2x25x2x128xf32, #tpu.memory_space<vmem>>, vector<16xf32>,
          %parallel_loop3A_428 = arith.constant 128 : i32
          %parallel_loop3A_429 = arith.muli %parallel_loop3A_98, %parallel_loop3A_428 : i32
          %parallel_loop3A_430 = arith.constant 80 : i32
          %parallel_loop3A_431 = arith.addi %parallel_loop3A_429, %parallel_loop3A_430 : i32
          %parallel_loop3A_432 = arith.constant 0 : i32
          %parallel_loop3A_433 = arith.index_cast %parallel_loop3A_432 : i32 to index
          %parallel_loop3A_434 = arith.index_cast %parallel_loop3A_431 : i32 to index
          %parallel_loop3A_435 = tpu.vector_load %arg7[%parallel_loop3A_433, %parallel_loop3A_434] {strides = array<i32>} : memref<2x3200xf32, #tpu.memory_space<vmem>>, vector<16xf32>,
          %parallel_loop3A_436 = arith.fptosi %parallel_loop3A_420 : vector<16xf32> to vector<16xi32>
          %parallel_loop3A_437 = arith.fptosi %parallel_loop3A_427 : vector<16xf32> to vector<16xi32>
          %parallel_loop3A_438 = arith.sitofp %parallel_loop3A_436 : vector<16xi32> to vector<16xf32>
          %parallel_loop3A_439 = arith.subf %parallel_loop3A_420, %parallel_loop3A_438 : vector<16xf32>
          %parallel_loop3A_440 = arith.sitofp %parallel_loop3A_437 : vector<16xi32> to vector<16xf32>
          %parallel_loop3A_441 = arith.subf %parallel_loop3A_427, %parallel_loop3A_440 : vector<16xf32>
          %parallel_loop3A_442 = vector.bitcast %parallel_loop3A_436 : vector<16xi32> to vector<16xi32>
          %parallel_loop3A_443 = arith.constant 254 : i32
          %parallel_loop3A_444 = vector.broadcast %parallel_loop3A_443 : i32 to vector<16xi32>
          %parallel_loop3A_445 = arith.minui %parallel_loop3A_442, %parallel_loop3A_444 : vector<16xi32>
          %parallel_loop3A_446 = vector.bitcast %parallel_loop3A_445 : vector<16xi32> to vector<16xi32>
          %parallel_loop3A_447 = vector.bitcast %parallel_loop3A_437 : vector<16xi32> to vector<16xi32>
          %parallel_loop3A_448 = arith.constant 254 : i32
          %parallel_loop3A_449 = vector.broadcast %parallel_loop3A_448 : i32 to vector<16xi32>
          %parallel_loop3A_450 = arith.minui %parallel_loop3A_447, %parallel_loop3A_449 : vector<16xi32>
          %parallel_loop3A_451 = vector.bitcast %parallel_loop3A_450 : vector<16xi32> to vector<16xi32>
          %parallel_loop3A_452 = arith.constant 8 : i32
          %parallel_loop3A_453 = vector.broadcast %parallel_loop3A_452 : i32 to vector<16xi32>
          %parallel_loop3A_454 = arith.shli %parallel_loop3A_446, %parallel_loop3A_453 : vector<16xi32>
          %parallel_loop3A_455 = arith.addi %parallel_loop3A_454, %parallel_loop3A_451 : vector<16xi32>
          %parallel_loop3A_456 = arith.constant 1 : i32
          %parallel_loop3A_457 = vector.broadcast %parallel_loop3A_456 : i32 to vector<16xi32>
          %parallel_loop3A_458 = arith.addi %parallel_loop3A_455, %parallel_loop3A_457 : vector<16xi32>
          %parallel_loop3A_459 = arith.constant 256 : i32
          %parallel_loop3A_460 = vector.broadcast %parallel_loop3A_459 : i32 to vector<16xi32>
          %parallel_loop3A_461 = arith.addi %parallel_loop3A_455, %parallel_loop3A_460 : vector<16xi32>
          %parallel_loop3A_462 = arith.constant 257 : i32
          %parallel_loop3A_463 = vector.broadcast %parallel_loop3A_462 : i32 to vector<16xi32>
          %parallel_loop3A_464 = arith.addi %parallel_loop3A_455, %parallel_loop3A_463 : vector<16xi32>
          %parallel_loop3A_465 = arith.constant 1.000000e+00 : f32
          %parallel_loop3A_466 = vector.broadcast %parallel_loop3A_465 : f32 to vector<16xf32>
          %parallel_loop3A_467 = arith.subf %parallel_loop3A_466, %parallel_loop3A_439 : vector<16xf32>
          %parallel_loop3A_468 = arith.constant 1.000000e+00 : f32
          %parallel_loop3A_469 = vector.broadcast %parallel_loop3A_468 : f32 to vector<16xf32>
          %parallel_loop3A_470 = arith.subf %parallel_loop3A_469, %parallel_loop3A_441 : vector<16xf32>
          %parallel_loop3A_471 = arith.mulf %parallel_loop3A_467, %parallel_loop3A_435 : vector<16xf32>
          %parallel_loop3A_472 = arith.mulf %parallel_loop3A_439, %parallel_loop3A_435 : vector<16xf32>
          %parallel_loop3A_473 = arith.mulf %parallel_loop3A_471, %parallel_loop3A_470 : vector<16xf32>
          tpu.vector_store_idx %arg5[%parallel_loop3A_455], %parallel_loop3A_473 {add = true} : memref<65536xf32, #tpu.memory_space<vmem>>[vector<16xi32>], vector<16xf32>,
          %parallel_loop3A_474 = arith.mulf %parallel_loop3A_472, %parallel_loop3A_470 : vector<16xf32>
          tpu.vector_store_idx %arg5[%parallel_loop3A_461], %parallel_loop3A_474 {add = true} : memref<65536xf32, #tpu.memory_space<vmem>>[vector<16xi32>], vector<16xf32>,
          %parallel_loop3A_475 = arith.mulf %parallel_loop3A_471, %parallel_loop3A_441 : vector<16xf32>
          tpu.vector_store_idx %arg5[%parallel_loop3A_458], %parallel_loop3A_475 {add = true} : memref<65536xf32, #tpu.memory_space<vmem>>[vector<16xi32>], vector<16xf32>,
          %parallel_loop3A_476 = arith.mulf %parallel_loop3A_472, %parallel_loop3A_441 : vector<16xf32>
          tpu.vector_store_idx %arg5[%parallel_loop3A_464], %parallel_loop3A_476 {add = true} : memref<65536xf32, #tpu.memory_space<vmem>>[vector<16xi32>], vector<16xf32>,
          %parallel_loop3A_477 = arith.constant 0 : i32
          %parallel_loop3A_478 = arith.constant 0 : i32
          %parallel_loop3A_479 = arith.index_cast %parallel_loop3A_477 : i32 to index
          %parallel_loop3A_480 = arith.index_cast %parallel_loop3A_98 : i32 to index
          %parallel_loop3A_481 = arith.index_cast %parallel_loop3A_478 : i32 to index
          %parallel_loop3A_482 = arith.constant 96 : index
          %parallel_loop3A_483 = tpu.vector_load %arg6[%parallel_loop3A_479, %parallel_loop3A_480, %parallel_loop3A_481, %parallel_loop3A_482] {strides = array<i32>} : memref<2x25x2x128xf32, #tpu.memory_space<vmem>>, vector<16xf32>,
          %parallel_loop3A_484 = arith.constant 0 : i32
          %parallel_loop3A_485 = arith.constant 1 : i32
          %parallel_loop3A_486 = arith.index_cast %parallel_loop3A_484 : i32 to index
          %parallel_loop3A_487 = arith.index_cast %parallel_loop3A_98 : i32 to index
          %parallel_loop3A_488 = arith.index_cast %parallel_loop3A_485 : i32 to index
          %parallel_loop3A_489 = arith.constant 96 : index
          %parallel_loop3A_490 = tpu.vector_load %arg6[%parallel_loop3A_486, %parallel_loop3A_487, %parallel_loop3A_488, %parallel_loop3A_489] {strides = array<i32>} : memref<2x25x2x128xf32, #tpu.memory_space<vmem>>, vector<16xf32>,
          %parallel_loop3A_491 = arith.constant 128 : i32
          %parallel_loop3A_492 = arith.muli %parallel_loop3A_98, %parallel_loop3A_491 : i32
          %parallel_loop3A_493 = arith.constant 96 : i32
          %parallel_loop3A_494 = arith.addi %parallel_loop3A_492, %parallel_loop3A_493 : i32
          %parallel_loop3A_495 = arith.constant 0 : i32
          %parallel_loop3A_496 = arith.index_cast %parallel_loop3A_495 : i32 to index
          %parallel_loop3A_497 = arith.index_cast %parallel_loop3A_494 : i32 to index
          %parallel_loop3A_498 = tpu.vector_load %arg7[%parallel_loop3A_496, %parallel_loop3A_497] {strides = array<i32>} : memref<2x3200xf32, #tpu.memory_space<vmem>>, vector<16xf32>,
          %parallel_loop3A_499 = arith.fptosi %parallel_loop3A_483 : vector<16xf32> to vector<16xi32>
          %parallel_loop3A_500 = arith.fptosi %parallel_loop3A_490 : vector<16xf32> to vector<16xi32>
          %parallel_loop3A_501 = arith.sitofp %parallel_loop3A_499 : vector<16xi32> to vector<16xf32>
          %parallel_loop3A_502 = arith.subf %parallel_loop3A_483, %parallel_loop3A_501 : vector<16xf32>
          %parallel_loop3A_503 = arith.sitofp %parallel_loop3A_500 : vector<16xi32> to vector<16xf32>
          %parallel_loop3A_504 = arith.subf %parallel_loop3A_490, %parallel_loop3A_503 : vector<16xf32>
          %parallel_loop3A_505 = vector.bitcast %parallel_loop3A_499 : vector<16xi32> to vector<16xi32>
          %parallel_loop3A_506 = arith.constant 254 : i32
          %parallel_loop3A_507 = vector.broadcast %parallel_loop3A_506 : i32 to vector<16xi32>
          %parallel_loop3A_508 = arith.minui %parallel_loop3A_505, %parallel_loop3A_507 : vector<16xi32>
          %parallel_loop3A_509 = vector.bitcast %parallel_loop3A_508 : vector<16xi32> to vector<16xi32>
          %parallel_loop3A_510 = vector.bitcast %parallel_loop3A_500 : vector<16xi32> to vector<16xi32>
          %parallel_loop3A_511 = arith.constant 254 : i32
          %parallel_loop3A_512 = vector.broadcast %parallel_loop3A_511 : i32 to vector<16xi32>
          %parallel_loop3A_513 = arith.minui %parallel_loop3A_510, %parallel_loop3A_512 : vector<16xi32>
          %parallel_loop3A_514 = vector.bitcast %parallel_loop3A_513 : vector<16xi32> to vector<16xi32>
          %parallel_loop3A_515 = arith.constant 8 : i32
          %parallel_loop3A_516 = vector.broadcast %parallel_loop3A_515 : i32 to vector<16xi32>
          %parallel_loop3A_517 = arith.shli %parallel_loop3A_509, %parallel_loop3A_516 : vector<16xi32>
          %parallel_loop3A_518 = arith.addi %parallel_loop3A_517, %parallel_loop3A_514 : vector<16xi32>
          %parallel_loop3A_519 = arith.constant 1 : i32
          %parallel_loop3A_520 = vector.broadcast %parallel_loop3A_519 : i32 to vector<16xi32>
          %parallel_loop3A_521 = arith.addi %parallel_loop3A_518, %parallel_loop3A_520 : vector<16xi32>
          %parallel_loop3A_522 = arith.constant 256 : i32
          %parallel_loop3A_523 = vector.broadcast %parallel_loop3A_522 : i32 to vector<16xi32>
          %parallel_loop3A_524 = arith.addi %parallel_loop3A_518, %parallel_loop3A_523 : vector<16xi32>
          %parallel_loop3A_525 = arith.constant 257 : i32
          %parallel_loop3A_526 = vector.broadcast %parallel_loop3A_525 : i32 to vector<16xi32>
          %parallel_loop3A_527 = arith.addi %parallel_loop3A_518, %parallel_loop3A_526 : vector<16xi32>
          %parallel_loop3A_528 = arith.constant 1.000000e+00 : f32
          %parallel_loop3A_529 = vector.broadcast %parallel_loop3A_528 : f32 to vector<16xf32>
          %parallel_loop3A_530 = arith.subf %parallel_loop3A_529, %parallel_loop3A_502 : vector<16xf32>
          %parallel_loop3A_531 = arith.constant 1.000000e+00 : f32
          %parallel_loop3A_532 = vector.broadcast %parallel_loop3A_531 : f32 to vector<16xf32>
          %parallel_loop3A_533 = arith.subf %parallel_loop3A_532, %parallel_loop3A_504 : vector<16xf32>
          %parallel_loop3A_534 = arith.mulf %parallel_loop3A_530, %parallel_loop3A_498 : vector<16xf32>
          %parallel_loop3A_535 = arith.mulf %parallel_loop3A_502, %parallel_loop3A_498 : vector<16xf32>
          %parallel_loop3A_536 = arith.mulf %parallel_loop3A_534, %parallel_loop3A_533 : vector<16xf32>
          tpu.vector_store_idx %arg5[%parallel_loop3A_518], %parallel_loop3A_536 {add = true} : memref<65536xf32, #tpu.memory_space<vmem>>[vector<16xi32>], vector<16xf32>,
          %parallel_loop3A_537 = arith.mulf %parallel_loop3A_535, %parallel_loop3A_533 : vector<16xf32>
          tpu.vector_store_idx %arg5[%parallel_loop3A_524], %parallel_loop3A_537 {add = true} : memref<65536xf32, #tpu.memory_space<vmem>>[vector<16xi32>], vector<16xf32>,
          %parallel_loop3A_538 = arith.mulf %parallel_loop3A_534, %parallel_loop3A_504 : vector<16xf32>
          tpu.vector_store_idx %arg5[%parallel_loop3A_521], %parallel_loop3A_538 {add = true} : memref<65536xf32, #tpu.memory_space<vmem>>[vector<16xi32>], vector<16xf32>,
          %parallel_loop3A_539 = arith.mulf %parallel_loop3A_535, %parallel_loop3A_504 : vector<16xf32>
          tpu.vector_store_idx %arg5[%parallel_loop3A_527], %parallel_loop3A_539 {add = true} : memref<65536xf32, #tpu.memory_space<vmem>>[vector<16xi32>], vector<16xf32>,
          %parallel_loop3A_540 = arith.constant 0 : i32
          %parallel_loop3A_541 = arith.constant 0 : i32
          %parallel_loop3A_542 = arith.index_cast %parallel_loop3A_540 : i32 to index
          %parallel_loop3A_543 = arith.index_cast %parallel_loop3A_98 : i32 to index
          %parallel_loop3A_544 = arith.index_cast %parallel_loop3A_541 : i32 to index
          %parallel_loop3A_545 = arith.constant 112 : index
          %parallel_loop3A_546 = tpu.vector_load %arg6[%parallel_loop3A_542, %parallel_loop3A_543, %parallel_loop3A_544, %parallel_loop3A_545] {strides = array<i32>} : memref<2x25x2x128xf32, #tpu.memory_space<vmem>>, vector<16xf32>,
          %parallel_loop3A_547 = arith.constant 0 : i32
          %parallel_loop3A_548 = arith.constant 1 : i32
          %parallel_loop3A_549 = arith.index_cast %parallel_loop3A_547 : i32 to index
          %parallel_loop3A_550 = arith.index_cast %parallel_loop3A_98 : i32 to index
          %parallel_loop3A_551 = arith.index_cast %parallel_loop3A_548 : i32 to index
          %parallel_loop3A_552 = arith.constant 112 : index
          %parallel_loop3A_553 = tpu.vector_load %arg6[%parallel_loop3A_549, %parallel_loop3A_550, %parallel_loop3A_551, %parallel_loop3A_552] {strides = array<i32>} : memref<2x25x2x128xf32, #tpu.memory_space<vmem>>, vector<16xf32>,
          %parallel_loop3A_554 = arith.constant 128 : i32
          %parallel_loop3A_555 = arith.muli %parallel_loop3A_98, %parallel_loop3A_554 : i32
          %parallel_loop3A_556 = arith.constant 112 : i32
          %parallel_loop3A_557 = arith.addi %parallel_loop3A_555, %parallel_loop3A_556 : i32
          %parallel_loop3A_558 = arith.constant 0 : i32
          %parallel_loop3A_559 = arith.index_cast %parallel_loop3A_558 : i32 to index
          %parallel_loop3A_560 = arith.index_cast %parallel_loop3A_557 : i32 to index
          %parallel_loop3A_561 = tpu.vector_load %arg7[%parallel_loop3A_559, %parallel_loop3A_560] {strides = array<i32>} : memref<2x3200xf32, #tpu.memory_space<vmem>>, vector<16xf32>,
          %parallel_loop3A_562 = arith.fptosi %parallel_loop3A_546 : vector<16xf32> to vector<16xi32>
          %parallel_loop3A_563 = arith.fptosi %parallel_loop3A_553 : vector<16xf32> to vector<16xi32>
          %parallel_loop3A_564 = arith.sitofp %parallel_loop3A_562 : vector<16xi32> to vector<16xf32>
          %parallel_loop3A_565 = arith.subf %parallel_loop3A_546, %parallel_loop3A_564 : vector<16xf32>
          %parallel_loop3A_566 = arith.sitofp %parallel_loop3A_563 : vector<16xi32> to vector<16xf32>
          %parallel_loop3A_567 = arith.subf %parallel_loop3A_553, %parallel_loop3A_566 : vector<16xf32>
          %parallel_loop3A_568 = vector.bitcast %parallel_loop3A_562 : vector<16xi32> to vector<16xi32>
          %parallel_loop3A_569 = arith.constant 254 : i32
          %parallel_loop3A_570 = vector.broadcast %parallel_loop3A_569 : i32 to vector<16xi32>
          %parallel_loop3A_571 = arith.minui %parallel_loop3A_568, %parallel_loop3A_570 : vector<16xi32>
          %parallel_loop3A_572 = vector.bitcast %parallel_loop3A_571 : vector<16xi32> to vector<16xi32>
          %parallel_loop3A_573 = vector.bitcast %parallel_loop3A_563 : vector<16xi32> to vector<16xi32>
          %parallel_loop3A_574 = arith.constant 254 : i32
          %parallel_loop3A_575 = vector.broadcast %parallel_loop3A_574 : i32 to vector<16xi32>
          %parallel_loop3A_576 = arith.minui %parallel_loop3A_573, %parallel_loop3A_575 : vector<16xi32>
          %parallel_loop3A_577 = vector.bitcast %parallel_loop3A_576 : vector<16xi32> to vector<16xi32>
          %parallel_loop3A_578 = arith.constant 8 : i32
          %parallel_loop3A_579 = vector.broadcast %parallel_loop3A_578 : i32 to vector<16xi32>
          %parallel_loop3A_580 = arith.shli %parallel_loop3A_572, %parallel_loop3A_579 : vector<16xi32>
          %parallel_loop3A_581 = arith.addi %parallel_loop3A_580, %parallel_loop3A_577 : vector<16xi32>
          %parallel_loop3A_582 = arith.constant 1 : i32
          %parallel_loop3A_583 = vector.broadcast %parallel_loop3A_582 : i32 to vector<16xi32>
          %parallel_loop3A_584 = arith.addi %parallel_loop3A_581, %parallel_loop3A_583 : vector<16xi32>
          %parallel_loop3A_585 = arith.constant 256 : i32
          %parallel_loop3A_586 = vector.broadcast %parallel_loop3A_585 : i32 to vector<16xi32>
          %parallel_loop3A_587 = arith.addi %parallel_loop3A_581, %parallel_loop3A_586 : vector<16xi32>
          %parallel_loop3A_588 = arith.constant 257 : i32
          %parallel_loop3A_589 = vector.broadcast %parallel_loop3A_588 : i32 to vector<16xi32>
          %parallel_loop3A_590 = arith.addi %parallel_loop3A_581, %parallel_loop3A_589 : vector<16xi32>
          %parallel_loop3A_591 = arith.constant 1.000000e+00 : f32
          %parallel_loop3A_592 = vector.broadcast %parallel_loop3A_591 : f32 to vector<16xf32>
          %parallel_loop3A_593 = arith.subf %parallel_loop3A_592, %parallel_loop3A_565 : vector<16xf32>
          %parallel_loop3A_594 = arith.constant 1.000000e+00 : f32
          %parallel_loop3A_595 = vector.broadcast %parallel_loop3A_594 : f32 to vector<16xf32>
          %parallel_loop3A_596 = arith.subf %parallel_loop3A_595, %parallel_loop3A_567 : vector<16xf32>
          %parallel_loop3A_597 = arith.mulf %parallel_loop3A_593, %parallel_loop3A_561 : vector<16xf32>
          %parallel_loop3A_598 = arith.mulf %parallel_loop3A_565, %parallel_loop3A_561 : vector<16xf32>
          %parallel_loop3A_599 = arith.mulf %parallel_loop3A_597, %parallel_loop3A_596 : vector<16xf32>
          tpu.vector_store_idx %arg5[%parallel_loop3A_581], %parallel_loop3A_599 {add = true} : memref<65536xf32, #tpu.memory_space<vmem>>[vector<16xi32>], vector<16xf32>,
          %parallel_loop3A_600 = arith.mulf %parallel_loop3A_598, %parallel_loop3A_596 : vector<16xf32>
          tpu.vector_store_idx %arg5[%parallel_loop3A_587], %parallel_loop3A_600 {add = true} : memref<65536xf32, #tpu.memory_space<vmem>>[vector<16xi32>], vector<16xf32>,
          %parallel_loop3A_601 = arith.mulf %parallel_loop3A_597, %parallel_loop3A_567 : vector<16xf32>
          tpu.vector_store_idx %arg5[%parallel_loop3A_584], %parallel_loop3A_601 {add = true} : memref<65536xf32, #tpu.memory_space<vmem>>[vector<16xi32>], vector<16xf32>,
          %parallel_loop3A_602 = arith.mulf %parallel_loop3A_598, %parallel_loop3A_567 : vector<16xf32>
          tpu.vector_store_idx %arg5[%parallel_loop3A_590], %parallel_loop3A_602 {add = true} : memref<65536xf32, #tpu.memory_space<vmem>>[vector<16xi32>], vector<16xf32>,
        } {sc.loop_unroll_factor = 5 : i64, sc.parallel_access}
      } else {
      }
      %mul3A_49 = arith.constant 2 : i32
      %mul3A_50 = arith.muli %scan3A_42, %mul3A_49 : i32
      %add3A_51 = arith.constant 1 : i32
      %add3A_52 = arith.addi %mul3A_50, %add3A_51 : i32
      %lt3A_53 = arith.cmpi slt, %add3A_52, %select_n3A : i32
      %convert_element_type3A_54 = arith.extui %lt3A_53 : i1 to i32
      %cond3A_55 = arith.constant 0 : i32
      %cond3A_56 = arith.cmpi ne, %convert_element_type3A_54, %cond3A_55 : i32
      scf.if %cond3A_56 {
        %mul3A_57 = arith.constant 32 : i32
        %mul3A_58 = arith.muli %add3A_52, %mul3A_57 : i32
        %add3A_59 = arith.addi %add3A, %mul3A_58 : i32
        %mul3A_60 = arith.constant 25 : i32
        %mul3A_61 = arith.muli %add3A_59, %mul3A_60 : i32
        %dma_wait3A = arith.constant 1 : i32
        %dma_wait3A_62 = arith.constant 0 : i32
        %dma_wait3A_63 = arith.constant 0 : i32
        %dma_wait3A_64 = arith.constant 0 : i32
        %dma_wait3A_65 = tpu.memref_slice %arg6[%dma_wait3A, %dma_wait3A_62, %dma_wait3A_63, %dma_wait3A_64] : memref<2x25x2x128xf32, #tpu.memory_space<vmem>> -> memref<1x25x2x128xf32, #tpu.memory_space<vmem>>
        %dma_wait3A_66 = tpu.memref_squeeze %dma_wait3A_65 : memref<1x25x2x128xf32, #tpu.memory_space<vmem>> -> memref<25x2x128xf32, #tpu.memory_space<vmem>>
        %dma_wait3A_67 = arith.constant 0 : i32
        %dma_wait3A_68 = arith.constant 0 : i32
        %dma_wait3A_69 = tpu.memref_slice %arg2[%mul3A_61, %dma_wait3A_67, %dma_wait3A_68] : memref<15625x2x128xf32, #tpu.memory_space<hbm>> -> memref<25x2x128xf32, #tpu.memory_space<hbm>>
        %dma_wait3A_70 = arith.constant 0 : i32
        %dma_wait3A_71 = arith.constant 0 : i32
        %dma_wait3A_72 = arith.constant 0 : i32
        %dma_wait3A_73 = tpu.memref_slice %arg6[%dma_wait3A, %dma_wait3A_70, %dma_wait3A_71, %dma_wait3A_72] : memref<2x25x2x128xf32, #tpu.memory_space<vmem>> -> memref<1x25x2x128xf32, #tpu.memory_space<vmem>>
        %dma_wait3A_74 = tpu.memref_squeeze %dma_wait3A_73 : memref<1x25x2x128xf32, #tpu.memory_space<vmem>> -> memref<25x2x128xf32, #tpu.memory_space<vmem>>
        %dma_wait3A_75 = arith.constant 0 : i32
        %dma_wait3A_76 = arith.constant 0 : i32
        %dma_wait3A_77 = tpu.memref_slice %arg2[%mul3A_61, %dma_wait3A_75, %dma_wait3A_76] : memref<15625x2x128xf32, #tpu.memory_space<hbm>> -> memref<25x2x128xf32, #tpu.memory_space<hbm>>
        tpu.wait_dma2 semaphore(%arg9 : memref<!tpu.dma_semaphore, #tpu.memory_space<semaphore_mem>>) src(%dma_wait3A_77 : memref<25x2x128xf32, #tpu.memory_space<hbm>>) dst(%dma_wait3A_74 : memref<25x2x128xf32, #tpu.memory_space<vmem>>)
        %mul3A_78 = arith.constant 3200 : i32
        %mul3A_79 = arith.muli %add3A_59, %mul3A_78 : i32
        %dma_wait3A_80 = arith.constant 1 : i32
        %dma_wait3A_81 = arith.constant 0 : i32
        %dma_wait3A_82 = tpu.memref_slice %arg7[%dma_wait3A_80, %dma_wait3A_81] : memref<2x3200xf32, #tpu.memory_space<vmem>> -> memref<1x3200xf32, #tpu.memory_space<vmem>>
        %dma_wait3A_83 = tpu.memref_squeeze %dma_wait3A_82 : memref<1x3200xf32, #tpu.memory_space<vmem>> -> memref<3200xf32, #tpu.memory_space<vmem>>
        %dma_wait3A_84 = tpu.memref_slice %arg3[%mul3A_79] : memref<2000000xf32, #tpu.memory_space<hbm>> -> memref<3200xf32, #tpu.memory_space<hbm>>
        %dma_wait3A_85 = arith.constant 0 : i32
        %dma_wait3A_86 = tpu.memref_slice %arg7[%dma_wait3A_80, %dma_wait3A_85] : memref<2x3200xf32, #tpu.memory_space<vmem>> -> memref<1x3200xf32, #tpu.memory_space<vmem>>
        %dma_wait3A_87 = tpu.memref_squeeze %dma_wait3A_86 : memref<1x3200xf32, #tpu.memory_space<vmem>> -> memref<3200xf32, #tpu.memory_space<vmem>>
        %dma_wait3A_88 = tpu.memref_slice %arg3[%mul3A_79] : memref<2000000xf32, #tpu.memory_space<hbm>> -> memref<3200xf32, #tpu.memory_space<hbm>>
        tpu.wait_dma2 semaphore(%arg9 : memref<!tpu.dma_semaphore, #tpu.memory_space<semaphore_mem>>) src(%dma_wait3A_88 : memref<3200xf32, #tpu.memory_space<hbm>>) dst(%dma_wait3A_87 : memref<3200xf32, #tpu.memory_space<vmem>>)
        %add3A_89 = arith.constant 1 : i32
        %add3A_90 = arith.addi %add3A_52, %add3A_89 : i32
        %lt3A_91 = arith.cmpi slt, %add3A_90, %select_n3A : i32
        %convert_element_type3A_92 = arith.extui %lt3A_91 : i1 to i32
        %cond3A_93 = arith.constant 0 : i32
        %cond3A_94 = arith.cmpi ne, %convert_element_type3A_92, %cond3A_93 : i32
        scf.if %cond3A_94 {
          %add3A_98 = arith.constant 1 : i32
          %add3A_99 = arith.addi %add3A_52, %add3A_98 : i32
          %mul3A_100 = arith.constant 32 : i32
          %mul3A_101 = arith.muli %add3A_99, %mul3A_100 : i32
          %add3A_102 = arith.addi %add3A, %mul3A_101 : i32
          %mul3A_103 = arith.constant 25 : i32
          %mul3A_104 = arith.muli %add3A_102, %mul3A_103 : i32
          %dma_start3A_105 = arith.constant 0 : i32
          %dma_start3A_106 = arith.constant 0 : i32
          %dma_start3A_107 = arith.constant 0 : i32
          %dma_start3A_108 = arith.constant 0 : i32
          %dma_start3A_109 = tpu.memref_slice %arg6[%dma_start3A_105, %dma_start3A_106, %dma_start3A_107, %dma_start3A_108] : memref<2x25x2x128xf32, #tpu.memory_space<vmem>> -> memref<1x25x2x128xf32, #tpu.memory_space<vmem>>
          %dma_start3A_110 = tpu.memref_squeeze %dma_start3A_109 : memref<1x25x2x128xf32, #tpu.memory_space<vmem>> -> memref<25x2x128xf32, #tpu.memory_space<vmem>>
          %dma_start3A_111 = arith.constant 0 : i32
          %dma_start3A_112 = arith.constant 0 : i32
          %dma_start3A_113 = tpu.memref_slice %arg2[%mul3A_104, %dma_start3A_111, %dma_start3A_112] : memref<15625x2x128xf32, #tpu.memory_space<hbm>> -> memref<25x2x128xf32, #tpu.memory_space<hbm>>
          %dma_start3A_114 = arith.constant 0 : i32
          %dma_start3A_115 = arith.constant 0 : i32
          %dma_start3A_116 = arith.constant 0 : i32
          %dma_start3A_117 = tpu.memref_slice %arg6[%dma_start3A_105, %dma_start3A_114, %dma_start3A_115, %dma_start3A_116] : memref<2x25x2x128xf32, #tpu.memory_space<vmem>> -> memref<1x25x2x128xf32, #tpu.memory_space<vmem>>
          %dma_start3A_118 = tpu.memref_squeeze %dma_start3A_117 : memref<1x25x2x128xf32, #tpu.memory_space<vmem>> -> memref<25x2x128xf32, #tpu.memory_space<vmem>>
          %dma_start3A_119 = arith.constant 0 : i32
          %dma_start3A_120 = arith.constant 0 : i32
          %dma_start3A_121 = tpu.memref_slice %arg2[%mul3A_104, %dma_start3A_119, %dma_start3A_120] : memref<15625x2x128xf32, #tpu.memory_space<hbm>> -> memref<25x2x128xf32, #tpu.memory_space<hbm>>
          tpu.enqueue_dma source(%dma_start3A_121 : memref<25x2x128xf32, #tpu.memory_space<hbm>>) target(%dma_start3A_118 : memref<25x2x128xf32, #tpu.memory_space<vmem>>) target_semaphore(%arg8 : memref<!tpu.dma_semaphore, #tpu.memory_space<semaphore_mem>>)
          %mul3A_122 = arith.constant 3200 : i32
          %mul3A_123 = arith.muli %add3A_102, %mul3A_122 : i32
          %dma_start3A_124 = arith.constant 0 : i32
          %dma_start3A_125 = arith.constant 0 : i32
          %dma_start3A_126 = tpu.memref_slice %arg7[%dma_start3A_124, %dma_start3A_125] : memref<2x3200xf32, #tpu.memory_space<vmem>> -> memref<1x3200xf32, #tpu.memory_space<vmem>>
          %dma_start3A_127 = tpu.memref_squeeze %dma_start3A_126 : memref<1x3200xf32, #tpu.memory_space<vmem>> -> memref<3200xf32, #tpu.memory_space<vmem>>
          %dma_start3A_128 = tpu.memref_slice %arg3[%mul3A_123] : memref<2000000xf32, #tpu.memory_space<hbm>> -> memref<3200xf32, #tpu.memory_space<hbm>>
          %dma_start3A_129 = arith.constant 0 : i32
          %dma_start3A_130 = tpu.memref_slice %arg7[%dma_start3A_124, %dma_start3A_129] : memref<2x3200xf32, #tpu.memory_space<vmem>> -> memref<1x3200xf32, #tpu.memory_space<vmem>>
          %dma_start3A_131 = tpu.memref_squeeze %dma_start3A_130 : memref<1x3200xf32, #tpu.memory_space<vmem>> -> memref<3200xf32, #tpu.memory_space<vmem>>
          %dma_start3A_132 = tpu.memref_slice %arg3[%mul3A_123] : memref<2000000xf32, #tpu.memory_space<hbm>> -> memref<3200xf32, #tpu.memory_space<hbm>>
          tpu.enqueue_dma source(%dma_start3A_132 : memref<3200xf32, #tpu.memory_space<hbm>>) target(%dma_start3A_131 : memref<3200xf32, #tpu.memory_space<vmem>>) target_semaphore(%arg8 : memref<!tpu.dma_semaphore, #tpu.memory_space<semaphore_mem>>)
        } else {
        }
        %parallel_loop3A_95 = arith.constant 0 : i32
        %parallel_loop3A_96 = arith.constant 25 : i32
        %parallel_loop3A_97 = arith.constant 1 : i32
        scf.for %parallel_loop3A_98 = %parallel_loop3A_95 to %parallel_loop3A_96 step %parallel_loop3A_97  : i32 {
          %parallel_loop3A_99 = arith.constant 1 : i32
          %parallel_loop3A_100 = arith.constant 0 : i32
          %parallel_loop3A_101 = arith.index_cast %parallel_loop3A_99 : i32 to index
          %parallel_loop3A_102 = arith.index_cast %parallel_loop3A_98 : i32 to index
          %parallel_loop3A_103 = arith.index_cast %parallel_loop3A_100 : i32 to index
          %parallel_loop3A_104 = arith.constant 0 : index
          %parallel_loop3A_105 = tpu.vector_load %arg6[%parallel_loop3A_101, %parallel_loop3A_102, %parallel_loop3A_103, %parallel_loop3A_104] {strides = array<i32>} : memref<2x25x2x128xf32, #tpu.memory_space<vmem>>, vector<16xf32>,
          %parallel_loop3A_106 = arith.constant 1 : i32
          %parallel_loop3A_107 = arith.constant 1 : i32
          %parallel_loop3A_108 = arith.index_cast %parallel_loop3A_106 : i32 to index
          %parallel_loop3A_109 = arith.index_cast %parallel_loop3A_98 : i32 to index
          %parallel_loop3A_110 = arith.index_cast %parallel_loop3A_107 : i32 to index
          %parallel_loop3A_111 = arith.constant 0 : index
          %parallel_loop3A_112 = tpu.vector_load %arg6[%parallel_loop3A_108, %parallel_loop3A_109, %parallel_loop3A_110, %parallel_loop3A_111] {strides = array<i32>} : memref<2x25x2x128xf32, #tpu.memory_space<vmem>>, vector<16xf32>,
          %parallel_loop3A_113 = arith.constant 128 : i32
          %parallel_loop3A_114 = arith.muli %parallel_loop3A_98, %parallel_loop3A_113 : i32
          %parallel_loop3A_115 = arith.constant 0 : i32
          %parallel_loop3A_116 = arith.addi %parallel_loop3A_114, %parallel_loop3A_115 : i32
          %parallel_loop3A_117 = arith.constant 1 : i32
          %parallel_loop3A_118 = arith.index_cast %parallel_loop3A_117 : i32 to index
          %parallel_loop3A_119 = arith.index_cast %parallel_loop3A_116 : i32 to index
          %parallel_loop3A_120 = tpu.vector_load %arg7[%parallel_loop3A_118, %parallel_loop3A_119] {strides = array<i32>} : memref<2x3200xf32, #tpu.memory_space<vmem>>, vector<16xf32>,
          %parallel_loop3A_121 = arith.fptosi %parallel_loop3A_105 : vector<16xf32> to vector<16xi32>
          %parallel_loop3A_122 = arith.fptosi %parallel_loop3A_112 : vector<16xf32> to vector<16xi32>
          %parallel_loop3A_123 = arith.sitofp %parallel_loop3A_121 : vector<16xi32> to vector<16xf32>
          %parallel_loop3A_124 = arith.subf %parallel_loop3A_105, %parallel_loop3A_123 : vector<16xf32>
          %parallel_loop3A_125 = arith.sitofp %parallel_loop3A_122 : vector<16xi32> to vector<16xf32>
          %parallel_loop3A_126 = arith.subf %parallel_loop3A_112, %parallel_loop3A_125 : vector<16xf32>
          %parallel_loop3A_127 = vector.bitcast %parallel_loop3A_121 : vector<16xi32> to vector<16xi32>
          %parallel_loop3A_128 = arith.constant 254 : i32
          %parallel_loop3A_129 = vector.broadcast %parallel_loop3A_128 : i32 to vector<16xi32>
          %parallel_loop3A_130 = arith.minui %parallel_loop3A_127, %parallel_loop3A_129 : vector<16xi32>
          %parallel_loop3A_131 = vector.bitcast %parallel_loop3A_130 : vector<16xi32> to vector<16xi32>
          %parallel_loop3A_132 = vector.bitcast %parallel_loop3A_122 : vector<16xi32> to vector<16xi32>
          %parallel_loop3A_133 = arith.constant 254 : i32
          %parallel_loop3A_134 = vector.broadcast %parallel_loop3A_133 : i32 to vector<16xi32>
          %parallel_loop3A_135 = arith.minui %parallel_loop3A_132, %parallel_loop3A_134 : vector<16xi32>
          %parallel_loop3A_136 = vector.bitcast %parallel_loop3A_135 : vector<16xi32> to vector<16xi32>
          %parallel_loop3A_137 = arith.constant 8 : i32
          %parallel_loop3A_138 = vector.broadcast %parallel_loop3A_137 : i32 to vector<16xi32>
          %parallel_loop3A_139 = arith.shli %parallel_loop3A_131, %parallel_loop3A_138 : vector<16xi32>
          %parallel_loop3A_140 = arith.addi %parallel_loop3A_139, %parallel_loop3A_136 : vector<16xi32>
          %parallel_loop3A_141 = arith.constant 1 : i32
          %parallel_loop3A_142 = vector.broadcast %parallel_loop3A_141 : i32 to vector<16xi32>
          %parallel_loop3A_143 = arith.addi %parallel_loop3A_140, %parallel_loop3A_142 : vector<16xi32>
          %parallel_loop3A_144 = arith.constant 256 : i32
          %parallel_loop3A_145 = vector.broadcast %parallel_loop3A_144 : i32 to vector<16xi32>
          %parallel_loop3A_146 = arith.addi %parallel_loop3A_140, %parallel_loop3A_145 : vector<16xi32>
          %parallel_loop3A_147 = arith.constant 257 : i32
          %parallel_loop3A_148 = vector.broadcast %parallel_loop3A_147 : i32 to vector<16xi32>
          %parallel_loop3A_149 = arith.addi %parallel_loop3A_140, %parallel_loop3A_148 : vector<16xi32>
          %parallel_loop3A_150 = arith.constant 1.000000e+00 : f32
          %parallel_loop3A_151 = vector.broadcast %parallel_loop3A_150 : f32 to vector<16xf32>
          %parallel_loop3A_152 = arith.subf %parallel_loop3A_151, %parallel_loop3A_124 : vector<16xf32>
          %parallel_loop3A_153 = arith.constant 1.000000e+00 : f32
          %parallel_loop3A_154 = vector.broadcast %parallel_loop3A_153 : f32 to vector<16xf32>
          %parallel_loop3A_155 = arith.subf %parallel_loop3A_154, %parallel_loop3A_126 : vector<16xf32>
          %parallel_loop3A_156 = arith.mulf %parallel_loop3A_152, %parallel_loop3A_120 : vector<16xf32>
          %parallel_loop3A_157 = arith.mulf %parallel_loop3A_124, %parallel_loop3A_120 : vector<16xf32>
          %parallel_loop3A_158 = arith.mulf %parallel_loop3A_156, %parallel_loop3A_155 : vector<16xf32>
          tpu.vector_store_idx %arg5[%parallel_loop3A_140], %parallel_loop3A_158 {add = true} : memref<65536xf32, #tpu.memory_space<vmem>>[vector<16xi32>], vector<16xf32>,
          %parallel_loop3A_159 = arith.mulf %parallel_loop3A_157, %parallel_loop3A_155 : vector<16xf32>
          tpu.vector_store_idx %arg5[%parallel_loop3A_146], %parallel_loop3A_159 {add = true} : memref<65536xf32, #tpu.memory_space<vmem>>[vector<16xi32>], vector<16xf32>,
          %parallel_loop3A_160 = arith.mulf %parallel_loop3A_156, %parallel_loop3A_126 : vector<16xf32>
          tpu.vector_store_idx %arg5[%parallel_loop3A_143], %parallel_loop3A_160 {add = true} : memref<65536xf32, #tpu.memory_space<vmem>>[vector<16xi32>], vector<16xf32>,
          %parallel_loop3A_161 = arith.mulf %parallel_loop3A_157, %parallel_loop3A_126 : vector<16xf32>
          tpu.vector_store_idx %arg5[%parallel_loop3A_149], %parallel_loop3A_161 {add = true} : memref<65536xf32, #tpu.memory_space<vmem>>[vector<16xi32>], vector<16xf32>,
          %parallel_loop3A_162 = arith.constant 1 : i32
          %parallel_loop3A_163 = arith.constant 0 : i32
          %parallel_loop3A_164 = arith.index_cast %parallel_loop3A_162 : i32 to index
          %parallel_loop3A_165 = arith.index_cast %parallel_loop3A_98 : i32 to index
          %parallel_loop3A_166 = arith.index_cast %parallel_loop3A_163 : i32 to index
          %parallel_loop3A_167 = arith.constant 16 : index
          %parallel_loop3A_168 = tpu.vector_load %arg6[%parallel_loop3A_164, %parallel_loop3A_165, %parallel_loop3A_166, %parallel_loop3A_167] {strides = array<i32>} : memref<2x25x2x128xf32, #tpu.memory_space<vmem>>, vector<16xf32>,
          %parallel_loop3A_169 = arith.constant 1 : i32
          %parallel_loop3A_170 = arith.constant 1 : i32
          %parallel_loop3A_171 = arith.index_cast %parallel_loop3A_169 : i32 to index
          %parallel_loop3A_172 = arith.index_cast %parallel_loop3A_98 : i32 to index
          %parallel_loop3A_173 = arith.index_cast %parallel_loop3A_170 : i32 to index
          %parallel_loop3A_174 = arith.constant 16 : index
          %parallel_loop3A_175 = tpu.vector_load %arg6[%parallel_loop3A_171, %parallel_loop3A_172, %parallel_loop3A_173, %parallel_loop3A_174] {strides = array<i32>} : memref<2x25x2x128xf32, #tpu.memory_space<vmem>>, vector<16xf32>,
          %parallel_loop3A_176 = arith.constant 128 : i32
          %parallel_loop3A_177 = arith.muli %parallel_loop3A_98, %parallel_loop3A_176 : i32
          %parallel_loop3A_178 = arith.constant 16 : i32
          %parallel_loop3A_179 = arith.addi %parallel_loop3A_177, %parallel_loop3A_178 : i32
          %parallel_loop3A_180 = arith.constant 1 : i32
          %parallel_loop3A_181 = arith.index_cast %parallel_loop3A_180 : i32 to index
          %parallel_loop3A_182 = arith.index_cast %parallel_loop3A_179 : i32 to index
          %parallel_loop3A_183 = tpu.vector_load %arg7[%parallel_loop3A_181, %parallel_loop3A_182] {strides = array<i32>} : memref<2x3200xf32, #tpu.memory_space<vmem>>, vector<16xf32>,
          %parallel_loop3A_184 = arith.fptosi %parallel_loop3A_168 : vector<16xf32> to vector<16xi32>
          %parallel_loop3A_185 = arith.fptosi %parallel_loop3A_175 : vector<16xf32> to vector<16xi32>
          %parallel_loop3A_186 = arith.sitofp %parallel_loop3A_184 : vector<16xi32> to vector<16xf32>
          %parallel_loop3A_187 = arith.subf %parallel_loop3A_168, %parallel_loop3A_186 : vector<16xf32>
          %parallel_loop3A_188 = arith.sitofp %parallel_loop3A_185 : vector<16xi32> to vector<16xf32>
          %parallel_loop3A_189 = arith.subf %parallel_loop3A_175, %parallel_loop3A_188 : vector<16xf32>
          %parallel_loop3A_190 = vector.bitcast %parallel_loop3A_184 : vector<16xi32> to vector<16xi32>
          %parallel_loop3A_191 = arith.constant 254 : i32
          %parallel_loop3A_192 = vector.broadcast %parallel_loop3A_191 : i32 to vector<16xi32>
          %parallel_loop3A_193 = arith.minui %parallel_loop3A_190, %parallel_loop3A_192 : vector<16xi32>
          %parallel_loop3A_194 = vector.bitcast %parallel_loop3A_193 : vector<16xi32> to vector<16xi32>
          %parallel_loop3A_195 = vector.bitcast %parallel_loop3A_185 : vector<16xi32> to vector<16xi32>
          %parallel_loop3A_196 = arith.constant 254 : i32
          %parallel_loop3A_197 = vector.broadcast %parallel_loop3A_196 : i32 to vector<16xi32>
          %parallel_loop3A_198 = arith.minui %parallel_loop3A_195, %parallel_loop3A_197 : vector<16xi32>
          %parallel_loop3A_199 = vector.bitcast %parallel_loop3A_198 : vector<16xi32> to vector<16xi32>
          %parallel_loop3A_200 = arith.constant 8 : i32
          %parallel_loop3A_201 = vector.broadcast %parallel_loop3A_200 : i32 to vector<16xi32>
          %parallel_loop3A_202 = arith.shli %parallel_loop3A_194, %parallel_loop3A_201 : vector<16xi32>
          %parallel_loop3A_203 = arith.addi %parallel_loop3A_202, %parallel_loop3A_199 : vector<16xi32>
          %parallel_loop3A_204 = arith.constant 1 : i32
          %parallel_loop3A_205 = vector.broadcast %parallel_loop3A_204 : i32 to vector<16xi32>
          %parallel_loop3A_206 = arith.addi %parallel_loop3A_203, %parallel_loop3A_205 : vector<16xi32>
          %parallel_loop3A_207 = arith.constant 256 : i32
          %parallel_loop3A_208 = vector.broadcast %parallel_loop3A_207 : i32 to vector<16xi32>
          %parallel_loop3A_209 = arith.addi %parallel_loop3A_203, %parallel_loop3A_208 : vector<16xi32>
          %parallel_loop3A_210 = arith.constant 257 : i32
          %parallel_loop3A_211 = vector.broadcast %parallel_loop3A_210 : i32 to vector<16xi32>
          %parallel_loop3A_212 = arith.addi %parallel_loop3A_203, %parallel_loop3A_211 : vector<16xi32>
          %parallel_loop3A_213 = arith.constant 1.000000e+00 : f32
          %parallel_loop3A_214 = vector.broadcast %parallel_loop3A_213 : f32 to vector<16xf32>
          %parallel_loop3A_215 = arith.subf %parallel_loop3A_214, %parallel_loop3A_187 : vector<16xf32>
          %parallel_loop3A_216 = arith.constant 1.000000e+00 : f32
          %parallel_loop3A_217 = vector.broadcast %parallel_loop3A_216 : f32 to vector<16xf32>
          %parallel_loop3A_218 = arith.subf %parallel_loop3A_217, %parallel_loop3A_189 : vector<16xf32>
          %parallel_loop3A_219 = arith.mulf %parallel_loop3A_215, %parallel_loop3A_183 : vector<16xf32>
          %parallel_loop3A_220 = arith.mulf %parallel_loop3A_187, %parallel_loop3A_183 : vector<16xf32>
          %parallel_loop3A_221 = arith.mulf %parallel_loop3A_219, %parallel_loop3A_218 : vector<16xf32>
          tpu.vector_store_idx %arg5[%parallel_loop3A_203], %parallel_loop3A_221 {add = true} : memref<65536xf32, #tpu.memory_space<vmem>>[vector<16xi32>], vector<16xf32>,
          %parallel_loop3A_222 = arith.mulf %parallel_loop3A_220, %parallel_loop3A_218 : vector<16xf32>
          tpu.vector_store_idx %arg5[%parallel_loop3A_209], %parallel_loop3A_222 {add = true} : memref<65536xf32, #tpu.memory_space<vmem>>[vector<16xi32>], vector<16xf32>,
          %parallel_loop3A_223 = arith.mulf %parallel_loop3A_219, %parallel_loop3A_189 : vector<16xf32>
          tpu.vector_store_idx %arg5[%parallel_loop3A_206], %parallel_loop3A_223 {add = true} : memref<65536xf32, #tpu.memory_space<vmem>>[vector<16xi32>], vector<16xf32>,
          %parallel_loop3A_224 = arith.mulf %parallel_loop3A_220, %parallel_loop3A_189 : vector<16xf32>
          tpu.vector_store_idx %arg5[%parallel_loop3A_212], %parallel_loop3A_224 {add = true} : memref<65536xf32, #tpu.memory_space<vmem>>[vector<16xi32>], vector<16xf32>,
          %parallel_loop3A_225 = arith.constant 1 : i32
          %parallel_loop3A_226 = arith.constant 0 : i32
          %parallel_loop3A_227 = arith.index_cast %parallel_loop3A_225 : i32 to index
          %parallel_loop3A_228 = arith.index_cast %parallel_loop3A_98 : i32 to index
          %parallel_loop3A_229 = arith.index_cast %parallel_loop3A_226 : i32 to index
          %parallel_loop3A_230 = arith.constant 32 : index
          %parallel_loop3A_231 = tpu.vector_load %arg6[%parallel_loop3A_227, %parallel_loop3A_228, %parallel_loop3A_229, %parallel_loop3A_230] {strides = array<i32>} : memref<2x25x2x128xf32, #tpu.memory_space<vmem>>, vector<16xf32>,
          %parallel_loop3A_232 = arith.constant 1 : i32
          %parallel_loop3A_233 = arith.constant 1 : i32
          %parallel_loop3A_234 = arith.index_cast %parallel_loop3A_232 : i32 to index
          %parallel_loop3A_235 = arith.index_cast %parallel_loop3A_98 : i32 to index
          %parallel_loop3A_236 = arith.index_cast %parallel_loop3A_233 : i32 to index
          %parallel_loop3A_237 = arith.constant 32 : index
          %parallel_loop3A_238 = tpu.vector_load %arg6[%parallel_loop3A_234, %parallel_loop3A_235, %parallel_loop3A_236, %parallel_loop3A_237] {strides = array<i32>} : memref<2x25x2x128xf32, #tpu.memory_space<vmem>>, vector<16xf32>,
          %parallel_loop3A_239 = arith.constant 128 : i32
          %parallel_loop3A_240 = arith.muli %parallel_loop3A_98, %parallel_loop3A_239 : i32
          %parallel_loop3A_241 = arith.constant 32 : i32
          %parallel_loop3A_242 = arith.addi %parallel_loop3A_240, %parallel_loop3A_241 : i32
          %parallel_loop3A_243 = arith.constant 1 : i32
          %parallel_loop3A_244 = arith.index_cast %parallel_loop3A_243 : i32 to index
          %parallel_loop3A_245 = arith.index_cast %parallel_loop3A_242 : i32 to index
          %parallel_loop3A_246 = tpu.vector_load %arg7[%parallel_loop3A_244, %parallel_loop3A_245] {strides = array<i32>} : memref<2x3200xf32, #tpu.memory_space<vmem>>, vector<16xf32>,
          %parallel_loop3A_247 = arith.fptosi %parallel_loop3A_231 : vector<16xf32> to vector<16xi32>
          %parallel_loop3A_248 = arith.fptosi %parallel_loop3A_238 : vector<16xf32> to vector<16xi32>
          %parallel_loop3A_249 = arith.sitofp %parallel_loop3A_247 : vector<16xi32> to vector<16xf32>
          %parallel_loop3A_250 = arith.subf %parallel_loop3A_231, %parallel_loop3A_249 : vector<16xf32>
          %parallel_loop3A_251 = arith.sitofp %parallel_loop3A_248 : vector<16xi32> to vector<16xf32>
          %parallel_loop3A_252 = arith.subf %parallel_loop3A_238, %parallel_loop3A_251 : vector<16xf32>
          %parallel_loop3A_253 = vector.bitcast %parallel_loop3A_247 : vector<16xi32> to vector<16xi32>
          %parallel_loop3A_254 = arith.constant 254 : i32
          %parallel_loop3A_255 = vector.broadcast %parallel_loop3A_254 : i32 to vector<16xi32>
          %parallel_loop3A_256 = arith.minui %parallel_loop3A_253, %parallel_loop3A_255 : vector<16xi32>
          %parallel_loop3A_257 = vector.bitcast %parallel_loop3A_256 : vector<16xi32> to vector<16xi32>
          %parallel_loop3A_258 = vector.bitcast %parallel_loop3A_248 : vector<16xi32> to vector<16xi32>
          %parallel_loop3A_259 = arith.constant 254 : i32
          %parallel_loop3A_260 = vector.broadcast %parallel_loop3A_259 : i32 to vector<16xi32>
          %parallel_loop3A_261 = arith.minui %parallel_loop3A_258, %parallel_loop3A_260 : vector<16xi32>
          %parallel_loop3A_262 = vector.bitcast %parallel_loop3A_261 : vector<16xi32> to vector<16xi32>
          %parallel_loop3A_263 = arith.constant 8 : i32
          %parallel_loop3A_264 = vector.broadcast %parallel_loop3A_263 : i32 to vector<16xi32>
          %parallel_loop3A_265 = arith.shli %parallel_loop3A_257, %parallel_loop3A_264 : vector<16xi32>
          %parallel_loop3A_266 = arith.addi %parallel_loop3A_265, %parallel_loop3A_262 : vector<16xi32>
          %parallel_loop3A_267 = arith.constant 1 : i32
          %parallel_loop3A_268 = vector.broadcast %parallel_loop3A_267 : i32 to vector<16xi32>
          %parallel_loop3A_269 = arith.addi %parallel_loop3A_266, %parallel_loop3A_268 : vector<16xi32>
          %parallel_loop3A_270 = arith.constant 256 : i32
          %parallel_loop3A_271 = vector.broadcast %parallel_loop3A_270 : i32 to vector<16xi32>
          %parallel_loop3A_272 = arith.addi %parallel_loop3A_266, %parallel_loop3A_271 : vector<16xi32>
          %parallel_loop3A_273 = arith.constant 257 : i32
          %parallel_loop3A_274 = vector.broadcast %parallel_loop3A_273 : i32 to vector<16xi32>
          %parallel_loop3A_275 = arith.addi %parallel_loop3A_266, %parallel_loop3A_274 : vector<16xi32>
          %parallel_loop3A_276 = arith.constant 1.000000e+00 : f32
          %parallel_loop3A_277 = vector.broadcast %parallel_loop3A_276 : f32 to vector<16xf32>
          %parallel_loop3A_278 = arith.subf %parallel_loop3A_277, %parallel_loop3A_250 : vector<16xf32>
          %parallel_loop3A_279 = arith.constant 1.000000e+00 : f32
          %parallel_loop3A_280 = vector.broadcast %parallel_loop3A_279 : f32 to vector<16xf32>
          %parallel_loop3A_281 = arith.subf %parallel_loop3A_280, %parallel_loop3A_252 : vector<16xf32>
          %parallel_loop3A_282 = arith.mulf %parallel_loop3A_278, %parallel_loop3A_246 : vector<16xf32>
          %parallel_loop3A_283 = arith.mulf %parallel_loop3A_250, %parallel_loop3A_246 : vector<16xf32>
          %parallel_loop3A_284 = arith.mulf %parallel_loop3A_282, %parallel_loop3A_281 : vector<16xf32>
          tpu.vector_store_idx %arg5[%parallel_loop3A_266], %parallel_loop3A_284 {add = true} : memref<65536xf32, #tpu.memory_space<vmem>>[vector<16xi32>], vector<16xf32>,
          %parallel_loop3A_285 = arith.mulf %parallel_loop3A_283, %parallel_loop3A_281 : vector<16xf32>
          tpu.vector_store_idx %arg5[%parallel_loop3A_272], %parallel_loop3A_285 {add = true} : memref<65536xf32, #tpu.memory_space<vmem>>[vector<16xi32>], vector<16xf32>,
          %parallel_loop3A_286 = arith.mulf %parallel_loop3A_282, %parallel_loop3A_252 : vector<16xf32>
          tpu.vector_store_idx %arg5[%parallel_loop3A_269], %parallel_loop3A_286 {add = true} : memref<65536xf32, #tpu.memory_space<vmem>>[vector<16xi32>], vector<16xf32>,
          %parallel_loop3A_287 = arith.mulf %parallel_loop3A_283, %parallel_loop3A_252 : vector<16xf32>
          tpu.vector_store_idx %arg5[%parallel_loop3A_275], %parallel_loop3A_287 {add = true} : memref<65536xf32, #tpu.memory_space<vmem>>[vector<16xi32>], vector<16xf32>,
          %parallel_loop3A_288 = arith.constant 1 : i32
          %parallel_loop3A_289 = arith.constant 0 : i32
          %parallel_loop3A_290 = arith.index_cast %parallel_loop3A_288 : i32 to index
          %parallel_loop3A_291 = arith.index_cast %parallel_loop3A_98 : i32 to index
          %parallel_loop3A_292 = arith.index_cast %parallel_loop3A_289 : i32 to index
          %parallel_loop3A_293 = arith.constant 48 : index
          %parallel_loop3A_294 = tpu.vector_load %arg6[%parallel_loop3A_290, %parallel_loop3A_291, %parallel_loop3A_292, %parallel_loop3A_293] {strides = array<i32>} : memref<2x25x2x128xf32, #tpu.memory_space<vmem>>, vector<16xf32>,
          %parallel_loop3A_295 = arith.constant 1 : i32
          %parallel_loop3A_296 = arith.constant 1 : i32
          %parallel_loop3A_297 = arith.index_cast %parallel_loop3A_295 : i32 to index
          %parallel_loop3A_298 = arith.index_cast %parallel_loop3A_98 : i32 to index
          %parallel_loop3A_299 = arith.index_cast %parallel_loop3A_296 : i32 to index
          %parallel_loop3A_300 = arith.constant 48 : index
          %parallel_loop3A_301 = tpu.vector_load %arg6[%parallel_loop3A_297, %parallel_loop3A_298, %parallel_loop3A_299, %parallel_loop3A_300] {strides = array<i32>} : memref<2x25x2x128xf32, #tpu.memory_space<vmem>>, vector<16xf32>,
          %parallel_loop3A_302 = arith.constant 128 : i32
          %parallel_loop3A_303 = arith.muli %parallel_loop3A_98, %parallel_loop3A_302 : i32
          %parallel_loop3A_304 = arith.constant 48 : i32
          %parallel_loop3A_305 = arith.addi %parallel_loop3A_303, %parallel_loop3A_304 : i32
          %parallel_loop3A_306 = arith.constant 1 : i32
          %parallel_loop3A_307 = arith.index_cast %parallel_loop3A_306 : i32 to index
          %parallel_loop3A_308 = arith.index_cast %parallel_loop3A_305 : i32 to index
          %parallel_loop3A_309 = tpu.vector_load %arg7[%parallel_loop3A_307, %parallel_loop3A_308] {strides = array<i32>} : memref<2x3200xf32, #tpu.memory_space<vmem>>, vector<16xf32>,
          %parallel_loop3A_310 = arith.fptosi %parallel_loop3A_294 : vector<16xf32> to vector<16xi32>
          %parallel_loop3A_311 = arith.fptosi %parallel_loop3A_301 : vector<16xf32> to vector<16xi32>
          %parallel_loop3A_312 = arith.sitofp %parallel_loop3A_310 : vector<16xi32> to vector<16xf32>
          %parallel_loop3A_313 = arith.subf %parallel_loop3A_294, %parallel_loop3A_312 : vector<16xf32>
          %parallel_loop3A_314 = arith.sitofp %parallel_loop3A_311 : vector<16xi32> to vector<16xf32>
          %parallel_loop3A_315 = arith.subf %parallel_loop3A_301, %parallel_loop3A_314 : vector<16xf32>
          %parallel_loop3A_316 = vector.bitcast %parallel_loop3A_310 : vector<16xi32> to vector<16xi32>
          %parallel_loop3A_317 = arith.constant 254 : i32
          %parallel_loop3A_318 = vector.broadcast %parallel_loop3A_317 : i32 to vector<16xi32>
          %parallel_loop3A_319 = arith.minui %parallel_loop3A_316, %parallel_loop3A_318 : vector<16xi32>
          %parallel_loop3A_320 = vector.bitcast %parallel_loop3A_319 : vector<16xi32> to vector<16xi32>
          %parallel_loop3A_321 = vector.bitcast %parallel_loop3A_311 : vector<16xi32> to vector<16xi32>
          %parallel_loop3A_322 = arith.constant 254 : i32
          %parallel_loop3A_323 = vector.broadcast %parallel_loop3A_322 : i32 to vector<16xi32>
          %parallel_loop3A_324 = arith.minui %parallel_loop3A_321, %parallel_loop3A_323 : vector<16xi32>
          %parallel_loop3A_325 = vector.bitcast %parallel_loop3A_324 : vector<16xi32> to vector<16xi32>
          %parallel_loop3A_326 = arith.constant 8 : i32
          %parallel_loop3A_327 = vector.broadcast %parallel_loop3A_326 : i32 to vector<16xi32>
          %parallel_loop3A_328 = arith.shli %parallel_loop3A_320, %parallel_loop3A_327 : vector<16xi32>
          %parallel_loop3A_329 = arith.addi %parallel_loop3A_328, %parallel_loop3A_325 : vector<16xi32>
          %parallel_loop3A_330 = arith.constant 1 : i32
          %parallel_loop3A_331 = vector.broadcast %parallel_loop3A_330 : i32 to vector<16xi32>
          %parallel_loop3A_332 = arith.addi %parallel_loop3A_329, %parallel_loop3A_331 : vector<16xi32>
          %parallel_loop3A_333 = arith.constant 256 : i32
          %parallel_loop3A_334 = vector.broadcast %parallel_loop3A_333 : i32 to vector<16xi32>
          %parallel_loop3A_335 = arith.addi %parallel_loop3A_329, %parallel_loop3A_334 : vector<16xi32>
          %parallel_loop3A_336 = arith.constant 257 : i32
          %parallel_loop3A_337 = vector.broadcast %parallel_loop3A_336 : i32 to vector<16xi32>
          %parallel_loop3A_338 = arith.addi %parallel_loop3A_329, %parallel_loop3A_337 : vector<16xi32>
          %parallel_loop3A_339 = arith.constant 1.000000e+00 : f32
          %parallel_loop3A_340 = vector.broadcast %parallel_loop3A_339 : f32 to vector<16xf32>
          %parallel_loop3A_341 = arith.subf %parallel_loop3A_340, %parallel_loop3A_313 : vector<16xf32>
          %parallel_loop3A_342 = arith.constant 1.000000e+00 : f32
          %parallel_loop3A_343 = vector.broadcast %parallel_loop3A_342 : f32 to vector<16xf32>
          %parallel_loop3A_344 = arith.subf %parallel_loop3A_343, %parallel_loop3A_315 : vector<16xf32>
          %parallel_loop3A_345 = arith.mulf %parallel_loop3A_341, %parallel_loop3A_309 : vector<16xf32>
          %parallel_loop3A_346 = arith.mulf %parallel_loop3A_313, %parallel_loop3A_309 : vector<16xf32>
          %parallel_loop3A_347 = arith.mulf %parallel_loop3A_345, %parallel_loop3A_344 : vector<16xf32>
          tpu.vector_store_idx %arg5[%parallel_loop3A_329], %parallel_loop3A_347 {add = true} : memref<65536xf32, #tpu.memory_space<vmem>>[vector<16xi32>], vector<16xf32>,
          %parallel_loop3A_348 = arith.mulf %parallel_loop3A_346, %parallel_loop3A_344 : vector<16xf32>
          tpu.vector_store_idx %arg5[%parallel_loop3A_335], %parallel_loop3A_348 {add = true} : memref<65536xf32, #tpu.memory_space<vmem>>[vector<16xi32>], vector<16xf32>,
          %parallel_loop3A_349 = arith.mulf %parallel_loop3A_345, %parallel_loop3A_315 : vector<16xf32>
          tpu.vector_store_idx %arg5[%parallel_loop3A_332], %parallel_loop3A_349 {add = true} : memref<65536xf32, #tpu.memory_space<vmem>>[vector<16xi32>], vector<16xf32>,
          %parallel_loop3A_350 = arith.mulf %parallel_loop3A_346, %parallel_loop3A_315 : vector<16xf32>
          tpu.vector_store_idx %arg5[%parallel_loop3A_338], %parallel_loop3A_350 {add = true} : memref<65536xf32, #tpu.memory_space<vmem>>[vector<16xi32>], vector<16xf32>,
          %parallel_loop3A_351 = arith.constant 1 : i32
          %parallel_loop3A_352 = arith.constant 0 : i32
          %parallel_loop3A_353 = arith.index_cast %parallel_loop3A_351 : i32 to index
          %parallel_loop3A_354 = arith.index_cast %parallel_loop3A_98 : i32 to index
          %parallel_loop3A_355 = arith.index_cast %parallel_loop3A_352 : i32 to index
          %parallel_loop3A_356 = arith.constant 64 : index
          %parallel_loop3A_357 = tpu.vector_load %arg6[%parallel_loop3A_353, %parallel_loop3A_354, %parallel_loop3A_355, %parallel_loop3A_356] {strides = array<i32>} : memref<2x25x2x128xf32, #tpu.memory_space<vmem>>, vector<16xf32>,
          %parallel_loop3A_358 = arith.constant 1 : i32
          %parallel_loop3A_359 = arith.constant 1 : i32
          %parallel_loop3A_360 = arith.index_cast %parallel_loop3A_358 : i32 to index
          %parallel_loop3A_361 = arith.index_cast %parallel_loop3A_98 : i32 to index
          %parallel_loop3A_362 = arith.index_cast %parallel_loop3A_359 : i32 to index
          %parallel_loop3A_363 = arith.constant 64 : index
          %parallel_loop3A_364 = tpu.vector_load %arg6[%parallel_loop3A_360, %parallel_loop3A_361, %parallel_loop3A_362, %parallel_loop3A_363] {strides = array<i32>} : memref<2x25x2x128xf32, #tpu.memory_space<vmem>>, vector<16xf32>,
          %parallel_loop3A_365 = arith.constant 128 : i32
          %parallel_loop3A_366 = arith.muli %parallel_loop3A_98, %parallel_loop3A_365 : i32
          %parallel_loop3A_367 = arith.constant 64 : i32
          %parallel_loop3A_368 = arith.addi %parallel_loop3A_366, %parallel_loop3A_367 : i32
          %parallel_loop3A_369 = arith.constant 1 : i32
          %parallel_loop3A_370 = arith.index_cast %parallel_loop3A_369 : i32 to index
          %parallel_loop3A_371 = arith.index_cast %parallel_loop3A_368 : i32 to index
          %parallel_loop3A_372 = tpu.vector_load %arg7[%parallel_loop3A_370, %parallel_loop3A_371] {strides = array<i32>} : memref<2x3200xf32, #tpu.memory_space<vmem>>, vector<16xf32>,
          %parallel_loop3A_373 = arith.fptosi %parallel_loop3A_357 : vector<16xf32> to vector<16xi32>
          %parallel_loop3A_374 = arith.fptosi %parallel_loop3A_364 : vector<16xf32> to vector<16xi32>
          %parallel_loop3A_375 = arith.sitofp %parallel_loop3A_373 : vector<16xi32> to vector<16xf32>
          %parallel_loop3A_376 = arith.subf %parallel_loop3A_357, %parallel_loop3A_375 : vector<16xf32>
          %parallel_loop3A_377 = arith.sitofp %parallel_loop3A_374 : vector<16xi32> to vector<16xf32>
          %parallel_loop3A_378 = arith.subf %parallel_loop3A_364, %parallel_loop3A_377 : vector<16xf32>
          %parallel_loop3A_379 = vector.bitcast %parallel_loop3A_373 : vector<16xi32> to vector<16xi32>
          %parallel_loop3A_380 = arith.constant 254 : i32
          %parallel_loop3A_381 = vector.broadcast %parallel_loop3A_380 : i32 to vector<16xi32>
          %parallel_loop3A_382 = arith.minui %parallel_loop3A_379, %parallel_loop3A_381 : vector<16xi32>
          %parallel_loop3A_383 = vector.bitcast %parallel_loop3A_382 : vector<16xi32> to vector<16xi32>
          %parallel_loop3A_384 = vector.bitcast %parallel_loop3A_374 : vector<16xi32> to vector<16xi32>
          %parallel_loop3A_385 = arith.constant 254 : i32
          %parallel_loop3A_386 = vector.broadcast %parallel_loop3A_385 : i32 to vector<16xi32>
          %parallel_loop3A_387 = arith.minui %parallel_loop3A_384, %parallel_loop3A_386 : vector<16xi32>
          %parallel_loop3A_388 = vector.bitcast %parallel_loop3A_387 : vector<16xi32> to vector<16xi32>
          %parallel_loop3A_389 = arith.constant 8 : i32
          %parallel_loop3A_390 = vector.broadcast %parallel_loop3A_389 : i32 to vector<16xi32>
          %parallel_loop3A_391 = arith.shli %parallel_loop3A_383, %parallel_loop3A_390 : vector<16xi32>
          %parallel_loop3A_392 = arith.addi %parallel_loop3A_391, %parallel_loop3A_388 : vector<16xi32>
          %parallel_loop3A_393 = arith.constant 1 : i32
          %parallel_loop3A_394 = vector.broadcast %parallel_loop3A_393 : i32 to vector<16xi32>
          %parallel_loop3A_395 = arith.addi %parallel_loop3A_392, %parallel_loop3A_394 : vector<16xi32>
          %parallel_loop3A_396 = arith.constant 256 : i32
          %parallel_loop3A_397 = vector.broadcast %parallel_loop3A_396 : i32 to vector<16xi32>
          %parallel_loop3A_398 = arith.addi %parallel_loop3A_392, %parallel_loop3A_397 : vector<16xi32>
          %parallel_loop3A_399 = arith.constant 257 : i32
          %parallel_loop3A_400 = vector.broadcast %parallel_loop3A_399 : i32 to vector<16xi32>
          %parallel_loop3A_401 = arith.addi %parallel_loop3A_392, %parallel_loop3A_400 : vector<16xi32>
          %parallel_loop3A_402 = arith.constant 1.000000e+00 : f32
          %parallel_loop3A_403 = vector.broadcast %parallel_loop3A_402 : f32 to vector<16xf32>
          %parallel_loop3A_404 = arith.subf %parallel_loop3A_403, %parallel_loop3A_376 : vector<16xf32>
          %parallel_loop3A_405 = arith.constant 1.000000e+00 : f32
          %parallel_loop3A_406 = vector.broadcast %parallel_loop3A_405 : f32 to vector<16xf32>
          %parallel_loop3A_407 = arith.subf %parallel_loop3A_406, %parallel_loop3A_378 : vector<16xf32>
          %parallel_loop3A_408 = arith.mulf %parallel_loop3A_404, %parallel_loop3A_372 : vector<16xf32>
          %parallel_loop3A_409 = arith.mulf %parallel_loop3A_376, %parallel_loop3A_372 : vector<16xf32>
          %parallel_loop3A_410 = arith.mulf %parallel_loop3A_408, %parallel_loop3A_407 : vector<16xf32>
          tpu.vector_store_idx %arg5[%parallel_loop3A_392], %parallel_loop3A_410 {add = true} : memref<65536xf32, #tpu.memory_space<vmem>>[vector<16xi32>], vector<16xf32>,
          %parallel_loop3A_411 = arith.mulf %parallel_loop3A_409, %parallel_loop3A_407 : vector<16xf32>
          tpu.vector_store_idx %arg5[%parallel_loop3A_398], %parallel_loop3A_411 {add = true} : memref<65536xf32, #tpu.memory_space<vmem>>[vector<16xi32>], vector<16xf32>,
          %parallel_loop3A_412 = arith.mulf %parallel_loop3A_408, %parallel_loop3A_378 : vector<16xf32>
          tpu.vector_store_idx %arg5[%parallel_loop3A_395], %parallel_loop3A_412 {add = true} : memref<65536xf32, #tpu.memory_space<vmem>>[vector<16xi32>], vector<16xf32>,
          %parallel_loop3A_413 = arith.mulf %parallel_loop3A_409, %parallel_loop3A_378 : vector<16xf32>
          tpu.vector_store_idx %arg5[%parallel_loop3A_401], %parallel_loop3A_413 {add = true} : memref<65536xf32, #tpu.memory_space<vmem>>[vector<16xi32>], vector<16xf32>,
          %parallel_loop3A_414 = arith.constant 1 : i32
          %parallel_loop3A_415 = arith.constant 0 : i32
          %parallel_loop3A_416 = arith.index_cast %parallel_loop3A_414 : i32 to index
          %parallel_loop3A_417 = arith.index_cast %parallel_loop3A_98 : i32 to index
          %parallel_loop3A_418 = arith.index_cast %parallel_loop3A_415 : i32 to index
          %parallel_loop3A_419 = arith.constant 80 : index
          %parallel_loop3A_420 = tpu.vector_load %arg6[%parallel_loop3A_416, %parallel_loop3A_417, %parallel_loop3A_418, %parallel_loop3A_419] {strides = array<i32>} : memref<2x25x2x128xf32, #tpu.memory_space<vmem>>, vector<16xf32>,
          %parallel_loop3A_421 = arith.constant 1 : i32
          %parallel_loop3A_422 = arith.constant 1 : i32
          %parallel_loop3A_423 = arith.index_cast %parallel_loop3A_421 : i32 to index
          %parallel_loop3A_424 = arith.index_cast %parallel_loop3A_98 : i32 to index
          %parallel_loop3A_425 = arith.index_cast %parallel_loop3A_422 : i32 to index
          %parallel_loop3A_426 = arith.constant 80 : index
          %parallel_loop3A_427 = tpu.vector_load %arg6[%parallel_loop3A_423, %parallel_loop3A_424, %parallel_loop3A_425, %parallel_loop3A_426] {strides = array<i32>} : memref<2x25x2x128xf32, #tpu.memory_space<vmem>>, vector<16xf32>,
          %parallel_loop3A_428 = arith.constant 128 : i32
          %parallel_loop3A_429 = arith.muli %parallel_loop3A_98, %parallel_loop3A_428 : i32
          %parallel_loop3A_430 = arith.constant 80 : i32
          %parallel_loop3A_431 = arith.addi %parallel_loop3A_429, %parallel_loop3A_430 : i32
          %parallel_loop3A_432 = arith.constant 1 : i32
          %parallel_loop3A_433 = arith.index_cast %parallel_loop3A_432 : i32 to index
          %parallel_loop3A_434 = arith.index_cast %parallel_loop3A_431 : i32 to index
          %parallel_loop3A_435 = tpu.vector_load %arg7[%parallel_loop3A_433, %parallel_loop3A_434] {strides = array<i32>} : memref<2x3200xf32, #tpu.memory_space<vmem>>, vector<16xf32>,
          %parallel_loop3A_436 = arith.fptosi %parallel_loop3A_420 : vector<16xf32> to vector<16xi32>
          %parallel_loop3A_437 = arith.fptosi %parallel_loop3A_427 : vector<16xf32> to vector<16xi32>
          %parallel_loop3A_438 = arith.sitofp %parallel_loop3A_436 : vector<16xi32> to vector<16xf32>
          %parallel_loop3A_439 = arith.subf %parallel_loop3A_420, %parallel_loop3A_438 : vector<16xf32>
          %parallel_loop3A_440 = arith.sitofp %parallel_loop3A_437 : vector<16xi32> to vector<16xf32>
          %parallel_loop3A_441 = arith.subf %parallel_loop3A_427, %parallel_loop3A_440 : vector<16xf32>
          %parallel_loop3A_442 = vector.bitcast %parallel_loop3A_436 : vector<16xi32> to vector<16xi32>
          %parallel_loop3A_443 = arith.constant 254 : i32
          %parallel_loop3A_444 = vector.broadcast %parallel_loop3A_443 : i32 to vector<16xi32>
          %parallel_loop3A_445 = arith.minui %parallel_loop3A_442, %parallel_loop3A_444 : vector<16xi32>
          %parallel_loop3A_446 = vector.bitcast %parallel_loop3A_445 : vector<16xi32> to vector<16xi32>
          %parallel_loop3A_447 = vector.bitcast %parallel_loop3A_437 : vector<16xi32> to vector<16xi32>
          %parallel_loop3A_448 = arith.constant 254 : i32
          %parallel_loop3A_449 = vector.broadcast %parallel_loop3A_448 : i32 to vector<16xi32>
          %parallel_loop3A_450 = arith.minui %parallel_loop3A_447, %parallel_loop3A_449 : vector<16xi32>
          %parallel_loop3A_451 = vector.bitcast %parallel_loop3A_450 : vector<16xi32> to vector<16xi32>
          %parallel_loop3A_452 = arith.constant 8 : i32
          %parallel_loop3A_453 = vector.broadcast %parallel_loop3A_452 : i32 to vector<16xi32>
          %parallel_loop3A_454 = arith.shli %parallel_loop3A_446, %parallel_loop3A_453 : vector<16xi32>
          %parallel_loop3A_455 = arith.addi %parallel_loop3A_454, %parallel_loop3A_451 : vector<16xi32>
          %parallel_loop3A_456 = arith.constant 1 : i32
          %parallel_loop3A_457 = vector.broadcast %parallel_loop3A_456 : i32 to vector<16xi32>
          %parallel_loop3A_458 = arith.addi %parallel_loop3A_455, %parallel_loop3A_457 : vector<16xi32>
          %parallel_loop3A_459 = arith.constant 256 : i32
          %parallel_loop3A_460 = vector.broadcast %parallel_loop3A_459 : i32 to vector<16xi32>
          %parallel_loop3A_461 = arith.addi %parallel_loop3A_455, %parallel_loop3A_460 : vector<16xi32>
          %parallel_loop3A_462 = arith.constant 257 : i32
          %parallel_loop3A_463 = vector.broadcast %parallel_loop3A_462 : i32 to vector<16xi32>
          %parallel_loop3A_464 = arith.addi %parallel_loop3A_455, %parallel_loop3A_463 : vector<16xi32>
          %parallel_loop3A_465 = arith.constant 1.000000e+00 : f32
          %parallel_loop3A_466 = vector.broadcast %parallel_loop3A_465 : f32 to vector<16xf32>
          %parallel_loop3A_467 = arith.subf %parallel_loop3A_466, %parallel_loop3A_439 : vector<16xf32>
          %parallel_loop3A_468 = arith.constant 1.000000e+00 : f32
          %parallel_loop3A_469 = vector.broadcast %parallel_loop3A_468 : f32 to vector<16xf32>
          %parallel_loop3A_470 = arith.subf %parallel_loop3A_469, %parallel_loop3A_441 : vector<16xf32>
          %parallel_loop3A_471 = arith.mulf %parallel_loop3A_467, %parallel_loop3A_435 : vector<16xf32>
          %parallel_loop3A_472 = arith.mulf %parallel_loop3A_439, %parallel_loop3A_435 : vector<16xf32>
          %parallel_loop3A_473 = arith.mulf %parallel_loop3A_471, %parallel_loop3A_470 : vector<16xf32>
          tpu.vector_store_idx %arg5[%parallel_loop3A_455], %parallel_loop3A_473 {add = true} : memref<65536xf32, #tpu.memory_space<vmem>>[vector<16xi32>], vector<16xf32>,
          %parallel_loop3A_474 = arith.mulf %parallel_loop3A_472, %parallel_loop3A_470 : vector<16xf32>
          tpu.vector_store_idx %arg5[%parallel_loop3A_461], %parallel_loop3A_474 {add = true} : memref<65536xf32, #tpu.memory_space<vmem>>[vector<16xi32>], vector<16xf32>,
          %parallel_loop3A_475 = arith.mulf %parallel_loop3A_471, %parallel_loop3A_441 : vector<16xf32>
          tpu.vector_store_idx %arg5[%parallel_loop3A_458], %parallel_loop3A_475 {add = true} : memref<65536xf32, #tpu.memory_space<vmem>>[vector<16xi32>], vector<16xf32>,
          %parallel_loop3A_476 = arith.mulf %parallel_loop3A_472, %parallel_loop3A_441 : vector<16xf32>
          tpu.vector_store_idx %arg5[%parallel_loop3A_464], %parallel_loop3A_476 {add = true} : memref<65536xf32, #tpu.memory_space<vmem>>[vector<16xi32>], vector<16xf32>,
          %parallel_loop3A_477 = arith.constant 1 : i32
          %parallel_loop3A_478 = arith.constant 0 : i32
          %parallel_loop3A_479 = arith.index_cast %parallel_loop3A_477 : i32 to index
          %parallel_loop3A_480 = arith.index_cast %parallel_loop3A_98 : i32 to index
          %parallel_loop3A_481 = arith.index_cast %parallel_loop3A_478 : i32 to index
          %parallel_loop3A_482 = arith.constant 96 : index
          %parallel_loop3A_483 = tpu.vector_load %arg6[%parallel_loop3A_479, %parallel_loop3A_480, %parallel_loop3A_481, %parallel_loop3A_482] {strides = array<i32>} : memref<2x25x2x128xf32, #tpu.memory_space<vmem>>, vector<16xf32>,
          %parallel_loop3A_484 = arith.constant 1 : i32
          %parallel_loop3A_485 = arith.constant 1 : i32
          %parallel_loop3A_486 = arith.index_cast %parallel_loop3A_484 : i32 to index
          %parallel_loop3A_487 = arith.index_cast %parallel_loop3A_98 : i32 to index
          %parallel_loop3A_488 = arith.index_cast %parallel_loop3A_485 : i32 to index
          %parallel_loop3A_489 = arith.constant 96 : index
          %parallel_loop3A_490 = tpu.vector_load %arg6[%parallel_loop3A_486, %parallel_loop3A_487, %parallel_loop3A_488, %parallel_loop3A_489] {strides = array<i32>} : memref<2x25x2x128xf32, #tpu.memory_space<vmem>>, vector<16xf32>,
          %parallel_loop3A_491 = arith.constant 128 : i32
          %parallel_loop3A_492 = arith.muli %parallel_loop3A_98, %parallel_loop3A_491 : i32
          %parallel_loop3A_493 = arith.constant 96 : i32
          %parallel_loop3A_494 = arith.addi %parallel_loop3A_492, %parallel_loop3A_493 : i32
          %parallel_loop3A_495 = arith.constant 1 : i32
          %parallel_loop3A_496 = arith.index_cast %parallel_loop3A_495 : i32 to index
          %parallel_loop3A_497 = arith.index_cast %parallel_loop3A_494 : i32 to index
          %parallel_loop3A_498 = tpu.vector_load %arg7[%parallel_loop3A_496, %parallel_loop3A_497] {strides = array<i32>} : memref<2x3200xf32, #tpu.memory_space<vmem>>, vector<16xf32>,
          %parallel_loop3A_499 = arith.fptosi %parallel_loop3A_483 : vector<16xf32> to vector<16xi32>
          %parallel_loop3A_500 = arith.fptosi %parallel_loop3A_490 : vector<16xf32> to vector<16xi32>
          %parallel_loop3A_501 = arith.sitofp %parallel_loop3A_499 : vector<16xi32> to vector<16xf32>
          %parallel_loop3A_502 = arith.subf %parallel_loop3A_483, %parallel_loop3A_501 : vector<16xf32>
          %parallel_loop3A_503 = arith.sitofp %parallel_loop3A_500 : vector<16xi32> to vector<16xf32>
          %parallel_loop3A_504 = arith.subf %parallel_loop3A_490, %parallel_loop3A_503 : vector<16xf32>
          %parallel_loop3A_505 = vector.bitcast %parallel_loop3A_499 : vector<16xi32> to vector<16xi32>
          %parallel_loop3A_506 = arith.constant 254 : i32
          %parallel_loop3A_507 = vector.broadcast %parallel_loop3A_506 : i32 to vector<16xi32>
          %parallel_loop3A_508 = arith.minui %parallel_loop3A_505, %parallel_loop3A_507 : vector<16xi32>
          %parallel_loop3A_509 = vector.bitcast %parallel_loop3A_508 : vector<16xi32> to vector<16xi32>
          %parallel_loop3A_510 = vector.bitcast %parallel_loop3A_500 : vector<16xi32> to vector<16xi32>
          %parallel_loop3A_511 = arith.constant 254 : i32
          %parallel_loop3A_512 = vector.broadcast %parallel_loop3A_511 : i32 to vector<16xi32>
          %parallel_loop3A_513 = arith.minui %parallel_loop3A_510, %parallel_loop3A_512 : vector<16xi32>
          %parallel_loop3A_514 = vector.bitcast %parallel_loop3A_513 : vector<16xi32> to vector<16xi32>
          %parallel_loop3A_515 = arith.constant 8 : i32
          %parallel_loop3A_516 = vector.broadcast %parallel_loop3A_515 : i32 to vector<16xi32>
          %parallel_loop3A_517 = arith.shli %parallel_loop3A_509, %parallel_loop3A_516 : vector<16xi32>
          %parallel_loop3A_518 = arith.addi %parallel_loop3A_517, %parallel_loop3A_514 : vector<16xi32>
          %parallel_loop3A_519 = arith.constant 1 : i32
          %parallel_loop3A_520 = vector.broadcast %parallel_loop3A_519 : i32 to vector<16xi32>
          %parallel_loop3A_521 = arith.addi %parallel_loop3A_518, %parallel_loop3A_520 : vector<16xi32>
          %parallel_loop3A_522 = arith.constant 256 : i32
          %parallel_loop3A_523 = vector.broadcast %parallel_loop3A_522 : i32 to vector<16xi32>
          %parallel_loop3A_524 = arith.addi %parallel_loop3A_518, %parallel_loop3A_523 : vector<16xi32>
          %parallel_loop3A_525 = arith.constant 257 : i32
          %parallel_loop3A_526 = vector.broadcast %parallel_loop3A_525 : i32 to vector<16xi32>
          %parallel_loop3A_527 = arith.addi %parallel_loop3A_518, %parallel_loop3A_526 : vector<16xi32>
          %parallel_loop3A_528 = arith.constant 1.000000e+00 : f32
          %parallel_loop3A_529 = vector.broadcast %parallel_loop3A_528 : f32 to vector<16xf32>
          %parallel_loop3A_530 = arith.subf %parallel_loop3A_529, %parallel_loop3A_502 : vector<16xf32>
          %parallel_loop3A_531 = arith.constant 1.000000e+00 : f32
          %parallel_loop3A_532 = vector.broadcast %parallel_loop3A_531 : f32 to vector<16xf32>
          %parallel_loop3A_533 = arith.subf %parallel_loop3A_532, %parallel_loop3A_504 : vector<16xf32>
          %parallel_loop3A_534 = arith.mulf %parallel_loop3A_530, %parallel_loop3A_498 : vector<16xf32>
          %parallel_loop3A_535 = arith.mulf %parallel_loop3A_502, %parallel_loop3A_498 : vector<16xf32>
          %parallel_loop3A_536 = arith.mulf %parallel_loop3A_534, %parallel_loop3A_533 : vector<16xf32>
          tpu.vector_store_idx %arg5[%parallel_loop3A_518], %parallel_loop3A_536 {add = true} : memref<65536xf32, #tpu.memory_space<vmem>>[vector<16xi32>], vector<16xf32>,
          %parallel_loop3A_537 = arith.mulf %parallel_loop3A_535, %parallel_loop3A_533 : vector<16xf32>
          tpu.vector_store_idx %arg5[%parallel_loop3A_524], %parallel_loop3A_537 {add = true} : memref<65536xf32, #tpu.memory_space<vmem>>[vector<16xi32>], vector<16xf32>,
          %parallel_loop3A_538 = arith.mulf %parallel_loop3A_534, %parallel_loop3A_504 : vector<16xf32>
          tpu.vector_store_idx %arg5[%parallel_loop3A_521], %parallel_loop3A_538 {add = true} : memref<65536xf32, #tpu.memory_space<vmem>>[vector<16xi32>], vector<16xf32>,
          %parallel_loop3A_539 = arith.mulf %parallel_loop3A_535, %parallel_loop3A_504 : vector<16xf32>
          tpu.vector_store_idx %arg5[%parallel_loop3A_527], %parallel_loop3A_539 {add = true} : memref<65536xf32, #tpu.memory_space<vmem>>[vector<16xi32>], vector<16xf32>,
          %parallel_loop3A_540 = arith.constant 1 : i32
          %parallel_loop3A_541 = arith.constant 0 : i32
          %parallel_loop3A_542 = arith.index_cast %parallel_loop3A_540 : i32 to index
          %parallel_loop3A_543 = arith.index_cast %parallel_loop3A_98 : i32 to index
          %parallel_loop3A_544 = arith.index_cast %parallel_loop3A_541 : i32 to index
          %parallel_loop3A_545 = arith.constant 112 : index
          %parallel_loop3A_546 = tpu.vector_load %arg6[%parallel_loop3A_542, %parallel_loop3A_543, %parallel_loop3A_544, %parallel_loop3A_545] {strides = array<i32>} : memref<2x25x2x128xf32, #tpu.memory_space<vmem>>, vector<16xf32>,
          %parallel_loop3A_547 = arith.constant 1 : i32
          %parallel_loop3A_548 = arith.constant 1 : i32
          %parallel_loop3A_549 = arith.index_cast %parallel_loop3A_547 : i32 to index
          %parallel_loop3A_550 = arith.index_cast %parallel_loop3A_98 : i32 to index
          %parallel_loop3A_551 = arith.index_cast %parallel_loop3A_548 : i32 to index
          %parallel_loop3A_552 = arith.constant 112 : index
          %parallel_loop3A_553 = tpu.vector_load %arg6[%parallel_loop3A_549, %parallel_loop3A_550, %parallel_loop3A_551, %parallel_loop3A_552] {strides = array<i32>} : memref<2x25x2x128xf32, #tpu.memory_space<vmem>>, vector<16xf32>,
          %parallel_loop3A_554 = arith.constant 128 : i32
          %parallel_loop3A_555 = arith.muli %parallel_loop3A_98, %parallel_loop3A_554 : i32
          %parallel_loop3A_556 = arith.constant 112 : i32
          %parallel_loop3A_557 = arith.addi %parallel_loop3A_555, %parallel_loop3A_556 : i32
          %parallel_loop3A_558 = arith.constant 1 : i32
          %parallel_loop3A_559 = arith.index_cast %parallel_loop3A_558 : i32 to index
          %parallel_loop3A_560 = arith.index_cast %parallel_loop3A_557 : i32 to index
          %parallel_loop3A_561 = tpu.vector_load %arg7[%parallel_loop3A_559, %parallel_loop3A_560] {strides = array<i32>} : memref<2x3200xf32, #tpu.memory_space<vmem>>, vector<16xf32>,
          %parallel_loop3A_562 = arith.fptosi %parallel_loop3A_546 : vector<16xf32> to vector<16xi32>
          %parallel_loop3A_563 = arith.fptosi %parallel_loop3A_553 : vector<16xf32> to vector<16xi32>
          %parallel_loop3A_564 = arith.sitofp %parallel_loop3A_562 : vector<16xi32> to vector<16xf32>
          %parallel_loop3A_565 = arith.subf %parallel_loop3A_546, %parallel_loop3A_564 : vector<16xf32>
          %parallel_loop3A_566 = arith.sitofp %parallel_loop3A_563 : vector<16xi32> to vector<16xf32>
          %parallel_loop3A_567 = arith.subf %parallel_loop3A_553, %parallel_loop3A_566 : vector<16xf32>
          %parallel_loop3A_568 = vector.bitcast %parallel_loop3A_562 : vector<16xi32> to vector<16xi32>
          %parallel_loop3A_569 = arith.constant 254 : i32
          %parallel_loop3A_570 = vector.broadcast %parallel_loop3A_569 : i32 to vector<16xi32>
          %parallel_loop3A_571 = arith.minui %parallel_loop3A_568, %parallel_loop3A_570 : vector<16xi32>
          %parallel_loop3A_572 = vector.bitcast %parallel_loop3A_571 : vector<16xi32> to vector<16xi32>
          %parallel_loop3A_573 = vector.bitcast %parallel_loop3A_563 : vector<16xi32> to vector<16xi32>
          %parallel_loop3A_574 = arith.constant 254 : i32
          %parallel_loop3A_575 = vector.broadcast %parallel_loop3A_574 : i32 to vector<16xi32>
          %parallel_loop3A_576 = arith.minui %parallel_loop3A_573, %parallel_loop3A_575 : vector<16xi32>
          %parallel_loop3A_577 = vector.bitcast %parallel_loop3A_576 : vector<16xi32> to vector<16xi32>
          %parallel_loop3A_578 = arith.constant 8 : i32
          %parallel_loop3A_579 = vector.broadcast %parallel_loop3A_578 : i32 to vector<16xi32>
          %parallel_loop3A_580 = arith.shli %parallel_loop3A_572, %parallel_loop3A_579 : vector<16xi32>
          %parallel_loop3A_581 = arith.addi %parallel_loop3A_580, %parallel_loop3A_577 : vector<16xi32>
          %parallel_loop3A_582 = arith.constant 1 : i32
          %parallel_loop3A_583 = vector.broadcast %parallel_loop3A_582 : i32 to vector<16xi32>
          %parallel_loop3A_584 = arith.addi %parallel_loop3A_581, %parallel_loop3A_583 : vector<16xi32>
          %parallel_loop3A_585 = arith.constant 256 : i32
          %parallel_loop3A_586 = vector.broadcast %parallel_loop3A_585 : i32 to vector<16xi32>
          %parallel_loop3A_587 = arith.addi %parallel_loop3A_581, %parallel_loop3A_586 : vector<16xi32>
          %parallel_loop3A_588 = arith.constant 257 : i32
          %parallel_loop3A_589 = vector.broadcast %parallel_loop3A_588 : i32 to vector<16xi32>
          %parallel_loop3A_590 = arith.addi %parallel_loop3A_581, %parallel_loop3A_589 : vector<16xi32>
          %parallel_loop3A_591 = arith.constant 1.000000e+00 : f32
          %parallel_loop3A_592 = vector.broadcast %parallel_loop3A_591 : f32 to vector<16xf32>
          %parallel_loop3A_593 = arith.subf %parallel_loop3A_592, %parallel_loop3A_565 : vector<16xf32>
          %parallel_loop3A_594 = arith.constant 1.000000e+00 : f32
          %parallel_loop3A_595 = vector.broadcast %parallel_loop3A_594 : f32 to vector<16xf32>
          %parallel_loop3A_596 = arith.subf %parallel_loop3A_595, %parallel_loop3A_567 : vector<16xf32>
          %parallel_loop3A_597 = arith.mulf %parallel_loop3A_593, %parallel_loop3A_561 : vector<16xf32>
          %parallel_loop3A_598 = arith.mulf %parallel_loop3A_565, %parallel_loop3A_561 : vector<16xf32>
          %parallel_loop3A_599 = arith.mulf %parallel_loop3A_597, %parallel_loop3A_596 : vector<16xf32>
          tpu.vector_store_idx %arg5[%parallel_loop3A_581], %parallel_loop3A_599 {add = true} : memref<65536xf32, #tpu.memory_space<vmem>>[vector<16xi32>], vector<16xf32>,
          %parallel_loop3A_600 = arith.mulf %parallel_loop3A_598, %parallel_loop3A_596 : vector<16xf32>
          tpu.vector_store_idx %arg5[%parallel_loop3A_587], %parallel_loop3A_600 {add = true} : memref<65536xf32, #tpu.memory_space<vmem>>[vector<16xi32>], vector<16xf32>,
          %parallel_loop3A_601 = arith.mulf %parallel_loop3A_597, %parallel_loop3A_567 : vector<16xf32>
          tpu.vector_store_idx %arg5[%parallel_loop3A_584], %parallel_loop3A_601 {add = true} : memref<65536xf32, #tpu.memory_space<vmem>>[vector<16xi32>], vector<16xf32>,
          %parallel_loop3A_602 = arith.mulf %parallel_loop3A_598, %parallel_loop3A_567 : vector<16xf32>
          tpu.vector_store_idx %arg5[%parallel_loop3A_590], %parallel_loop3A_602 {add = true} : memref<65536xf32, #tpu.memory_space<vmem>>[vector<16xi32>], vector<16xf32>,
        } {sc.loop_unroll_factor = 5 : i64, sc.parallel_access}
      } else {
      }
    }
    %scan3A_41 = arith.constant 10 : i32
    "tpu.region"() ({
      %run_scoped3A = tpu.sem_alloc : memref<!tpu.dma_semaphore, #tpu.memory_space<semaphore_mem>>
      %dma_start3A_42 = arith.constant 0 : i32
      %dma_start3A_43 = tpu.memref_slice %arg4[%add3A, %dma_start3A_42] : memref<32x65536xf32, #tpu.memory_space<hbm>> -> memref<1x65536xf32, #tpu.memory_space<hbm>>
      %dma_start3A_44 = tpu.memref_squeeze %dma_start3A_43 : memref<1x65536xf32, #tpu.memory_space<hbm>> -> memref<65536xf32, #tpu.memory_space<hbm>>
      %dma_start3A_45 = arith.constant 0 : i32
      %dma_start3A_46 = tpu.memref_slice %arg4[%add3A, %dma_start3A_45] : memref<32x65536xf32, #tpu.memory_space<hbm>> -> memref<1x65536xf32, #tpu.memory_space<hbm>>
      %dma_start3A_47 = tpu.memref_squeeze %dma_start3A_46 : memref<1x65536xf32, #tpu.memory_space<hbm>> -> memref<65536xf32, #tpu.memory_space<hbm>>
      tpu.enqueue_dma source(%arg5 : memref<65536xf32, #tpu.memory_space<vmem>>) target(%dma_start3A_47 : memref<65536xf32, #tpu.memory_space<hbm>>) target_semaphore(%run_scoped3A : memref<!tpu.dma_semaphore, #tpu.memory_space<semaphore_mem>>)
      %dma_wait3A = arith.constant 0 : i32
      %dma_wait3A_48 = tpu.memref_slice %arg4[%add3A, %dma_wait3A] : memref<32x65536xf32, #tpu.memory_space<hbm>> -> memref<1x65536xf32, #tpu.memory_space<hbm>>
      %dma_wait3A_49 = tpu.memref_squeeze %dma_wait3A_48 : memref<1x65536xf32, #tpu.memory_space<hbm>> -> memref<65536xf32, #tpu.memory_space<hbm>>
      %dma_wait3A_50 = arith.constant 0 : i32
      %dma_wait3A_51 = tpu.memref_slice %arg4[%add3A, %dma_wait3A_50] : memref<32x65536xf32, #tpu.memory_space<hbm>> -> memref<1x65536xf32, #tpu.memory_space<hbm>>
      %dma_wait3A_52 = tpu.memref_squeeze %dma_wait3A_51 : memref<1x65536xf32, #tpu.memory_space<hbm>> -> memref<65536xf32, #tpu.memory_space<hbm>>
      tpu.wait_dma2 semaphore(%run_scoped3A : memref<!tpu.dma_semaphore, #tpu.memory_space<semaphore_mem>>) src(%arg5 : memref<65536xf32, #tpu.memory_space<vmem>>) dst(%dma_wait3A_52 : memref<65536xf32, #tpu.memory_space<hbm>>)
      tpu.yield
    }) : () -> ()
    return
  }
}

module attributes {stable_mosaic.version = 14 : i64} {
  func.func @_sum_partials_body(%arg0: memref<32x65536xf32, #tpu.memory_space<vmem>>, %arg1: memref<256x256xf32, #tpu.memory_space<vmem>>) attributes {dimension_semantics = [], scalar_prefetch = 0 : i64, scratch_operands = 0 : i64, tpu.core_type = #tpu.core_type<tc>} {
    %get3A = arith.constant 0 : index
    %get3A_0 = arith.constant 0 : index
    %get3A_1 = vector.load %arg0[%get3A, %get3A_0] : memref<32x65536xf32, #tpu.memory_space<vmem>>, vector<32x65536xf32>
    %reduce_sum3A = arith.constant dense<0.000000e+00> : vector<65536xf32>
    %reduce_sum3A_2 = vector.multi_reduction <add>, %get3A_1, %reduce_sum3A [0] : vector<32x65536xf32> to vector<65536xf32>
    %reshape3A = vector.shape_cast %reduce_sum3A_2 : vector<65536xf32> to vector<256x256xf32>
    %swap3A = arith.constant 0 : index
    %swap3A_3 = arith.constant 0 : index
    %swap3A_4 = vector.load %arg1[%swap3A, %swap3A_3] : memref<256x256xf32, #tpu.memory_space<vmem>>, vector<256x256xf32>
    tpu.vector_store %arg1[%swap3A, %swap3A_3], %reshape3A {strides = array<i32>} : memref<256x256xf32, #tpu.memory_space<vmem>>, vector<256x256xf32>,
    return
  }
}

</mosaic_0001>

<sc_bundles>
// kernel: kernel.4.cloned.1.call-start
scs
__scs_entry_jumppad:
0x0: {  	(pc) =	sbr.rel $0x88, $3  }
0x1: {  	(tag) =	ssettag $0x0;
	lr =	simm.s32 $0x1  }
0x2: {  	[smem:$0x3F9F] =	sst lr;
	_ =	strace $0xD0000000  }
0x3: {  	_ = 	snop  }
0x4: {  	_ = 	snop  }
0x5: {  	_ = 	snop  }
0x6: {  	_ = 	snop  }
0x7: {  	_ = 	snop  }
__scs_overlays_trampoline_lowered:
0x8: {  	[smem:$0x3FAE] =	sst s0  }
0x9: {  	[smem:$0x3FAF] =	sst s1  }
0xa: {  	[smem:$0x3FB0] =	sst s2  }
0xb: {  	[smem:$0x3FB1] =	sst s3  }
0xc: {  	[smem:$0x3FB2] =	sst s4  }
0xd: {  	[smem:$0x3FB3] =	sst s5  }
0xe: {  	[smem:$0x3FB4] =	sst s6  }
0xf: {  	[smem:$0x3FB5] =	sst s7  }
0x10: {  	[smem:$0x3FB6] =	sst s8  }
0x11: {  	[smem:$0x3FB7] =	sst s9;
	s0 =	simm.s32 @!p0 $0x0  }
0x12: {  	s1 =	sld [smem:$0x3F9D];
	s0 =	simm.s32 @p0 $0x1  }
0x13: {  	[smem:$0x3FB8] =	sst s0;
	s0 =	simm.s32 @!p1 $0x0  }
0x14: {  	s2 =	sld [smem:$0x3F9C];
	s0 =	simm.s32 @p1 $0x1  }
0x15: {  	[smem:$0x3FB9] =	sst s0;
	s0 =	simm.s32 @!p2 $0x0  }
0x16: {  	s3 =	sld [smem:$0x3FDB];
	s0 =	simm.s32 @p2 $0x1  }
0x17: {  	s4 =	simm.s32 $0x1BF5;
	[smem:$0x3FBB] =	sst s0  }
0x18: {  	s0 =	sld [smem:$0x3F9E];
	_ =	swait.ge [sflag:s4], $0x0  }
0x19: {  	s7 =	sld [smem:$0x3F9F]  }
0x1a: {  	s8 =	sadd.s32 $0xFFFFE003, lr  }
0x1b: {  	s9 =	sadd.s32 $0xFFFFFEF7, lr;
	s5 =	simm.s32 $0xFFFFFFFF;
	p2 =	slt.u32 s8, $0xFFFFF086  }
0x1c: {  	p1 =	slt.u32 s9, $0xF7A;
	s5 =	simm.s32 @!p2 $0x0  }
0x1d: {  	s5 =	simm.s32 @p1 $0x1;
	p0 =	seq.s32 s7, s2  }
0x1e: {  	s7 =	smul.u32 @!p0 $0xF7A, s2;
	p2 =	seq.s32 @!p0 s5, $0x0  }
0x1f: {  	s9 =	smul.u32 $0xF7A, s1;
	s8 =	simm.s32 @!p0 $0x1BF5;
	p2 =	por !p2, p0  }
0x20: {  	[sflag:s8] =	ssyncset.s32 @!p0 $0xFFFFF086;
	s6 =	sadd.s32 @!p0 s3, s7;
	s7 =	simm.s32 @!p0 $0x108  }
0x21: {  	s3 =	sadd.s32 s3, s9;
	s6 =	sadd.s32 @!p0 $0x88, s6;
	s7 =	simm.s32 @p2 $0x1082  }
0x22: {  	[simem:s7], [sflag:s8] =	dma.local @!p0 [hbm:s6], $0xF7A  }
0x23: {  	s9 =	sor.u32 $0xD0000000, s2;
	s6 =	simm.s32 $0x108;
	_ =	swait.ge @!p0 [sflag:s8], $0x0  }
0x24: {  	s3 =	sadd.s32 $0x88, s3;
	s6 =	simm.s32 @!p1 $0x1082;
	[sflag:s4] =	ssyncset.s32 $0xFFFFF086  }
0x25: {  	[simem:s6], [sflag:s4] =	dma.local [hbm:s3], $0xF7A  }
0x26: {  	[smem:$0x3F9F] =	sst s1;
	(tag) =	ssettag s2;
	_ =	strace s9  }
0x27: {  	s1 =	sld [smem:$0x3FAF]  }
0x28: {  	s2 =	sld [smem:$0x3FB0]  }
0x29: {  	s4 =	sld [smem:$0x3FB2]  }
0x2a: {  	p0 =	seq.s32 s5, $0x0;
	s5 =	sld [smem:$0x3FB3]  }
0x2b: {  	s6 =	sld [smem:$0x3FB4]  }
0x2c: {  	s7 =	sld [smem:$0x3FB5]  }
0x2d: {  	s3 =	simm.s32 $0x108;
	s8 =	sld [smem:$0x3FB6]  }
0x2e: {  	s3 =	simm.s32 @!p0 $0x1082;
	s9 =	sld [smem:$0x3FB7]  }
0x2f: {  	lr =	sadd.s32 s0, s3;
	s0 =	sld [smem:$0x3FAE]  }
0x30: {  	s3 =	sld [smem:$0x3FB1]  }
0x31: {  	[smem:$0x3FBA] =	sst s10  }
0x32: {  	s10 =	sld [smem:$0x3FB8];
	_ =	sdelay $0x3  }
0x33: {  	p0 =	seq.s32 s10, $0x1;
	s10 =	sld [smem:$0x3FBA];
	_ =	sdelay $0x3  }
0x34: {  	[smem:$0x3FBA] =	sst s10  }
0x35: {  	s10 =	sld [smem:$0x3FB9];
	_ =	sdelay $0x3  }
0x36: {  	p1 =	seq.s32 s10, $0x1;
	s10 =	sld [smem:$0x3FBA];
	_ =	sdelay $0x3  }
0x37: {  	[smem:$0x3FBA] =	sst s10  }
0x38: {  	s10 =	sld [smem:$0x3FBB]  }
0x39: {  	_ = 	snop;
	(pc) =	sbr.ind lr, $3  }
0x3a: {  	_ = 	snop  }
0x3b: {  	_ = 	snop  }
0x3c: {  	p2 =	seq.s32 s10, $0x1;
	s10 =	sld [smem:$0x3FBA]  }
0x3d: {  	_ =	shalt  }
0x3e: {  	_ =	shalt  }
0x3f: {  	_ =	shalt  }
0x40: {  	_ =	shalt  }
0x41: {  	_ =	shalt  }
0x42: {  	_ =	shalt  }
0x43: {  	_ =	shalt  }
0x44: {  	_ =	shalt  }
0x45: {  	_ =	shalt  }
0x46: {  	_ =	shalt  }
0x47: {  	_ =	shalt  }
0x48: {  	_ =	shalt  }
0x49: {  	_ =	shalt  }
0x4a: {  	_ =	shalt  }
0x4b: {  	_ =	shalt  }
0x4c: {  	_ =	shalt  }
0x4d: {  	_ =	shalt  }
0x4e: {  	_ =	shalt  }
0x4f: {  	_ =	shalt  }
0x50: {  	_ =	shalt  }
0x51: {  	_ =	shalt  }
0x52: {  	_ =	shalt  }
0x53: {  	_ =	shalt  }
0x54: {  	_ =	shalt  }
0x55: {  	_ =	shalt  }
0x56: {  	_ =	shalt  }
0x57: {  	_ =	shalt  }
0x58: {  	_ =	shalt  }
0x59: {  	_ =	shalt  }
0x5a: {  	_ =	shalt  }
0x5b: {  	_ =	shalt  }
0x5c: {  	_ =	shalt  }
0x5d: {  	_ =	shalt  }
0x5e: {  	_ =	shalt  }
0x5f: {  	_ =	shalt  }
0x60: {  	_ =	shalt  }
0x61: {  	_ =	shalt  }
0x62: {  	_ =	shalt  }
0x63: {  	_ =	shalt  }
0x64: {  	_ =	shalt  }
0x65: {  	_ =	shalt  }
0x66: {  	_ =	shalt  }
0x67: {  	_ =	shalt  }
0x68: {  	_ =	shalt  }
0x69: {  	_ =	shalt  }
0x6a: {  	_ =	shalt  }
0x6b: {  	_ =	shalt  }
0x6c: {  	_ =	shalt  }
0x6d: {  	_ =	shalt  }
0x6e: {  	_ =	shalt  }
0x6f: {  	_ =	shalt  }
0x70: {  	_ =	shalt  }
0x71: {  	_ =	shalt  }
0x72: {  	_ =	shalt  }
0x73: {  	_ =	shalt  }
0x74: {  	_ =	shalt  }
0x75: {  	_ =	shalt  }
0x76: {  	_ =	shalt  }
0x77: {  	_ =	shalt  }
0x78: {  	_ =	shalt  }
0x79: {  	_ =	shalt  }
0x7a: {  	_ =	shalt  }
0x7b: {  	_ =	shalt  }
0x7c: {  	_ =	shalt  }
0x7d: {  	_ =	shalt  }
0x7e: {  	_ =	shalt  }
0x7f: {  	_ =	shalt  }
0x80: {  	_ =	shalt  }
0x81: {  	_ =	shalt  }
0x82: {  	_ =	shalt  }
0x83: {  	_ =	shalt  }
0x84: {  	_ =	shalt  }
0x85: {  	_ =	shalt  }
0x86: {  	_ =	shalt  }
0x87: {  	_ =	shalt  }
.Lfunc_end0:
.L_simem_size_0:
called_computation_lowered:
.L_overlay_start_0:
0x88: {  	s2 =	sld [smem:$0x3FD9]  }
0x89: {  	s3 =	sld [smem:$0x3FFE];
	_ =	sdelay $0x1  }
0x8a: {  	s1 =	srdreg.scid  }
0x8b: {  	s0 =	sand.u32 $0x1, s1  }
0x8c: {  	s17 =	sshll.u32 s0, $0xA;
	s2 =	sadd.s32 s3, s2  }
0x8d: {  	s2 =	sadd.s32 s2, s17  }
0x8e: {  	[smem:$0x3FC6] =	sst s2  }
0x8f: {  	_ = 	snop  }
0x90: {  	s2 =	sld [smem:$0x3FC9]  }
0x91: {  	s18 =	sld [smem:$0x3FC8];
	(tm) =	ssettm $0x1  }
0x92: {  	s4 =	sld [smem:$0x3FFB];
	_ =	sdelay $0x3  }
0x93: {  	_ =	strace s4  }
0x94: {  	s4 =	sld [smem:$0x3FFC];
	_ =	sdelay $0x3  }
0x95: {  	_ =	strace s4  }
0x96: {  	s4 =	sld [smem:$0x3FFD];
	_ =	sdelay $0x3  }
0x97: {  	_ =	strace s4  }
0x98: {  	_ =	strace $0x8FFFFFFF  }
0x99: {  	s19 =	sld [smem:$0x3FDB];
	_ =	sdelay $0x1  }
0x9a: {  	s5 =	simm.s32 $_scs_section_size  }
0x9b: {  	s6 =	simm.s32 $_size__tile_overlayer_lowered;
	s7 =	simm.s32 $_tile_overlayer_lowered  }
0x9c: {  	s22 =	simm.s32 $0x1BFF;
	s21 =	sshll.u32 s7, $0x1;
	s4 =	sadd.s32 s5, s19  }
0x9d: {  	s8 =	simm.s32 $0x0;
	s20 =	sshll.u32 s6, $0x1;
	s6 =	sadd.s32 s21, s4  }
0x9e: {  	[timem:s8], [sflag:s22] =	dma.local [hbm:s6], s20  }
0x9f: {  	_ =	swait.ge [sflag:s22], s20  }
0xa0: {  	s5 =	ssub.s32 $0x0, s20;
	[sflag:s22] =	ssyncset.done $0x0  }
0xa1: {  	[sflag:s22] =	ssyncadd.s32 s5;
	_ =	sdelay $0x1  }
0xa2: {  	s23 =	simm.s32 $0x1B8B  }
0xa3: {  	_ =	swait.ge [sflag:s23], $0x1  }
0xa4: {  	[sflag:s23] =	ssyncset.done $0x0  }
0xa5: {  	s25 =	simm.s32 $0x1B8E;
	s24 =	sld [smem:$0x3FFE];
	[sflag:s23] =	ssyncadd.s32 $0xFFFFFFFF  }
0xa6: {  	s26 =	simm.s32 $execute0_lowered;
	[smem:$0x3FD2] =	sst s25  }
0xa7: {  	s6 =	sshll.u32 s26, $0x1;
	_ =	strace $0x80000046;
	[dreg:$0x1] =	wrdreg $0xFFFFFFFF  }
0xa8: {  	s28 =	simm.s32 $_size_execute0_lowered;
	s4 =	sadd.s32 s4, s6;
	[dreg:$0x0] =	wrdreg $0x0  }
0xa9: {  	s6 =	sshll.u32 s28, $0x1;
	[dreg:$0x2] =	wrdreg s4  }
0xaa: {  	[dreg:$0x3] =	wrdreg s6  }
0xab: {  	[dreg:$0x4] =	wrdreg $0xC0  }
0xac: {  	_ =	task [dreg:s8], $0x5FFFF  }
0xad: {  	[dreg:$0x1] =	wrdreg $0xFFFFFFFF  }
0xae: {  	[dreg:$0x0] =	wrdreg $0x60  }
0xaf: {  	[dreg:$0x2] =	wrdreg s2  }
0xb0: {  	[dreg:$0x3] =	wrdreg s18  }
0xb1: {  	[dreg:$0x4] =	wrdreg s24  }
0xb2: {  	[dreg:$0x5] =	wrdreg $0x9  }
0xb3: {  	_ =	task.clear_ibuf [dreg:s8], $0x6FFFF;
	_ =	strace $0x90000046  }
0xb4: {  	s29 =	simm.s32 $0x9;
	_ =	strace $0x80000048  }
0xb5: {  	_ =	swait.ge [sflag:s29], $0x1  }
0xb6: {  	[sflag:s29] =	ssyncadd.s32 $0xFFFFFFFF  }
0xb7: {  	_ =	strace $0x90000048  }
0xb8: {  	_ =	sfence  }
0xb9: {  	s30 =	sld [smem:$0x0];
	_ =	sdelay $0x2  }
0xba: {  	s31 =	sshll.u32 s1, $0xD;
	s1 =	sshrl.u32 s1, $0x2  }
0xbb: {  	s3 =	sand.u32 $0x4000, s31;
	s1 =	sadd.s32 s1, s30  }
0xbc: {  	s0 =	sor.u32 s3, s0;
	s1 =	sshll.u32 s1, $0x11  }
0xbd: {  	s0 =	sor.u32 s1, s0  }
0xbe: {  	s0 =	sadd.s32 $0x8F2B, s0  }
0xbf: {  	[sflag:s0] =	ssyncadd.remote.s32 $0x1  }
0xc0: {  	_ =	sfence.sel $0xFFFF  }
0xc1: {  	[dreg:$0x0] =	wrdreg $0xFFFFFFFF;
	(pc) =	sbr.abs _section_cstart, $3  }
0xc2: {  	[dreg:$0x1] =	wrdreg $0xFFFFFFFF  }
0xc3: {  	_ =	task.clear_ibuf [dreg:s8], $0x2FFFF;
	_ =	strace $0x9FFFFFFF  }
0xc4: {  	(tm) =	ssettm $0x7FFFFFFF  }
0xc5: {  	_ =	shalt  }
tec
execute0_lowered:
.L_overlay_start_1:
0x0: {  	(tag) =	ssettag $0x1  }
0x1: {  	s1 =	rddreg [dreg:$0x0]  }
0x2: {  	s2 =	rddreg [dreg:$0x1]  }
0x3: {  	s5 =	rddreg [dreg:$0x2]  }
0x4: {  	s0 =	rddreg [dreg:$0x3]  }
0x5: {  	s4 =	simm.s32 $0x0;
	s6 =	srdreg.scid;
	s3 =	stileid.u32  }
0x6: {  	s13 =	simm.s32 $0x1;
	s14 =	simm.s32 $0x11900;
	s15 =	simm.s32 $0x2  }
0x7: {  	s16 =	simm.s32 $0x80;
	s17 =	simm.s32 $0x400;
	s18 =	simm.s32 $0x3  }
0x8: {  	s19 =	simm.s32 $0x0;
	[smem:$0x7FF] =	sst s4;
	s7 =	sshll.u32 s3, $0xE  }
0x9: {  	s6 =	sand.u32 $0x1, s6;
	s10 =	sshll.u32 s3, $0x1;
	s7 =	sand.u32 $0x30000, s7  }
0xa: {  	s8 =	ssub.s32 $0x2, s6;
	s11 =	sadd.s32 s7, s5;
	s5 =	sor.u32 s6, s10  }
0xb: {  	_ =	strace $0x80000047;
	s9 =	sshrl.u32 s8, $0x1;
	s28 =	smul.u32 $0x320, s5  }
.Ltmp0:
0xc: {  	s6 =	simm.s32 $0x14;
	s12 =	ssub.s32 s8, s9;
	(pc) =	sbr.rel .LBB2_1-.Ltmp0, $4  }
0xd: {  	p0 =	slt.u32 s5, $0x11;
	s29 =	sshll.u32 s5, $0x4;
	s30 =	smul.u32 $0x190, s5  }
0xe: {  	s8 =	sand.u32 $0x70, s29;
	s6 =	simm.s32 @!p0 $0x13;
	s7 =	sadd.s32 s1, s28  }
0xf: {  	s31 =	sadd.s32 s8, s11;
	s8 =	sadd.s32 s2, s30;
	s9 =	sadd.s32 $0xFFFFFFFF, s6  }
0x10: {  	v0 =	vimm.f32 $0.0e+00;
	s11 =	smax.u32 s12, $0x1;
	s12 =	simm.s32 $0x10000;
	s10 =	sadd.s32 $0x600, s31  }
.LBB2_21:
0x11: {  	s19 =	sadd.s32 $0x1, s19  }
0x12: {  	p0 =	sne.s32 s19, s11  }
.Ltmp1:
0x13: {  	_ = 	snop;
	(pc) =	sbr.rel @!p0 .LBB2_22-.Ltmp1, $4  }
0x14: {  	[hbm4b:s10+s16] =	stream.strided.scatter [tilespmem:s4], [sflag:$0x3], $0x10000, s17, s16, $0x38;
	[tilespmem:$0x14B00] =	vst v63  }
0x15: {  	_ =	swait.ge [sflag:s18], $0x10000  }
0x16: {  	[sflag:s18] =	ssyncset.done $0x0  }
0x17: {  	[sflag:s18] =	ssyncadd.s32 $0xFFFF0000  }
.LBB2_1:
0x18: {  	[tilespmem:s12], [sflag:$0x1] =	stream.linear.gather [hbm4b:s7+s4], $0x1900, $0x38;
	[tilespmem:$0x14B00] =	vst v63  }
0x19: {  	s20 =	simm.s32 $0x13200;
	s21 =	simm.s32 $0x0  }
.LBB2_2:
0x1a: {  	p0 =	sne.s32 s21, $0x180  }
.Ltmp2:
0x1b: {  	_ = 	snop;
	(pc) =	sbr.rel @p0 .LBB2_2-.Ltmp2, $4  }
0x1c: {  	_ = 	snop  }
0x1d: {  	s22 =	sadd.s32 s21, s8  }
0x1e: {  	[tilespmem:s20], [sflag:$0x1] =	stream.linear.gather [hbm4b:s22+s4], $0x80, $0x38;
	[tilespmem:$0x14B00] =	vst v63  }
0x1f: {  	s21 =	sadd.s32 $0x10, s21;
	s20 =	sadd.s32 $0x100, s20  }
0x20: {  	s20 =	simm.s32 $0x40  }
0x21: {  	[tilespmem:s20+$0xFFFFFFC0] =	vst v0  }
0x22: {  	[tilespmem:s20+$0x30] =	vst v0  }
0x23: {  	[tilespmem:s20+$0x20] =	vst v0  }
0x24: {  	[tilespmem:s20+$0x10] =	vst v0  }
0x25: {  	[tilespmem:s20+$0x0] =	vst v0  }
0x26: {  	[tilespmem:s20+$0xFFFFFFF0] =	vst v0  }
0x27: {  	s21 =	simm.s32 $0x0;
	[tilespmem:s20+$0xFFFFFFE0] =	vst v0  }
.LBB2_4:
0x28: {  	s21 =	sadd.s32 $0x8, s21;
	[tilespmem:s20+$0xFFFFFFD0] =	vst v0;
	s20 =	sadd.s32 $0x80, s20  }
0x29: {  	[tilespmem:s20+$0xFFFFFFC0] =	vst v0;
	p0 =	slt.u32 s21, $0xFF8  }
0x2a: {  	[tilespmem:s20+$0x30] =	vst v0  }
.Ltmp3:
0x2b: {  	[tilespmem:s20+$0x20] =	vst v0;
	(pc) =	sbr.rel @p0 .LBB2_4-.Ltmp3, $4  }
0x2c: {  	[tilespmem:s20+$0x10] =	vst v0  }
0x2d: {  	[tilespmem:s20+$0x0] =	vst v0  }
0x2e: {  	[tilespmem:s20+$0xFFFFFFF0] =	vst v0  }
0x2f: {  	[tilespmem:s20+$0xFFFFFFE0] =	vst v0  }
.Ltmp4:
0x30: {  	(pc) =	sbr.rel .LBB2_6-.Ltmp4, $2  }
0x31: {  	_ =	sdelay $0x2  }
0x32: {  	[tilespmem:s20+$0xFFFFFFD0] =	vst v0;
	s20 =	simm.s32 $0x0  }
.LBB2_20:
0x33: {  	s20 =	sadd.s32 $0x1, s20  }
0x34: {  	p0 =	sne.s32 s20, $0xA  }
.Ltmp5:
0x35: {  	_ = 	snop;
	(pc) =	sbr.rel @!p0 .LBB2_21-.Ltmp5, $1  }
0x36: {  	_ =	sdelay $0x3  }
.LBB2_6:
0x37: {  	s21 =	sshll.u32 s20, $0x1  }
0x38: {  	p0 =	sge.u32 s21, s6  }
.Ltmp6:
0x39: {  	_ = 	snop;
	(pc) =	sbr.rel @p0 .LBB2_13-.Ltmp6, $1  }
0x3a: {  	_ =	sdelay $0x3  }
0x3b: {  	s22 =	sor.u32 $0x1, s21  }
0x3c: {  	_ =	swait.ge [sflag:s13], $0x1900;
	p0 =	sge.u32 s22, s6  }
.Ltmp7:
0x3d: {  	[sflag:s13] =	ssyncset.done $0x0;
	(pc) =	sbr.rel @p0 .LBB2_11-.Ltmp7, $4  }
0x3e: {  	[sflag:s13] =	ssyncadd.s32 $0xFFFFE700  }
0x3f: {  	_ =	swait.ge [sflag:s13], $0xC80  }
0x40: {  	[sflag:s13] =	ssyncset.done $0x0  }
0x41: {  	[sflag:s13] =	ssyncadd.s32 $0xFFFFF380  }
0x42: {  	s22 =	sshll.u32 s22, $0x5  }
0x43: {  	s22 =	sor.u32 s5, s22  }
0x44: {  	s23 =	smul.u32 $0x320, s22  }
0x45: {  	s22 =	smul.u32 $0x190, s22  }
0x46: {  	s24 =	simm.s32 $0x0  }
0x47: {  	s25 =	simm.s32 $0x13380;
	s23 =	sadd.s32 s1, s23;
	s22 =	sadd.s32 s2, s22  }
0x48: {  	[tilespmem:s14], [sflag:$0x2] =	stream.linear.gather [hbm4b:s23+s24], $0x1900, $0x38;
	[tilespmem:$0x14B00] =	vst v63  }
0x49: {  	s23 =	simm.s32 $0x13280;
	s24 =	simm.s32 $0x10;
	s26 =	sadd.s32 $0x0, s22  }
.LBB2_9:
0x4a: {  	[tilespmem:s23], [sflag:$0x2] =	stream.linear.gather [hbm4b:s26+s4], $0x80, $0x38;
	[tilespmem:$0x14B00] =	vst v63  }
0x4b: {  	s26 =	smov.u32 s24;
	s23 =	smov.u32 s25;
	p0 =	sne.s32 s24, $0x180  }
.Ltmp8:
0x4c: {  	s24 =	sadd.s32 $0x10, s24;
	(pc) =	sbr.rel @p0 .LBB2_9-.Ltmp8, $2  }
0x4d: {  	_ =	sdelay $0x2  }
0x4e: {  	s25 =	sadd.s32 $0x100, s25;
	s26 =	sadd.s32 s26, s22  }
0x4f: {  	[tilespmem:s23], [sflag:$0x2] =	stream.linear.gather [hbm4b:s26+s4], $0x80, $0x38;
	[tilespmem:$0x14B00] =	vst v63  }
.LBB2_11:
0x50: {  	s22 =	simm.s32 $0xFFFFFFFB;
	s23 =	simm.s32 $0x13440;
	s24 =	simm.s32 $0x10280  }
.LBB2_12:
0x51: {  	v1 =	vld [tilespmem:s24+$0xFFFFFD80]  }
0x52: {  	v2 =	vld [tilespmem:s24+$0xFFFFFE00];
	_ =	sdelay $0x3  }
0x53: {  	v3 =	vtrunc.f32 v1  }
0x54: {  	v4 =	vtrunc.f32 v2;
	v3 =	vcvt.f32.s32 v3  }
0x55: {  	v4 =	vcvt.f32.s32 v4  }
0x56: {  	v5 =	vcvt.s32.f32 v3  }
0x57: {  	v6 =	vld [tilespmem:s23+$0xFFFFFDC0];
	v3 =	vmin.u32 v3, $0xFE;
	v52 =	vcvt.s32.f32 v4  }
0x58: {  	v4 =	vmin.u32 v4, $0xFE;
	v3 =	vshll.u32 v3, $0x8;
	v1 =	vsub.f32 v1, v5  }
0x59: {  	v3 =	vor.u32 v4, v3  }
0x5a: {  	v2 =	vsub.f32 v2, v52;
	v53 =	vadd.s32 $0x100, v3;
	v7 =	vsub.f32 $1.000000000e+00, v1  }
0x5b: {  	v4 =	vand.u32 $0x7F, v4;
	v5 =	vand.u32 $0x1FF80, v53  }
0x5c: {  	v8 =	vsub.f32 $1.000000000e+00, v2;
	v4 =	vor.u32 v4, v5;
	v7 =	vmul.f32 v7, v6  }
0x5d: {  	v54 =	vadd.s32 $0x1, v3;
	v1 =	vmul.f32 v1, v6  }
0x5e: {  	v55 =	vadd.s32 $0x101, v3;
	v9 =	vmul.f32 v8, v7  }
0x5f: {  	v8 =	vmul.f32 v8, v1  }
0x60: {  	[tilespmem:v3+s4+$0x0] =	vst.idx.add.f32.msk $0xffff, v9;
	v3 =	vmul.f32 v7, v2  }
0x61: {  	v1 =	vmul.f32 v2, v1;
	[tilespmem:v4+s4+$0x0] =	vst.idx.add.f32.msk $0xffff, v8  }
0x62: {  	[tilespmem:v54+s4+$0x0] =	vst.idx.add.f32.msk $0xffff, v3  }
0x63: {  	[tilespmem:v55+s4+$0x0] =	vst.idx.add.f32.msk $0xffff, v1  }
0x64: {  	v1 =	vld [tilespmem:s24+$0xFFFFFD90]  }
0x65: {  	v2 =	vld [tilespmem:s24+$0xFFFFFE10];
	_ =	sdelay $0x3  }
0x66: {  	v3 =	vtrunc.f32 v1  }
0x67: {  	v56 =	vtrunc.f32 v2;
	v3 =	vcvt.f32.s32 v3  }
0x68: {  	v4 =	vcvt.f32.s32 v56  }
0x69: {  	v57 =	vcvt.s32.f32 v3  }
0x6a: {  	v6 =	vld [tilespmem:s23+$0xFFFFFDD0];
	v3 =	vmin.u32 v3, $0xFE;
	v58 =	vcvt.s32.f32 v4  }
0x6b: {  	v4 =	vmin.u32 v4, $0xFE;
	v3 =	vshll.u32 v3, $0x8;
	v1 =	vsub.f32 v1, v57  }
0x6c: {  	v3 =	vor.u32 v4, v3  }
0x6d: {  	v2 =	vsub.f32 v2, v58;
	v59 =	vadd.s32 $0x100, v3;
	v60 =	vsub.f32 $1.000000000e+00, v1  }
0x6e: {  	v4 =	vand.u32 $0x7F, v4;
	v5 =	vand.u32 $0x1FF80, v59  }
0x6f: {  	v61 =	vsub.f32 $1.000000000e+00, v2;
	v4 =	vor.u32 v4, v5;
	v7 =	vmul.f32 v60, v6  }
0x70: {  	v62 =	vadd.s32 $0x1, v3;
	v1 =	vmul.f32 v1, v6  }
0x71: {  	v63 =	vadd.s32 $0x101, v3;
	v12 =	vmul.f32 v61, v7  }
0x72: {  	v8 =	vmul.f32 v61, v1  }
0x73: {  	[tilespmem:v3+s4+$0x0] =	vst.idx.add.f32.msk $0xffff, v12;
	v3 =	vmul.f32 v7, v2  }
0x74: {  	v1 =	vmul.f32 v2, v1;
	[tilespmem:v4+s4+$0x0] =	vst.idx.add.f32.msk $0xffff, v8  }
0x75: {  	[tilespmem:v62+s4+$0x0] =	vst.idx.add.f32.msk $0xffff, v3  }
0x76: {  	[tilespmem:v63+s4+$0x0] =	vst.idx.add.f32.msk $0xffff, v1  }
0x77: {  	v1 =	vld [tilespmem:s24+$0xFFFFFDA0];
	_ =	sdelay $0x1  }
0x78: {  	v2 =	vld [tilespmem:s24+$0xFFFFFE20];
	_ =	sdelay $0x2  }
0x79: {  	v3 =	vtrunc.f32 v1  }
0x7a: {  	v3 =	vcvt.f32.s32 v3  }
0x7b: {  	v13 =	vtrunc.f32 v2  }
0x7c: {  	v4 =	vcvt.f32.s32 v13;
	v14 =	vcvt.s32.f32 v3  }
0x7d: {  	v6 =	vld [tilespmem:s23+$0xFFFFFDE0]  }
0x7e: {  	v15 =	vcvt.s32.f32 v4;
	v1 =	vsub.f32 v1, v14  }
0x7f: {  	v3 =	vmin.u32 v3, $0xFE;
	v4 =	vmin.u32 v4, $0xFE  }
0x80: {  	v3 =	vshll.u32 v3, $0x8;
	v2 =	vsub.f32 v2, v15;
	v5 =	vsub.f32 $1.000000000e+00, v1  }
0x81: {  	v3 =	vor.u32 v4, v3  }
0x82: {  	v16 =	vadd.s32 $0x100, v3;
	v17 =	vsub.f32 $1.000000000e+00, v2;
	v5 =	vmul.f32 v5, v6  }
0x83: {  	v4 =	vand.u32 $0x7F, v4;
	v7 =	vand.u32 $0x1FF80, v16  }
0x84: {  	v4 =	vor.u32 v4, v7;
	v19 =	vmul.f32 v17, v5  }
0x85: {  	v21 =	vld [tilespmem:s24+$0xFFFFFE80];
	v18 =	vadd.s32 $0x1, v3;
	v1 =	vmul.f32 v1, v6  }
0x86: {  	v20 =	vadd.s32 $0x101, v3;
	v5 =	vmul.f32 v5, v2;
	[tilespmem:v3+s4+$0x0] =	vst.idx.add.f32.msk $0xffff, v19  }
0x87: {  	v3 =	vmul.f32 v17, v1;
	v1 =	vmul.f32 v2, v1;
	v2 =	vld [tilespmem:s24+$0xFFFFFF00];
	_ =	sdelay $0x1  }
0x88: {  	[tilespmem:v4+s4+$0x0] =	vst.idx.add.f32.msk $0xffff, v3  }
0x89: {  	v3 =	vtrunc.f32 v21;
	[tilespmem:v18+s4+$0x0] =	vst.idx.add.f32.msk $0xffff, v5  }
0x8a: {  	v3 =	vcvt.f32.s32 v3;
	[tilespmem:v20+s4+$0x0] =	vst.idx.add.f32.msk $0xffff, v1  }
0x8b: {  	v1 =	vld [tilespmem:s24+$0xFFFFFDB0];
	v22 =	vtrunc.f32 v2  }
0x8c: {  	v23 =	vcvt.s32.f32 v3;
	v7 =	vld [tilespmem:s24+$0xFFFFFE30];
	v3 =	vmin.u32 v3, $0xFE;
	v4 =	vcvt.f32.s32 v22  }
0x8d: {  	v25 =	vld [tilespmem:s23+$0xFFFFFEC0];
	v3 =	vshll.u32 v3, $0x8  }
0x8e: {  	v5 =	vsub.f32 v21, v23;
	v26 =	vcvt.s32.f32 v4;
	v4 =	vmin.u32 v4, $0xFE  }
0x8f: {  	v3 =	vor.u32 v4, v3  }
0x90: {  	v10 =	vsub.f32 $1.000000000e+00, v5;
	v4 =	vand.u32 $0x7F, v4;
	v24 =	vtrunc.f32 v1  }
0x91: {  	v2 =	vsub.f32 v2, v26;
	v27 =	vadd.s32 $0x100, v3;
	v11 =	vtrunc.f32 v7  }
0x92: {  	v8 =	vcvt.f32.s32 v24;
	v6 =	vand.u32 $0x1FF80, v27;
	v10 =	vmul.f32 v10, v25  }
0x93: {  	v29 =	vcvt.f32.s32 v11;
	v12 =	vsub.f32 $1.000000000e+00, v2;
	v4 =	vor.u32 v4, v6  }
0x94: {  	v5 =	vmul.f32 v5, v25;
	v13 =	vadd.s32 $0x1, v3;
	v28 =	vcvt.s32.f32 v8  }
0x95: {  	v30 =	vadd.s32 $0x101, v3;
	v32 =	vcvt.s32.f32 v29;
	v14 =	vmul.f32 v12, v10  }
0x96: {  	v15 =	vld [tilespmem:s23+$0xFFFFFDF0];
	v8 =	vmin.u32 v8, $0xFE;
	v9 =	vmin.u32 v29, $0xFE;
	v31 =	vmul.f32 v12, v5  }
0x97: {  	v8 =	vshll.u32 v8, $0x8;
	v1 =	vsub.f32 v1, v28;
	[tilespmem:v3+s4+$0x0] =	vst.idx.add.f32.msk $0xffff, v14;
	v3 =	vmul.f32 v10, v2  }
0x98: {  	v33 =	vor.u32 v9, v8;
	v2 =	vmul.f32 v2, v5;
	[tilespmem:v4+s4+$0x0] =	vst.idx.add.f32.msk $0xffff, v31  }
0x99: {  	v34 =	vadd.s32 $0x100, v33;
	v35 =	vsub.f32 $1.000000000e+00, v1;
	[tilespmem:v13+s4+$0x0] =	vst.idx.add.f32.msk $0xffff, v3;
	v3 =	vsub.f32 v7, v32  }
0x9a: {  	v36 =	vand.u32 $0x7F, v9;
	[tilespmem:v30+s4+$0x0] =	vst.idx.add.f32.msk $0xffff, v2;
	v2 =	vand.u32 $0x1FF80, v34  }
0x9b: {  	v6 =	vmul.f32 v35, v15;
	v38 =	vsub.f32 $1.000000000e+00, v3;
	v2 =	vor.u32 v36, v2  }
0x9c: {  	v39 =	vadd.s32 $0x1, v33;
	v1 =	vmul.f32 v1, v15;
	v37 =	vld [tilespmem:s24+$0xFFFFFE90]  }
0x9d: {  	v40 =	vadd.s32 $0x101, v33;
	v11 =	vld [tilespmem:s24+$0xFFFFFF10];
	v41 =	vmul.f32 v38, v6  }
0x9e: {  	v8 =	vmul.f32 v38, v1  }
0x9f: {  	v42 =	vmul.f32 v6, v3;
	[tilespmem:v33+s4+$0x0] =	vst.idx.add.f32.msk $0xffff, v41  }
0xa0: {  	v1 =	vmul.f32 v3, v1;
	[tilespmem:v2+s4+$0x0] =	vst.idx.add.f32.msk $0xffff, v8  }
0xa1: {  	v43 =	vtrunc.f32 v37;
	[tilespmem:v39+s4+$0x0] =	vst.idx.add.f32.msk $0xffff, v42  }
0xa2: {  	v2 =	vcvt.f32.s32 v43;
	[tilespmem:v40+s4+$0x0] =	vst.idx.add.f32.msk $0xffff, v1;
	v1 =	vtrunc.f32 v11  }
0xa3: {  	v1 =	vcvt.f32.s32 v1  }
0xa4: {  	v3 =	vcvt.s32.f32 v2;
	v4 =	vld [tilespmem:s24+$0xFFFFFDC0]  }
0xa5: {  	v44 =	vld [tilespmem:s23+$0xFFFFFED0];
	v2 =	vmin.u32 v2, $0xFE;
	v45 =	vcvt.s32.f32 v1  }
0xa6: {  	v46 =	vld [tilespmem:s24+$0xFFFFFE40];
	v2 =	vshll.u32 v2, $0x8;
	v3 =	vsub.f32 v37, v3;
	v1 =	vmin.u32 v1, $0xFE  }
0xa7: {  	v2 =	vor.u32 v1, v2;
	v6 =	vsub.f32 v11, v45  }
0xa8: {  	v1 =	vand.u32 $0x7F, v1;
	v47 =	vadd.s32 $0x100, v2;
	v48 =	vsub.f32 $1.000000000e+00, v3  }
0xa9: {  	v49 =	vtrunc.f32 v4;
	v8 =	vand.u32 $0x1FF80, v47;
	v11 =	vsub.f32 $1.000000000e+00, v6  }
0xaa: {  	v9 =	vmul.f32 v48, v44;
	v1 =	vor.u32 v1, v8;
	v50 =	vcvt.f32.s32 v49  }
0xab: {  	v51 =	vadd.s32 $0x1, v2;
	v3 =	vmul.f32 v3, v44;
	v52 =	vtrunc.f32 v46  }
0xac: {  	v53 =	vadd.s32 $0x101, v2;
	v54 =	vmul.f32 v11, v9;
	v56 =	vcvt.s32.f32 v50  }
0xad: {  	v55 =	vld [tilespmem:s23+$0xFFFFFE00];
	v5 =	vcvt.f32.s32 v52;
	v11 =	vmul.f32 v11, v3;
	v8 =	vmin.u32 v50, $0xFE  }
0xae: {  	v57 =	vshll.u32 v8, $0x8;
	[tilespmem:v2+s4+$0x0] =	vst.idx.add.f32.msk $0xffff, v54;
	v2 =	vmul.f32 v9, v6;
	v4 =	vsub.f32 v4, v56  }
0xaf: {  	[tilespmem:v1+s4+$0x0] =	vst.idx.add.f32.msk $0xffff, v11;
	v1 =	vmul.f32 v6, v3;
	v3 =	vcvt.s32.f32 v5;
	v5 =	vmin.u32 v5, $0xFE  }
0xb0: {  	[tilespmem:v51+s4+$0x0] =	vst.idx.add.f32.msk $0xffff, v2;
	v2 =	vor.u32 v5, v57  }
0xb1: {  	v58 =	vsub.f32 $1.000000000e+00, v4;
	[tilespmem:v53+s4+$0x0] =	vst.idx.add.f32.msk $0xffff, v1;
	v1 =	vsub.f32 v46, v3;
	v3 =	vadd.s32 $0x100, v2  }
0xb2: {  	v5 =	vand.u32 $0x7F, v5;
	v59 =	vld [tilespmem:s24+$0xFFFFFEA0];
	v3 =	vand.u32 $0x1FF80, v3  }
0xb3: {  	v6 =	vmul.f32 v58, v55;
	v60 =	vsub.f32 $1.000000000e+00, v1;
	v3 =	vor.u32 v5, v3  }
0xb4: {  	v4 =	vmul.f32 v4, v55;
	v61 =	vadd.s32 $0x1, v2;
	v62 =	vld [tilespmem:s24+$0xFFFFFF20]  }
0xb5: {  	v63 =	vadd.s32 $0x101, v2;
	v16 =	vmul.f32 v60, v6  }
0xb6: {  	v8 =	vmul.f32 v60, v4  }
0xb7: {  	v17 =	vtrunc.f32 v59;
	[tilespmem:v2+s4+$0x0] =	vst.idx.add.f32.msk $0xffff, v16;
	v2 =	vmul.f32 v6, v1  }
0xb8: {  	v1 =	vmul.f32 v1, v4;
	v18 =	vcvt.f32.s32 v17;
	[tilespmem:v3+s4+$0x0] =	vst.idx.add.f32.msk $0xffff, v8  }
0xb9: {  	[tilespmem:v61+s4+$0x0] =	vst.idx.add.f32.msk $0xffff, v2;
	v2 =	vtrunc.f32 v62  }
0xba: {  	v3 =	vcvt.s32.f32 v18;
	[tilespmem:v63+s4+$0x0] =	vst.idx.add.f32.msk $0xffff, v1;
	v1 =	vcvt.f32.s32 v2;
	v19 =	vmin.u32 v18, $0xFE  }
0xbb: {  	v2 =	vld [tilespmem:s23+$0xFFFFFEE0];
	v4 =	vshll.u32 v19, $0x8  }
0xbc: {  	v3 =	vsub.f32 v59, v3;
	v20 =	vcvt.s32.f32 v1;
	v1 =	vmin.u32 v1, $0xFE  }
0xbd: {  	v4 =	vor.u32 v1, v4  }
0xbe: {  	v46 =	vld [tilespmem:s24+$0x0];
	v6 =	vsub.f32 v62, v20;
	v22 =	vadd.s32 $0x100, v4;
	v23 =	vsub.f32 $1.000000000e+00, v3  }
0xbf: {  	v1 =	vand.u32 $0x7F, v1;
	v8 =	vand.u32 $0x1FF80, v22  }
0xc0: {  	v43 =	vld [tilespmem:s24+$0xFFFFFF80];
	v24 =	vsub.f32 $1.000000000e+00, v6;
	v9 =	vmul.f32 v23, v2;
	v1 =	vor.u32 v1, v8  }
0xc1: {  	v5 =	vld [tilespmem:s24+$0xFFFFFDD0];
	v26 =	vadd.s32 $0x1, v4;
	v2 =	vmul.f32 v3, v2  }
0xc2: {  	v21 =	vld [tilespmem:s24+$0xFFFFFE50];
	v27 =	vadd.s32 $0x101, v4;
	v28 =	vmul.f32 v24, v9  }
0xc3: {  	v53 =	vtrunc.f32 v46;
	v10 =	vmul.f32 v24, v2  }
0xc4: {  	v56 =	vcvt.f32.s32 v53;
	v31 =	vmul.f32 v9, v6;
	[tilespmem:v4+s4+$0x0] =	vst.idx.add.f32.msk $0xffff, v28  }
0xc5: {  	v18 =	vtrunc.f32 v43;
	[tilespmem:v1+s4+$0x0] =	vst.idx.add.f32.msk $0xffff, v10;
	v1 =	vmul.f32 v6, v2  }
0xc6: {  	v18 =	vcvt.f32.s32 v18;
	v25 =	vtrunc.f32 v5;
	[tilespmem:v26+s4+$0x0] =	vst.idx.add.f32.msk $0xffff, v31  }
0xc7: {  	v30 =	vtrunc.f32 v21;
	v3 =	vcvt.f32.s32 v25;
	[tilespmem:v27+s4+$0x0] =	vst.idx.add.f32.msk $0xffff, v1  }
0xc8: {  	v54 =	vcvt.s32.f32 v18;
	v14 =	vcvt.f32.s32 v30;
	v1 =	vld [tilespmem:s24+$0xFFFFFEB0]  }
0xc9: {  	v59 =	vmin.u32 v18, $0xFE;
	v32 =	vcvt.s32.f32 v3;
	v3 =	vmin.u32 v3, $0xFE;
	v34 =	vld [tilespmem:s24+$0xFFFFFF30]  }
0xca: {  	v33 =	vcvt.s32.f32 v14;
	v35 =	vmin.u32 v14, $0xFE;
	v3 =	vshll.u32 v3, $0x8  }
0xcb: {  	v29 =	vld [tilespmem:s23+$0xFFFFFE10];
	v60 =	vshll.u32 v59, $0x8;
	v7 =	vand.u32 $0x7F, v35;
	v3 =	vor.u32 v35, v3  }
0xcc: {  	v2 =	vsub.f32 v5, v32;
	v4 =	vsub.f32 v21, v33;
	v37 =	vadd.s32 $0x1, v3  }
0xcd: {  	v38 =	vadd.s32 $0x100, v3;
	v41 =	vadd.s32 $0x101, v3;
	v40 =	vtrunc.f32 v1  }
0xce: {  	v5 =	vsub.f32 $1.000000000e+00, v2;
	v42 =	vtrunc.f32 v34;
	v12 =	vcvt.f32.s32 v40  }
0xcf: {  	v36 =	vsub.f32 $1.000000000e+00, v4;
	v10 =	vand.u32 $0x1FF80, v38;
	v14 =	vcvt.f32.s32 v42  }
0xd0: {  	v2 =	vmul.f32 v2, v29;
	v7 =	vor.u32 v7, v10;
	v44 =	vcvt.s32.f32 v12  }
0xd1: {  	v16 =	vld [tilespmem:s23+$0xFFFFFEF0];
	v5 =	vmul.f32 v5, v29;
	v17 =	vcvt.s32.f32 v14;
	v12 =	vmin.u32 v12, $0xFE  }
0xd2: {  	v45 =	vmin.u32 v14, $0xFE;
	v12 =	vshll.u32 v12, $0x8;
	v1 =	vsub.f32 v1, v44  }
0xd3: {  	v8 =	vmul.f32 v36, v2;
	v39 =	vmul.f32 v36, v5;
	v48 =	vor.u32 v45, v12  }
0xd4: {  	v47 =	vsub.f32 v34, v17;
	v19 =	vadd.s32 $0x100, v48;
	v49 =	vsub.f32 $1.000000000e+00, v1  }
0xd5: {  	v58 =	vld [tilespmem:s23+$0xFFFFFFC0];
	v5 =	vmul.f32 v5, v4;
	v52 =	vand.u32 $0x7F, v45;
	v51 =	vand.u32 $0x1FF80, v19  }
0xd6: {  	[tilespmem:v3+s4+$0x0] =	vst.idx.add.f32.msk $0xffff, v39;
	v3 =	vsub.f32 $1.000000000e+00, v47;
	v55 =	vor.u32 v52, v51;
	v50 =	vmul.f32 v49, v16  }
0xd7: {  	v2 =	vmul.f32 v4, v2;
	[tilespmem:v7+s4+$0x0] =	vst.idx.add.f32.msk $0xffff, v8;
	v12 =	vadd.s32 $0x1, v48;
	v1 =	vmul.f32 v1, v16  }
0xd8: {  	v10 =	vsub.f32 v43, v54;
	[tilespmem:v37+s4+$0x0] =	vst.idx.add.f32.msk $0xffff, v5;
	v20 =	vadd.s32 $0x101, v48;
	v57 =	vmul.f32 v3, v50  }
0xd9: {  	v7 =	vmin.u32 v56, $0xFE;
	[tilespmem:v41+s4+$0x0] =	vst.idx.add.f32.msk $0xffff, v2;
	v2 =	vcvt.s32.f32 v56;
	v3 =	vmul.f32 v3, v1  }
0xda: {  	v62 =	vsub.f32 $1.000000000e+00, v10;
	v13 =	vor.u32 v7, v60;
	v11 =	vmul.f32 v50, v47;
	[tilespmem:v48+s4+$0x0] =	vst.idx.add.f32.msk $0xffff, v57  }
0xdb: {  	v61 =	vadd.s32 $0x100, v13;
	v2 =	vsub.f32 v46, v2;
	v1 =	vmul.f32 v47, v1;
	[tilespmem:v55+s4+$0x0] =	vst.idx.add.f32.msk $0xffff, v3  }
0xdc: {  	v63 =	vand.u32 $0x7F, v7;
	v3 =	vand.u32 $0x1FF80, v61;
	[tilespmem:v12+s4+$0x0] =	vst.idx.add.f32.msk $0xffff, v11  }
0xdd: {  	v14 =	vmul.f32 v62, v58;
	v12 =	vsub.f32 $1.000000000e+00, v2;
	v3 =	vor.u32 v63, v3;
	[tilespmem:v20+s4+$0x0] =	vst.idx.add.f32.msk $0xffff, v1  }
0xde: {  	v15 =	vmul.f32 v10, v58;
	v1 =	vadd.s32 $0x1, v13;
	v16 =	vld [tilespmem:s24+$0xFFFFFEC0]  }
0xdf: {  	v17 =	vadd.s32 $0x101, v13;
	v18 =	vmul.f32 v12, v14;
	v19 =	vld [tilespmem:s24+$0xFFFFFF40]  }
0xe0: {  	v5 =	vmul.f32 v12, v15  }
0xe1: {  	v6 =	vmul.f32 v14, v2;
	[tilespmem:v13+s4+$0x0] =	vst.idx.add.f32.msk $0xffff, v18  }
0xe2: {  	v2 =	vmul.f32 v2, v15;
	[tilespmem:v3+s4+$0x0] =	vst.idx.add.f32.msk $0xffff, v5  }
0xe3: {  	[tilespmem:v1+s4+$0x0] =	vst.idx.add.f32.msk $0xffff, v6  }
0xe4: {  	[tilespmem:v17+s4+$0x0] =	vst.idx.add.f32.msk $0xffff, v2;
	v3 =	vtrunc.f32 v16;
	v20 =	vtrunc.f32 v19  }
0xe5: {  	v1 =	vld [tilespmem:s24+$0xFFFFFF90];
	v3 =	vcvt.f32.s32 v3;
	v4 =	vcvt.f32.s32 v20  }
0xe6: {  	v5 =	vld [tilespmem:s24+$0x10]  }
0xe7: {  	v21 =	vcvt.s32.f32 v3;
	v22 =	vcvt.s32.f32 v4  }
0xe8: {  	v12 =	vld [tilespmem:s23+$0xFFFFFF00];
	v3 =	vmin.u32 v3, $0xFE;
	v4 =	vmin.u32 v4, $0xFE  }
0xe9: {  	v3 =	vshll.u32 v3, $0x8;
	v6 =	vsub.f32 v16, v21;
	v25 =	vsub.f32 v19, v22  }
0xea: {  	v3 =	vor.u32 v4, v3;
	v4 =	vand.u32 $0x7F, v4;
	v23 =	vtrunc.f32 v1  }
0xeb: {  	v26 =	vtrunc.f32 v5;
	v9 =	vcvt.f32.s32 v23;
	v29 =	vsub.f32 $1.000000000e+00, v6  }
0xec: {  	v38 =	vadd.s32 $0x100, v3;
	v8 =	vcvt.f32.s32 v26;
	v30 =	vsub.f32 $1.000000000e+00, v25  }
0xed: {  	v39 =	vand.u32 $0x1FF80, v38;
	v27 =	vcvt.s32.f32 v9;
	v14 =	vmul.f32 v29, v12  }
0xee: {  	v13 =	vld [tilespmem:s23+$0xFFFFFFD0];
	v42 =	vadd.s32 $0x1, v3;
	v4 =	vor.u32 v4, v39;
	v9 =	vmin.u32 v9, $0xFE  }
0xef: {  	v28 =	vcvt.s32.f32 v8;
	v1 =	vsub.f32 v1, v27;
	v35 =	vmul.f32 v30, v14  }
0xf0: {  	v2 =	vld [tilespmem:s24+$0xFFFFFDE0];
	v6 =	vmul.f32 v6, v12;
	v8 =	vmin.u32 v8, $0xFE;
	v9 =	vshll.u32 v9, $0x8  }
0xf1: {  	v5 =	vsub.f32 v5, v28;
	v32 =	vsub.f32 $1.000000000e+00, v1;
	[tilespmem:v3+s4+$0x0] =	vst.idx.add.f32.msk $0xffff, v35;
	v3 =	vadd.s32 $0x101, v3  }
0xf2: {  	v33 =	vld [tilespmem:s24+$0xFFFFFE60];
	v45 =	vmul.f32 v30, v6;
	v9 =	vor.u32 v8, v9;
	v46 =	vmul.f32 v14, v25  }
0xf3: {  	v37 =	vld [tilespmem:s23+$0xFFFFFE20];
	v31 =	vadd.s32 $0x100, v9;
	v34 =	vsub.f32 $1.000000000e+00, v5;
	v16 =	vmul.f32 v32, v13  }
0xf4: {  	v6 =	vmul.f32 v25, v6;
	v8 =	vand.u32 $0x7F, v8;
	v10 =	vand.u32 $0x1FF80, v31;
	[tilespmem:v4+s4+$0x0] =	vst.idx.add.f32.msk $0xffff, v45  }
0xf5: {  	v24 =	vtrunc.f32 v2;
	v8 =	vor.u32 v8, v10;
	[tilespmem:v42+s4+$0x0] =	vst.idx.add.f32.msk $0xffff, v46;
	v22 =	vmul.f32 v34, v16  }
0xf6: {  	v11 =	vcvt.f32.s32 v24;
	v36 =	vadd.s32 $0x1, v9;
	v1 =	vmul.f32 v1, v13;
	[tilespmem:v3+s4+$0x0] =	vst.idx.add.f32.msk $0xffff, v6  }
0xf7: {  	v21 =	vadd.s32 $0x101, v9;
	[tilespmem:v9+s4+$0x0] =	vst.idx.add.f32.msk $0xffff, v22  }
0xf8: {  	v44 =	vcvt.s32.f32 v11;
	v18 =	vmul.f32 v34, v1;
	v52 =	vld [tilespmem:s24+$0xFFFFFED0]  }
0xf9: {  	v40 =	vtrunc.f32 v33;
	v41 =	vmul.f32 v16, v5;
	v59 =	vld [tilespmem:s24+$0xFFFFFF50]  }
0xfa: {  	v43 =	vcvt.f32.s32 v40;
	v2 =	vsub.f32 v2, v44;
	v1 =	vmul.f32 v5, v1;
	[tilespmem:v8+s4+$0x0] =	vst.idx.add.f32.msk $0xffff, v18  }
0xfb: {  	v48 =	vmin.u32 v11, $0xFE;
	[tilespmem:v36+s4+$0x0] =	vst.idx.add.f32.msk $0xffff, v41  }
0xfc: {  	v49 =	vsub.f32 $1.000000000e+00, v2;
	v4 =	vshll.u32 v48, $0x8;
	v5 =	vmin.u32 v43, $0xFE;
	[tilespmem:v21+s4+$0x0] =	vst.idx.add.f32.msk $0xffff, v1  }
0xfd: {  	v2 =	vmul.f32 v2, v37;
	v4 =	vor.u32 v5, v4;
	v1 =	vcvt.s32.f32 v43;
	v47 =	vld [tilespmem:s24+$0xFFFFFFA0]  }
0xfe: {  	v51 =	vmul.f32 v49, v37;
	v5 =	vand.u32 $0x7F, v5;
	v55 =	vadd.s32 $0x100, v4;
	v50 =	vld [tilespmem:s24+$0x20]  }
0xff: {  	v1 =	vsub.f32 v33, v1;
	v60 =	vtrunc.f32 v52;
	v22 =	vtrunc.f32 v59  }
0x100: {  	v11 =	vand.u32 $0x1FF80, v55;
	v16 =	vcvt.f32.s32 v60;
	v25 =	vcvt.f32.s32 v22  }
0x101: {  	v3 =	vsub.f32 $1.000000000e+00, v1;
	v6 =	vmul.f32 v51, v1;
	v1 =	vmul.f32 v1, v2  }
0x102: {  	v5 =	vor.u32 v5, v11;
	v30 =	vcvt.s32.f32 v25;
	v53 =	vtrunc.f32 v47  }
0x103: {  	v54 =	vadd.s32 $0x1, v4;
	v56 =	vmul.f32 v3, v51;
	v57 =	vtrunc.f32 v50  }
0x104: {  	v9 =	vcvt.f32.s32 v53;
	v13 =	vcvt.f32.s32 v57  }
0x105: {  	v3 =	vmul.f32 v3, v2;
	v34 =	vsub.f32 v59, v30;
	[tilespmem:v4+s4+$0x0] =	vst.idx.add.f32.msk $0xffff, v56;
	v4 =	vadd.s32 $0x101, v4  }
0x106: {  	v61 =	vld [tilespmem:s23+$0xFFFFFFE0];
	v58 =	vcvt.s32.f32 v9;
	v9 =	vmin.u32 v9, $0xFE;
	v62 =	vcvt.s32.f32 v13  }
0x107: {  	v13 =	vmin.u32 v13, $0xFE;
	[tilespmem:v5+s4+$0x0] =	vst.idx.add.f32.msk $0xffff, v3;
	v3 =	vcvt.s32.f32 v16;
	v16 =	vmin.u32 v16, $0xFE  }
0x108: {  	v9 =	vshll.u32 v9, $0x8;
	[tilespmem:v54+s4+$0x0] =	vst.idx.add.f32.msk $0xffff, v6;
	v6 =	vmin.u32 v25, $0xFE;
	v32 =	vshll.u32 v16, $0x8  }
0x109: {  	v28 =	vld [tilespmem:s23+$0xFFFFFF10];
	v14 =	vsub.f32 v47, v58;
	v9 =	vor.u32 v13, v9;
	v8 =	vsub.f32 v50, v62  }
0x10a: {  	v13 =	vand.u32 $0x7F, v13;
	v3 =	vsub.f32 v52, v3;
	v2 =	vor.u32 v6, v32  }
0x10b: {  	v6 =	vand.u32 $0x7F, v6;
	v63 =	vadd.s32 $0x100, v9;
	v21 =	vsub.f32 $1.000000000e+00, v14  }
0x10c: {  	v35 =	vadd.s32 $0x100, v2;
	v15 =	vand.u32 $0x1FF80, v63;
	v36 =	vsub.f32 $1.000000000e+00, v3  }
0x10d: {  	v23 =	vsub.f32 $1.000000000e+00, v8;
	v37 =	vand.u32 $0x1FF80, v35;
	v18 =	vmul.f32 v21, v61  }
0x10e: {  	[tilespmem:v4+s4+$0x0] =	vst.idx.add.f32.msk $0xffff, v1;
	v1 =	vsub.f32 $1.000000000e+00, v34;
	v13 =	vor.u32 v13, v15;
	v39 =	vmul.f32 v36, v28  }
0x10f: {  	v14 =	vmul.f32 v14, v61;
	v6 =	vor.u32 v6, v37;
	v40 =	vld [tilespmem:s24+$0xFFFFFDF0];
	v27 =	vmul.f32 v23, v18  }
0x110: {  	v3 =	vmul.f32 v3, v28;
	v45 =	vld [tilespmem:s24+$0xFFFFFE70];
	v43 =	vmul.f32 v1, v39  }
0x111: {  	v24 =	vadd.s32 $0x1, v9;
	v29 =	vmul.f32 v23, v14;
	[tilespmem:v9+s4+$0x0] =	vst.idx.add.f32.msk $0xffff, v27  }
0x112: {  	v41 =	vadd.s32 $0x1, v2;
	v1 =	vmul.f32 v1, v3;
	[tilespmem:v2+s4+$0x0] =	vst.idx.add.f32.msk $0xffff, v43  }
0x113: {  	v26 =	vadd.s32 $0x101, v9;
	[tilespmem:v13+s4+$0x0] =	vst.idx.add.f32.msk $0xffff, v29  }
0x114: {  	v42 =	vadd.s32 $0x101, v2;
	v31 =	vmul.f32 v18, v8;
	[tilespmem:v6+s4+$0x0] =	vst.idx.add.f32.msk $0xffff, v1  }
0x115: {  	v2 =	vmul.f32 v39, v34;
	v1 =	vmul.f32 v34, v3;
	v34 =	vld [tilespmem:s24+$0x100]  }
0x116: {  	v33 =	vmul.f32 v8, v14;
	[tilespmem:v24+s4+$0x0] =	vst.idx.add.f32.msk $0xffff, v31  }
0x117: {  	[tilespmem:v41+s4+$0x0] =	vst.idx.add.f32.msk $0xffff, v2  }
0x118: {  	[tilespmem:v26+s4+$0x0] =	vst.idx.add.f32.msk $0xffff, v33  }
0x119: {  	[tilespmem:v42+s4+$0x0] =	vst.idx.add.f32.msk $0xffff, v1  }
0x11a: {  	v38 =	vld [tilespmem:s24+$0xFFFFFFB0]  }
0x11b: {  	v44 =	vld [tilespmem:s24+$0x30]  }
0x11c: {  	v47 =	vtrunc.f32 v40;
	v49 =	vld [tilespmem:s24+$0xFFFFFEE0]  }
0x11d: {  	v1 =	vcvt.f32.s32 v47;
	v11 =	vld [tilespmem:s24+$0xFFFFFF60]  }
0x11e: {  	v50 =	vtrunc.f32 v45  }
0x11f: {  	v54 =	vcvt.s32.f32 v1;
	v42 =	vtrunc.f32 v34  }
0x120: {  	v21 =	vcvt.f32.s32 v42;
	v46 =	vtrunc.f32 v38  }
0x121: {  	v2 =	vtrunc.f32 v44;
	v57 =	vtrunc.f32 v49  }
0x122: {  	v62 =	vtrunc.f32 v11;
	v3 =	vcvt.f32.s32 v46  }
0x123: {  	v2 =	vcvt.f32.s32 v2;
	v59 =	vcvt.f32.s32 v57  }
0x124: {  	v7 =	vsub.f32 v40, v54;
	v17 =	vcvt.f32.s32 v62;
	v48 =	vcvt.s32.f32 v3  }
0x125: {  	v30 =	vld [tilespmem:s24+$0x80];
	v52 =	vcvt.s32.f32 v2;
	v53 =	vmin.u32 v2, $0xFE;
	v2 =	vcvt.f32.s32 v50  }
0x126: {  	v3 =	vmin.u32 v3, $0xFE;
	v26 =	vcvt.s32.f32 v59;
	v28 =	vcvt.s32.f32 v17  }
0x127: {  	v51 =	vld [tilespmem:s23+$0xFFFFFFF0];
	v33 =	vmin.u32 v17, $0xFE;
	v3 =	vshll.u32 v3, $0x8;
	v10 =	vand.u32 $0x7F, v53  }
0x128: {  	v9 =	vand.u32 $0x7F, v33;
	v5 =	vsub.f32 v38, v48;
	v3 =	vor.u32 v53, v3  }
0x129: {  	v25 =	vld [tilespmem:s23+$0xFFFFFF20];
	v8 =	vsub.f32 v44, v52;
	v27 =	vcvt.s32.f32 v2;
	v4 =	vsub.f32 v49, v26  }
0x12a: {  	v38 =	vtrunc.f32 v30;
	v55 =	vadd.s32 $0x100, v3;
	v60 =	vadd.s32 $0x1, v3  }
0x12b: {  	v63 =	vadd.s32 $0x101, v3;
	v19 =	vcvt.f32.s32 v38;
	v56 =	vsub.f32 $1.000000000e+00, v5  }
0x12c: {  	v12 =	vand.u32 $0x1FF80, v55;
	v58 =	vsub.f32 $1.000000000e+00, v8;
	v5 =	vmul.f32 v5, v51  }
0x12d: {  	v6 =	vsub.f32 v45, v27;
	v29 =	vsub.f32 $1.000000000e+00, v4;
	v14 =	vmul.f32 v56, v51  }
0x12e: {  	v49 =	vld [tilespmem:s24+$0x200];
	v4 =	vmul.f32 v4, v25;
	v45 =	vcvt.s32.f32 v21;
	v10 =	vor.u32 v10, v12  }
0x12f: {  	v21 =	vmin.u32 v21, $0xFE;
	v12 =	vmin.u32 v59, $0xFE;
	v24 =	vmul.f32 v58, v14  }
0x130: {  	v61 =	vld [tilespmem:s23+$0xFFFFFE30];
	v43 =	vcvt.s32.f32 v19;
	v19 =	vmin.u32 v19, $0xFE;
	v16 =	vmul.f32 v58, v5  }
0x131: {  	v5 =	vmul.f32 v8, v5;
	v12 =	vshll.u32 v12, $0x8;
	v19 =	vshll.u32 v19, $0x8;
	[tilespmem:v3+s4+$0x0] =	vst.idx.add.f32.msk $0xffff, v24  }
0x132: {  	v15 =	vsub.f32 v34, v45;
	v12 =	vor.u32 v33, v12;
	v3 =	vmul.f32 v14, v8;
	v24 =	vld [tilespmem:s23+$0xC0]  }
0x133: {  	v19 =	vor.u32 v21, v19;
	v21 =	vand.u32 $0x7F, v21;
	v54 =	vtrunc.f32 v49;
	[tilespmem:v10+s4+$0x0] =	vst.idx.add.f32.msk $0xffff, v16  }
0x134: {  	v37 =	vadd.s32 $0x1, v12;
	v39 =	vadd.s32 $0x100, v12;
	v8 =	vsub.f32 v11, v28;
	[tilespmem:v60+s4+$0x0] =	vst.idx.add.f32.msk $0xffff, v3  }
0x135: {  	v46 =	vadd.s32 $0x100, v19;
	v27 =	vsub.f32 $1.000000000e+00, v15;
	v48 =	vadd.s32 $0x1, v19;
	[tilespmem:v63+s4+$0x0] =	vst.idx.add.f32.msk $0xffff, v5  }
0x136: {  	v10 =	vmul.f32 v29, v25;
	v3 =	vsub.f32 $1.000000000e+00, v7;
	v32 =	vsub.f32 $1.000000000e+00, v8;
	v31 =	vld [tilespmem:s24+$0xFFFFFFC0]  }
0x137: {  	v50 =	vadd.s32 $0x101, v19;
	v57 =	vcvt.f32.s32 v54;
	v7 =	vmul.f32 v7, v61;
	v36 =	vld [tilespmem:s24+$0x40]  }
0x138: {  	v20 =	vand.u32 $0x1FF80, v39;
	v25 =	vld [tilespmem:s24+$0x180];
	v3 =	vmul.f32 v3, v61;
	v35 =	vmul.f32 v32, v10  }
0x139: {  	v11 =	vsub.f32 v30, v43;
	v14 =	vmul.f32 v32, v4;
	v10 =	vmul.f32 v10, v8  }
0x13a: {  	v9 =	vor.u32 v9, v20;
	v4 =	vmul.f32 v8, v4;
	v61 =	vcvt.s32.f32 v57  }
0x13b: {  	v47 =	vsub.f32 $1.000000000e+00, v11;
	v11 =	vmul.f32 v11, v24;
	v40 =	vtrunc.f32 v31  }
0x13c: {  	v53 =	vadd.s32 $0x101, v12;
	v44 =	vtrunc.f32 v36;
	v41 =	vcvt.f32.s32 v40  }
0x13d: {  	v59 =	vld [tilespmem:s23+$0x1C0];
	v22 =	vand.u32 $0x1FF80, v46;
	v30 =	vtrunc.f32 v25;
	v20 =	vcvt.f32.s32 v44  }
0x13e: {  	v21 =	vor.u32 v21, v22;
	v29 =	vld [tilespmem:s23+$0x0];
	v52 =	vcvt.f32.s32 v30;
	v23 =	vcvt.s32.f32 v41  }
0x13f: {  	[tilespmem:v12+s4+$0x0] =	vst.idx.add.f32.msk $0xffff, v35;
	v26 =	vcvt.s32.f32 v20;
	v8 =	vmin.u32 v41, $0xFE;
	v20 =	vmin.u32 v20, $0xFE  }
0x140: {  	[tilespmem:v9+s4+$0x0] =	vst.idx.add.f32.msk $0xffff, v14;
	v8 =	vshll.u32 v8, $0x8;
	v13 =	vsub.f32 v31, v23;
	v23 =	vmul.f32 v47, v24  }
0x141: {  	[tilespmem:v37+s4+$0x0] =	vst.idx.add.f32.msk $0xffff, v10;
	v55 =	vcvt.s32.f32 v52;
	v17 =	vsub.f32 v36, v26;
	v8 =	vor.u32 v20, v8  }
0x142: {  	[tilespmem:v53+s4+$0x0] =	vst.idx.add.f32.msk $0xffff, v4;
	v24 =	vsub.f32 v49, v61;
	v20 =	vand.u32 $0x7F, v20;
	v28 =	vmul.f32 v27, v23  }
0x143: {  	v9 =	vld [tilespmem:s24+$0xFFFFFEF0];
	v56 =	vadd.s32 $0x100, v8;
	v27 =	vmul.f32 v27, v11;
	v51 =	vmul.f32 v23, v15  }
0x144: {  	v11 =	vmul.f32 v15, v11;
	v15 =	vadd.s32 $0x1, v8;
	v58 =	vsub.f32 $1.000000000e+00, v13;
	[tilespmem:v19+s4+$0x0] =	vst.idx.add.f32.msk $0xffff, v28  }
0x145: {  	v23 =	vmin.u32 v52, $0xFE;
	v62 =	vsub.f32 $1.000000000e+00, v17;
	v22 =	vand.u32 $0x1FF80, v56;
	[tilespmem:v21+s4+$0x0] =	vst.idx.add.f32.msk $0xffff, v27  }
0x146: {  	v13 =	vmul.f32 v13, v29;
	v37 =	vsub.f32 $1.000000000e+00, v24;
	v46 =	vor.u32 v20, v22;
	[tilespmem:v48+s4+$0x0] =	vst.idx.add.f32.msk $0xffff, v51  }
0x147: {  	v23 =	vshll.u32 v23, $0x8;
	v63 =	vmul.f32 v58, v29;
	v21 =	vsub.f32 v25, v55;
	[tilespmem:v50+s4+$0x0] =	vst.idx.add.f32.msk $0xffff, v11  }
0x148: {  	v53 =	vmul.f32 v62, v13;
	v27 =	vadd.s32 $0x101, v8;
	v11 =	vmin.u32 v57, $0xFE;
	v60 =	vld [tilespmem:s24+$0x90]  }
0x149: {  	v49 =	vmul.f32 v62, v63;
	v31 =	vsub.f32 $1.000000000e+00, v21;
	v33 =	vor.u32 v11, v23;
	v34 =	vld [tilespmem:s24+$0x110]  }
0x14a: {  	v54 =	vmul.f32 v63, v17;
	v21 =	vmul.f32 v21, v59;
	v43 =	vld [tilespmem:s23+$0xD0];
	v35 =	vadd.s32 $0x100, v33  }
0x14b: {  	v11 =	vand.u32 $0x7F, v11;
	[tilespmem:v8+s4+$0x0] =	vst.idx.add.f32.msk $0xffff, v49;
	v38 =	vmul.f32 v31, v59;
	v36 =	vand.u32 $0x1FF80, v35  }
0x14c: {  	[tilespmem:v46+s4+$0x0] =	vst.idx.add.f32.msk $0xffff, v53;
	v59 =	vmul.f32 v17, v13;
	v11 =	vor.u32 v11, v36  }
0x14d: {  	v40 =	vadd.s32 $0x1, v33;
	v10 =	vmul.f32 v37, v21;
	[tilespmem:v15+s4+$0x0] =	vst.idx.add.f32.msk $0xffff, v54  }
0x14e: {  	v41 =	vadd.s32 $0x101, v33;
	v42 =	vmul.f32 v37, v38;
	[tilespmem:v27+s4+$0x0] =	vst.idx.add.f32.msk $0xffff, v59;
	v39 =	vtrunc.f32 v60  }
0x14f: {  	v19 =	vld [tilespmem:s24+$0xFFFFFFD0];
	v44 =	vtrunc.f32 v34;
	v4 =	vcvt.f32.s32 v39  }
0x150: {  	v14 =	vmul.f32 v38, v24;
	[tilespmem:v33+s4+$0x0] =	vst.idx.add.f32.msk $0xffff, v42;
	v47 =	vcvt.f32.s32 v44  }
0x151: {  	v5 =	vsub.f32 $1.000000000e+00, v6;
	v48 =	vmul.f32 v24, v21;
	v45 =	vcvt.s32.f32 v4;
	[tilespmem:v11+s4+$0x0] =	vst.idx.add.f32.msk $0xffff, v10  }
0x152: {  	v15 =	vtrunc.f32 v9;
	v4 =	vmin.u32 v4, $0xFE;
	v51 =	vcvt.s32.f32 v47;
	[tilespmem:v40+s4+$0x0] =	vst.idx.add.f32.msk $0xffff, v14  }
0x153: {  	v52 =	vmin.u32 v47, $0xFE;
	v4 =	vshll.u32 v4, $0x8;
	v50 =	vsub.f32 v60, v45;
	[tilespmem:v41+s4+$0x0] =	vst.idx.add.f32.msk $0xffff, v48  }
0x154: {  	v15 =	vcvt.f32.s32 v15;
	v36 =	vtrunc.f32 v19;
	v55 =	vor.u32 v52, v4;
	v56 =	vld [tilespmem:s24+$0x190]  }
0x155: {  	v57 =	vsub.f32 v34, v51;
	v4 =	vadd.s32 $0x100, v55;
	v58 =	vsub.f32 $1.000000000e+00, v50  }
0x156: {  	v60 =	vand.u32 $0x7F, v52;
	v17 =	vcvt.f32.s32 v36;
	v61 =	vld [tilespmem:s24+$0x210];
	v4 =	vand.u32 $0x1FF80, v4  }
0x157: {  	v14 =	vsub.f32 $1.000000000e+00, v57;
	v63 =	vmul.f32 v50, v43;
	v8 =	vmul.f32 v58, v43  }
0x158: {  	v52 =	vcvt.s32.f32 v17;
	v13 =	vor.u32 v60, v4;
	v4 =	vmul.f32 v5, v3  }
0x159: {  	v62 =	vadd.s32 $0x1, v55;
	v24 =	vmul.f32 v14, v8;
	v25 =	vtrunc.f32 v56  }
0x15a: {  	v40 =	vld [tilespmem:s24+$0x50];
	v26 =	vadd.s32 $0x101, v55;
	v14 =	vmul.f32 v14, v63;
	v27 =	vmul.f32 v8, v57  }
0x15b: {  	v30 =	vld [tilespmem:s23+$0x1D0];
	v8 =	vmin.u32 v2, $0xFE;
	v2 =	vtrunc.f32 v61;
	v18 =	vcvt.f32.s32 v25  }
0x15c: {  	v1 =	vmin.u32 v1, $0xFE;
	v5 =	vmul.f32 v5, v7;
	v2 =	vcvt.f32.s32 v2;
	[tilespmem:v55+s4+$0x0] =	vst.idx.add.f32.msk $0xffff, v24  }
0x15d: {  	v29 =	vshll.u32 v1, $0x8;
	v1 =	vmul.f32 v57, v63;
	[tilespmem:v13+s4+$0x0] =	vst.idx.add.f32.msk $0xffff, v14;
	v28 =	vcvt.s32.f32 v18  }
0x15e: {  	v3 =	vmul.f32 v3, v6;
	v33 =	vcvt.s32.f32 v2;
	[tilespmem:v62+s4+$0x0] =	vst.idx.add.f32.msk $0xffff, v27  }
0x15f: {  	v50 =	vtrunc.f32 v40;
	v32 =	vmin.u32 v18, $0xFE;
	v31 =	vsub.f32 v56, v28;
	[tilespmem:v26+s4+$0x0] =	vst.idx.add.f32.msk $0xffff, v1  }
0x160: {  	v2 =	vmin.u32 v2, $0xFE;
	v12 =	vshll.u32 v32, $0x8;
	v13 =	vsub.f32 v61, v33;
	v16 =	vld [tilespmem:s24+$0xA0]  }
0x161: {  	v1 =	vmul.f32 v6, v7;
	v12 =	vor.u32 v2, v12;
	v37 =	vld [tilespmem:s24+$0x120];
	v35 =	vsub.f32 $1.000000000e+00, v31  }
0x162: {  	v34 =	vadd.s32 $0x100, v12;
	v38 =	vsub.f32 $1.000000000e+00, v13;
	v10 =	vmul.f32 v31, v30  }
0x163: {  	v2 =	vand.u32 $0x7F, v2;
	v6 =	vand.u32 $0x1FF80, v34;
	v39 =	vmul.f32 v35, v30  }
0x164: {  	v2 =	vor.u32 v2, v6;
	v20 =	vmul.f32 v38, v10;
	v10 =	vmul.f32 v13, v10  }
0x165: {  	v41 =	vadd.s32 $0x1, v12;
	v42 =	vtrunc.f32 v16;
	v44 =	vmul.f32 v38, v39  }
0x166: {  	v27 =	vld [tilespmem:s23+$0x10];
	v43 =	vadd.s32 $0x101, v12;
	v47 =	vtrunc.f32 v37;
	v48 =	vmul.f32 v39, v13  }
0x167: {  	v17 =	vmin.u32 v17, $0xFE;
	v45 =	vld [tilespmem:s23+$0xE0];
	v13 =	vcvt.f32.s32 v50;
	v46 =	vcvt.f32.s32 v42  }
0x168: {  	v17 =	vshll.u32 v17, $0x8;
	v51 =	vcvt.f32.s32 v47;
	[tilespmem:v12+s4+$0x0] =	vst.idx.add.f32.msk $0xffff, v44;
	v12 =	vsub.f32 v19, v52  }
0x169: {  	v61 =	vcvt.s32.f32 v13;
	v13 =	vmin.u32 v13, $0xFE;
	v49 =	vcvt.s32.f32 v46;
	[tilespmem:v2+s4+$0x0] =	vst.idx.add.f32.msk $0xffff, v20  }
0x16a: {  	v53 =	vmin.u32 v46, $0xFE;
	v54 =	vcvt.s32.f32 v51;
	v55 =	vmin.u32 v51, $0xFE;
	[tilespmem:v41+s4+$0x0] =	vst.idx.add.f32.msk $0xffff, v48  }
0x16b: {  	v17 =	vor.u32 v13, v17;
	v56 =	vshll.u32 v53, $0x8;
	v16 =	vsub.f32 v16, v49;
	[tilespmem:v43+s4+$0x0] =	vst.idx.add.f32.msk $0xffff, v10  }
0x16c: {  	v11 =	vand.u32 $0x7F, v55;
	v58 =	vor.u32 v55, v56;
	v10 =	vsub.f32 v37, v54;
	v57 =	vld [tilespmem:s24+$0x1A0]  }
0x16d: {  	v44 =	vsub.f32 $1.000000000e+00, v12;
	v59 =	vadd.s32 $0x100, v58;
	v62 =	vld [tilespmem:s24+$0x220];
	v60 =	vsub.f32 $1.000000000e+00, v16  }
0x16e: {  	v18 =	vand.u32 $0x1FF80, v59;
	v63 =	vsub.f32 $1.000000000e+00, v10;
	v14 =	vmul.f32 v16, v45  }
0x16f: {  	v11 =	vor.u32 v11, v18;
	v18 =	vsub.f32 v40, v61;
	v20 =	vmul.f32 v60, v45  }
0x170: {  	v12 =	vmul.f32 v12, v27;
	v32 =	vadd.s32 $0x1, v58;
	v24 =	vmul.f32 v44, v27  }
0x171: {  	v26 =	vmul.f32 v63, v14;
	v47 =	vsub.f32 $1.000000000e+00, v18;
	v33 =	vmul.f32 v63, v20  }
0x172: {  	v34 =	vadd.s32 $0x101, v58;
	v38 =	vld [tilespmem:s23+$0x1E0];
	v31 =	vtrunc.f32 v57;
	v35 =	vtrunc.f32 v62  }
0x173: {  	v13 =	vand.u32 $0x7F, v13;
	v16 =	vcvt.f32.s32 v31;
	v53 =	vmul.f32 v47, v24;
	[tilespmem:v58+s4+$0x0] =	vst.idx.add.f32.msk $0xffff, v33  }
0x174: {  	v52 =	vadd.s32 $0x1, v17;
	v37 =	vmul.f32 v20, v10;
	v19 =	vcvt.f32.s32 v35;
	[tilespmem:v11+s4+$0x0] =	vst.idx.add.f32.msk $0xffff, v26  }
0x175: {  	v54 =	vadd.s32 $0x100, v17;
	v10 =	vmul.f32 v10, v14;
	v36 =	vcvt.s32.f32 v16;
	[tilespmem:v17+s4+$0x0] =	vst.idx.add.f32.msk $0xffff, v53  }
0x176: {  	v16 =	vmin.u32 v16, $0xFE;
	v40 =	vcvt.s32.f32 v19;
	v19 =	vmin.u32 v19, $0xFE;
	[tilespmem:v32+s4+$0x0] =	vst.idx.add.f32.msk $0xffff, v37  }
0x177: {  	v16 =	vshll.u32 v16, $0x8;
	v39 =	vsub.f32 v57, v36;
	[tilespmem:v34+s4+$0x0] =	vst.idx.add.f32.msk $0xffff, v10;
	v10 =	vand.u32 $0x1FF80, v54  }
0x178: {  	v41 =	vor.u32 v19, v16;
	v11 =	vsub.f32 v62, v40;
	v10 =	vor.u32 v13, v10  }
0x179: {  	v19 =	vand.u32 $0x7F, v19;
	v42 =	vld [tilespmem:s24+$0xB0];
	v43 =	vadd.s32 $0x100, v41;
	v23 =	vsub.f32 $1.000000000e+00, v39  }
0x17a: {  	v57 =	vadd.s32 $0x101, v17;
	v45 =	vld [tilespmem:s24+$0x130];
	v22 =	vand.u32 $0x1FF80, v43;
	v46 =	vsub.f32 $1.000000000e+00, v11  }
0x17b: {  	v20 =	vld [tilespmem:s24+$0xFFFFFF70];
	v19 =	vor.u32 v19, v22;
	v22 =	vmul.f32 v47, v12;
	v23 =	vmul.f32 v23, v38  }
0x17c: {  	v7 =	vor.u32 v8, v29;
	v24 =	vmul.f32 v24, v18;
	v58 =	vld [tilespmem:s23+$0xF0];
	v14 =	vmul.f32 v39, v38  }
0x17d: {  	v12 =	vmul.f32 v18, v12;
	v49 =	vmul.f32 v46, v23;
	[tilespmem:v10+s4+$0x0] =	vst.idx.add.f32.msk $0xffff, v22  }
0x17e: {  	v48 =	vadd.s32 $0x1, v41;
	v26 =	vmul.f32 v46, v14;
	v50 =	vtrunc.f32 v42;
	[tilespmem:v52+s4+$0x0] =	vst.idx.add.f32.msk $0xffff, v24  }
0x17f: {  	v51 =	vadd.s32 $0x101, v41;
	v55 =	vtrunc.f32 v45;
	v28 =	vcvt.f32.s32 v50;
	[tilespmem:v41+s4+$0x0] =	vst.idx.add.f32.msk $0xffff, v49  }
0x180: {  	v8 =	vand.u32 $0x7F, v8;
	v21 =	vadd.s32 $0x100, v7;
	v59 =	vcvt.f32.s32 v55;
	[tilespmem:v57+s4+$0x0] =	vst.idx.add.f32.msk $0xffff, v12  }
0x181: {  	v6 =	vadd.s32 $0x1, v7;
	v56 =	vmul.f32 v23, v11;
	[tilespmem:v19+s4+$0x0] =	vst.idx.add.f32.msk $0xffff, v26;
	v32 =	vcvt.s32.f32 v28  }
0x182: {  	v11 =	vmul.f32 v11, v14;
	v61 =	vmin.u32 v28, $0xFE;
	v62 =	vcvt.s32.f32 v59;
	v25 =	vld [tilespmem:s24+$0xFFFFFFE0]  }
0x183: {  	v14 =	vmin.u32 v59, $0xFE;
	[tilespmem:v48+s4+$0x0] =	vst.idx.add.f32.msk $0xffff, v56;
	v16 =	vshll.u32 v61, $0x8;
	v60 =	vsub.f32 v42, v32  }
0x184: {  	v33 =	vand.u32 $0x1FF80, v21;
	v37 =	vtrunc.f32 v20;
	[tilespmem:v51+s4+$0x0] =	vst.idx.add.f32.msk $0xffff, v11;
	v16 =	vor.u32 v14, v16  }
0x185: {  	v11 =	vsub.f32 v45, v62;
	v19 =	vld [tilespmem:s24+$0x1B0];
	v63 =	vadd.s32 $0x100, v16;
	v28 =	vsub.f32 $1.000000000e+00, v60  }
0x186: {  	v50 =	vcvt.s32.f32 v15;
	v14 =	vand.u32 $0x7F, v14;
	v29 =	vld [tilespmem:s24+$0x230];
	v17 =	vand.u32 $0x1FF80, v63  }
0x187: {  	v31 =	vsub.f32 $1.000000000e+00, v11;
	v13 =	vmul.f32 v60, v58;
	v32 =	vmul.f32 v28, v58  }
0x188: {  	v49 =	vcvt.f32.s32 v37;
	v14 =	vor.u32 v14, v17;
	v60 =	vtrunc.f32 v25  }
0x189: {  	v35 =	vadd.s32 $0x1, v16;
	v10 =	vmul.f32 v31, v13;
	v36 =	vmul.f32 v31, v32  }
0x18a: {  	v38 =	vadd.s32 $0x101, v16;
	v43 =	vld [tilespmem:s23+$0x1F0];
	v58 =	vcvt.s32.f32 v49;
	v34 =	vtrunc.f32 v19  }
0x18b: {  	v8 =	vor.u32 v8, v33;
	v39 =	vtrunc.f32 v29;
	v21 =	vcvt.f32.s32 v34;
	[tilespmem:v16+s4+$0x0] =	vst.idx.add.f32.msk $0xffff, v36  }
0x18c: {  	v15 =	vmin.u32 v15, $0xFE;
	v41 =	vmul.f32 v32, v11;
	v42 =	vcvt.f32.s32 v39;
	v16 =	vld [tilespmem:s24+$0x60]  }
0x18d: {  	v15 =	vshll.u32 v15, $0x8;
	v11 =	vmul.f32 v11, v13;
	v40 =	vcvt.s32.f32 v21;
	[tilespmem:v14+s4+$0x0] =	vst.idx.add.f32.msk $0xffff, v10  }
0x18e: {  	v45 =	vmin.u32 v21, $0xFE;
	v46 =	vcvt.s32.f32 v42;
	v47 =	vmin.u32 v42, $0xFE;
	[tilespmem:v35+s4+$0x0] =	vst.idx.add.f32.msk $0xffff, v41  }
0x18f: {  	v48 =	vshll.u32 v45, $0x8;
	v55 =	vand.u32 $0x7F, v47;
	v44 =	vsub.f32 v19, v40;
	[tilespmem:v38+s4+$0x0] =	vst.idx.add.f32.msk $0xffff, v11  }
0x190: {  	v14 =	vor.u32 v47, v48;
	v18 =	vsub.f32 v29, v46;
	v11 =	vsub.f32 v9, v50  }
0x191: {  	v38 =	vcvt.f32.s32 v60;
	v52 =	vadd.s32 $0x100, v14;
	v59 =	vadd.s32 $0x1, v14  }
0x192: {  	v51 =	vld [tilespmem:s24+$0xC0];
	v61 =	vadd.s32 $0x101, v14;
	v53 =	vsub.f32 $1.000000000e+00, v44;
	v13 =	vmul.f32 v44, v43  }
0x193: {  	v56 =	vld [tilespmem:s24+$0x140];
	v57 =	vsub.f32 $1.000000000e+00, v18;
	v42 =	vtrunc.f32 v16;
	v26 =	vcvt.s32.f32 v38  }
0x194: {  	v54 =	vand.u32 $0x1FF80, v52;
	v24 =	vcvt.f32.s32 v42;
	v22 =	vmul.f32 v53, v43  }
0x195: {  	v12 =	vld [tilespmem:s23+$0xFFFFFF30];
	v9 =	vor.u32 v55, v54;
	v23 =	vmul.f32 v57, v13;
	v13 =	vmul.f32 v18, v13  }
0x196: {  	v34 =	vsub.f32 $1.000000000e+00, v11;
	v52 =	vcvt.s32.f32 v24;
	v62 =	vmul.f32 v57, v22  }
0x197: {  	v63 =	vld [tilespmem:s23+$0x100];
	v25 =	vsub.f32 v25, v26;
	v32 =	vtrunc.f32 v51;
	v33 =	vmul.f32 v22, v18  }
0x198: {  	v35 =	vtrunc.f32 v56;
	v57 =	vld [tilespmem:s23+$0x20];
	v22 =	vmin.u32 v38, $0xFE;
	v29 =	vcvt.f32.s32 v32  }
0x199: {  	v36 =	vcvt.f32.s32 v35;
	v16 =	vsub.f32 v16, v52;
	v35 =	vshll.u32 v22, $0x8;
	[tilespmem:v14+s4+$0x0] =	vst.idx.add.f32.msk $0xffff, v62  }
0x19a: {  	v14 =	vmul.f32 v34, v12;
	[tilespmem:v9+s4+$0x0] =	vst.idx.add.f32.msk $0xffff, v23;
	v9 =	vmin.u32 v49, $0xFE;
	v37 =	vcvt.s32.f32 v29  }
0x19b: {  	v40 =	vcvt.s32.f32 v36;
	v41 =	vmin.u32 v29, $0xFE;
	v17 =	vmin.u32 v36, $0xFE;
	[tilespmem:v59+s4+$0x0] =	vst.idx.add.f32.msk $0xffff, v33  }
0x19c: {  	v36 =	vsub.f32 $1.000000000e+00, v25;
	v21 =	vshll.u32 v41, $0x8;
	[tilespmem:v61+s4+$0x0] =	vst.idx.add.f32.msk $0xffff, v13;
	v39 =	vsub.f32 v51, v37  }
0x19d: {  	v18 =	vsub.f32 v56, v40;
	v43 =	vor.u32 v17, v21;
	v17 =	vand.u32 $0x7F, v17;
	v23 =	vld [tilespmem:s24+$0x1C0]  }
0x19e: {  	v22 =	vmul.f32 v36, v57;
	v25 =	vmul.f32 v25, v57;
	v46 =	vld [tilespmem:s24+$0x240];
	v44 =	vsub.f32 $1.000000000e+00, v39  }
0x19f: {  	v45 =	vadd.s32 $0x100, v43;
	v47 =	vsub.f32 $1.000000000e+00, v18;
	v13 =	vmul.f32 v39, v63  }
0x1a0: {  	v53 =	vadd.s32 $0x1, v43;
	v48 =	vand.u32 $0x1FF80, v45;
	v21 =	vmul.f32 v44, v63  }
0x1a1: {  	v17 =	vor.u32 v17, v48;
	v29 =	vmul.f32 v47, v13;
	v13 =	vmul.f32 v18, v13  }
0x1a2: {  	v54 =	vadd.s32 $0x101, v43;
	v49 =	vtrunc.f32 v23;
	v50 =	vmul.f32 v47, v21  }
0x1a3: {  	v44 =	vsub.f32 $1.000000000e+00, v16;
	v55 =	vtrunc.f32 v46;
	v51 =	vcvt.f32.s32 v49  }
0x1a4: {  	v10 =	vsub.f32 v20, v58;
	v58 =	vld [tilespmem:s23+$0x200];
	v21 =	vmul.f32 v21, v18;
	v19 =	vcvt.f32.s32 v55  }
0x1a5: {  	v24 =	vmin.u32 v24, $0xFE;
	v49 =	vmul.f32 v44, v22;
	[tilespmem:v43+s4+$0x0] =	vst.idx.add.f32.msk $0xffff, v50;
	v56 =	vcvt.s32.f32 v51  }
0x1a6: {  	v22 =	vmul.f32 v22, v16;
	v20 =	vmin.u32 v51, $0xFE;
	[tilespmem:v17+s4+$0x0] =	vst.idx.add.f32.msk $0xffff, v29;
	v59 =	vcvt.s32.f32 v19  }
0x1a7: {  	v19 =	vmin.u32 v19, $0xFE;
	v20 =	vshll.u32 v20, $0x8;
	[tilespmem:v53+s4+$0x0] =	vst.idx.add.f32.msk $0xffff, v21;
	v23 =	vsub.f32 v23, v56  }
0x1a8: {  	v36 =	vsub.f32 $1.000000000e+00, v10;
	v16 =	vmul.f32 v16, v25;
	v20 =	vor.u32 v19, v20;
	[tilespmem:v54+s4+$0x0] =	vst.idx.add.f32.msk $0xffff, v13  }
0x1a9: {  	v60 =	vsub.f32 v46, v59;
	v61 =	vadd.s32 $0x100, v20;
	v63 =	vld [tilespmem:s24+$0xD0];
	v62 =	vsub.f32 $1.000000000e+00, v23  }
0x1aa: {  	v19 =	vand.u32 $0x7F, v19;
	v29 =	vld [tilespmem:s24+$0x150];
	v37 =	vadd.s32 $0x1, v20;
	v17 =	vand.u32 $0x1FF80, v61  }
0x1ab: {  	v28 =	vsub.f32 $1.000000000e+00, v60;
	v18 =	vmul.f32 v23, v58;
	v21 =	vmul.f32 v62, v58  }
0x1ac: {  	v39 =	vadd.s32 $0x101, v20;
	v17 =	vor.u32 v19, v17;
	v19 =	vor.u32 v24, v35  }
0x1ad: {  	v24 =	vand.u32 $0x7F, v24;
	v13 =	vmul.f32 v60, v18;
	v38 =	vmul.f32 v28, v21  }
0x1ae: {  	v40 =	vadd.s32 $0x1, v19;
	v28 =	vmul.f32 v28, v18;
	v41 =	vtrunc.f32 v63  }
0x1af: {  	v45 =	vld [tilespmem:s23+$0x110];
	v42 =	vadd.s32 $0x100, v19;
	v46 =	vtrunc.f32 v29;
	v26 =	vcvt.f32.s32 v41  }
0x1b0: {  	v47 =	vadd.s32 $0x101, v19;
	v43 =	vmul.f32 v21, v60;
	v30 =	vcvt.f32.s32 v46;
	[tilespmem:v20+s4+$0x0] =	vst.idx.add.f32.msk $0xffff, v38  }
0x1b1: {  	v21 =	vmul.f32 v44, v25;
	v20 =	vand.u32 $0x1FF80, v42;
	[tilespmem:v17+s4+$0x0] =	vst.idx.add.f32.msk $0xffff, v28;
	v48 =	vcvt.s32.f32 v26  }
0x1b2: {  	v51 =	vcvt.s32.f32 v30;
	v26 =	vmin.u32 v26, $0xFE;
	v20 =	vor.u32 v24, v20;
	[tilespmem:v37+s4+$0x0] =	vst.idx.add.f32.msk $0xffff, v43  }
0x1b3: {  	v53 =	vmin.u32 v30, $0xFE;
	v26 =	vshll.u32 v26, $0x8;
	[tilespmem:v39+s4+$0x0] =	vst.idx.add.f32.msk $0xffff, v13;
	v50 =	vsub.f32 v63, v48  }
0x1b4: {  	v58 =	vand.u32 $0x7F, v53;
	v37 =	vmul.f32 v11, v12;
	v11 =	vmul.f32 v36, v14;
	v52 =	vld [tilespmem:s24+$0x1D0]  }
0x1b5: {  	v17 =	vsub.f32 v29, v51;
	v26 =	vor.u32 v53, v26;
	v31 =	vld [tilespmem:s24+$0x250];
	v54 =	vsub.f32 $1.000000000e+00, v50  }
0x1b6: {  	[tilespmem:v19+s4+$0x0] =	vst.idx.add.f32.msk $0xffff, v49;
	v14 =	vmul.f32 v14, v10;
	v13 =	vor.u32 v9, v15;
	v55 =	vadd.s32 $0x100, v26  }
0x1b7: {  	v34 =	vld [tilespmem:s23+$0x210];
	v56 =	vsub.f32 $1.000000000e+00, v17;
	v57 =	vand.u32 $0x1FF80, v55;
	v29 =	vmul.f32 v54, v45  }
0x1b8: {  	v2 =	vadd.s32 $0x101, v7;
	v28 =	vmul.f32 v50, v45;
	[tilespmem:v20+s4+$0x0] =	vst.idx.add.f32.msk $0xffff, v21;
	v19 =	vor.u32 v58, v57  }
0x1b9: {  	v61 =	vadd.s32 $0x1, v26;
	[tilespmem:v40+s4+$0x0] =	vst.idx.add.f32.msk $0xffff, v22;
	v59 =	vtrunc.f32 v52;
	v62 =	vmul.f32 v56, v29  }
0x1ba: {  	v30 =	vadd.s32 $0x101, v26;
	[tilespmem:v47+s4+$0x0] =	vst.idx.add.f32.msk $0xffff, v16;
	v32 =	vtrunc.f32 v31;
	v60 =	vcvt.f32.s32 v59  }
0x1bb: {  	v9 =	vand.u32 $0x7F, v9;
	v63 =	vmul.f32 v56, v28;
	v43 =	vld [tilespmem:s24+$0xFFFFFFF0];
	v18 =	vcvt.f32.s32 v32  }
0x1bc: {  	v15 =	vadd.s32 $0x1, v13;
	v33 =	vmul.f32 v29, v17;
	[tilespmem:v26+s4+$0x0] =	vst.idx.add.f32.msk $0xffff, v62;
	v24 =	vcvt.s32.f32 v60  }
0x1bd: {  	v17 =	vmul.f32 v17, v28;
	v20 =	vmin.u32 v60, $0xFE;
	[tilespmem:v19+s4+$0x0] =	vst.idx.add.f32.msk $0xffff, v63;
	v35 =	vcvt.s32.f32 v18  }
0x1be: {  	v18 =	vmin.u32 v18, $0xFE;
	v20 =	vshll.u32 v20, $0x8;
	[tilespmem:v61+s4+$0x0] =	vst.idx.add.f32.msk $0xffff, v33;
	v24 =	vsub.f32 v52, v24  }
0x1bf: {  	v42 =	vand.u32 $0x7F, v18;
	v20 =	vor.u32 v18, v20;
	[tilespmem:v30+s4+$0x0] =	vst.idx.add.f32.msk $0xffff, v17;
	v38 =	vsub.f32 v31, v35  }
0x1c0: {  	v57 =	vtrunc.f32 v43;
	v39 =	vadd.s32 $0x100, v20;
	v41 =	vld [tilespmem:s24+$0xE0];
	v40 =	vsub.f32 $1.000000000e+00, v24  }
0x1c1: {  	v47 =	vld [tilespmem:s24+$0x160];
	v61 =	vcvt.f32.s32 v57;
	v12 =	vand.u32 $0x1FF80, v39;
	v44 =	vsub.f32 $1.000000000e+00, v38  }
0x1c2: {  	v22 =	vmul.f32 v24, v34;
	v46 =	vor.u32 v42, v12;
	v45 =	vmul.f32 v40, v34  }
0x1c3: {  	v10 =	vmul.f32 v10, v37;
	v48 =	vadd.s32 $0x1, v20;
	v24 =	vld [tilespmem:s24+$0x70];
	v33 =	vcvt.s32.f32 v61  }
0x1c4: {  	[tilespmem:v7+s4+$0x0] =	vst.idx.add.f32.msk $0xffff, v4;
	v49 =	vadd.s32 $0x101, v20;
	v21 =	vmul.f32 v44, v22;
	v50 =	vmul.f32 v44, v45  }
0x1c5: {  	v16 =	vadd.s32 $0x101, v13;
	v51 =	vld [tilespmem:s23+$0x120];
	v17 =	vmul.f32 v38, v22;
	v53 =	vtrunc.f32 v41  }
0x1c6: {  	v52 =	vadd.s32 $0x100, v13;
	v54 =	vmul.f32 v45, v38;
	v58 =	vtrunc.f32 v47;
	[tilespmem:v20+s4+$0x0] =	vst.idx.add.f32.msk $0xffff, v50  }
0x1c7: {  	v56 =	vand.u32 $0x1FF80, v52;
	v55 =	vcvt.f32.s32 v53;
	v59 =	vcvt.f32.s32 v58;
	[tilespmem:v46+s4+$0x0] =	vst.idx.add.f32.msk $0xffff, v21  }
0x1c8: {  	v9 =	vor.u32 v9, v56;
	v12 =	vmul.f32 v36, v37;
	v62 =	vtrunc.f32 v24;
	[tilespmem:v48+s4+$0x0] =	vst.idx.add.f32.msk $0xffff, v54  }
0x1c9: {  	v18 =	vsub.f32 v43, v33;
	v60 =	vcvt.s32.f32 v55;
	v32 =	vcvt.s32.f32 v59;
	[tilespmem:v49+s4+$0x0] =	vst.idx.add.f32.msk $0xffff, v17  }
0x1ca: {  	v26 =	vmin.u32 v55, $0xFE;
	v20 =	vmin.u32 v59, $0xFE;
	v21 =	vcvt.f32.s32 v62;
	v63 =	vld [tilespmem:s24+$0x1E0]  }
0x1cb: {  	v26 =	vshll.u32 v26, $0x8;
	v19 =	vsub.f32 v41, v60;
	v23 =	vsub.f32 v47, v32;
	v29 =	vld [tilespmem:s24+$0x260]  }
0x1cc: {  	[tilespmem:v8+s4+$0x0] =	vst.idx.add.f32.msk $0xffff, v5;
	v26 =	vor.u32 v20, v26;
	v20 =	vand.u32 $0x7F, v20;
	v49 =	vcvt.s32.f32 v21  }
0x1cd: {  	[tilespmem:v6+s4+$0x0] =	vst.idx.add.f32.msk $0xffff, v3;
	v17 =	vmin.u32 v61, $0xFE;
	v3 =	vmin.u32 v21, $0xFE;
	v34 =	vsub.f32 $1.000000000e+00, v19  }
0x1ce: {  	v35 =	vadd.s32 $0x100, v26;
	v36 =	vsub.f32 $1.000000000e+00, v23;
	v19 =	vmul.f32 v19, v51  }
0x1cf: {  	v28 =	vand.u32 $0x1FF80, v35;
	v27 =	vmul.f32 v34, v51;
	v37 =	vtrunc.f32 v63  }
0x1d0: {  	v20 =	vor.u32 v20, v28;
	v40 =	vtrunc.f32 v29;
	v31 =	vcvt.f32.s32 v37  }
0x1d1: {  	v39 =	vadd.s32 $0x1, v26;
	v43 =	vmul.f32 v36, v19;
	v7 =	vcvt.f32.s32 v40  }
0x1d2: {  	v58 =	vld [tilespmem:s23+$0x30];
	v42 =	vadd.s32 $0x101, v26;
	v38 =	vmul.f32 v36, v27;
	v41 =	vcvt.s32.f32 v31  }
0x1d3: {  	v44 =	vld [tilespmem:s23+$0x220];
	v27 =	vmul.f32 v27, v23;
	v45 =	vmin.u32 v31, $0xFE;
	v46 =	vcvt.s32.f32 v7  }
0x1d4: {  	[tilespmem:v26+s4+$0x0] =	vst.idx.add.f32.msk $0xffff, v38;
	v7 =	vmin.u32 v7, $0xFE;
	v47 =	vshll.u32 v45, $0x8;
	v22 =	vsub.f32 v63, v41  }
0x1d5: {  	v17 =	vshll.u32 v17, $0x8;
	v48 =	vmul.f32 v23, v19;
	[tilespmem:v20+s4+$0x0] =	vst.idx.add.f32.msk $0xffff, v43;
	v50 =	vor.u32 v7, v47  }
0x1d6: {  	[tilespmem:v39+s4+$0x0] =	vst.idx.add.f32.msk $0xffff, v27;
	v51 =	vsub.f32 v29, v46;
	v52 =	vadd.s32 $0x100, v50;
	v53 =	vsub.f32 $1.000000000e+00, v22  }
0x1d7: {  	v17 =	vor.u32 v3, v17;
	[tilespmem:v42+s4+$0x0] =	vst.idx.add.f32.msk $0xffff, v48;
	v7 =	vand.u32 $0x7F, v7;
	v54 =	vand.u32 $0x1FF80, v52  }
0x1d8: {  	v8 =	vld [tilespmem:s24+$0xF0];
	v55 =	vsub.f32 $1.000000000e+00, v51;
	v5 =	vor.u32 v7, v54;
	v25 =	vmul.f32 v53, v44  }
0x1d9: {  	[tilespmem:v2+s4+$0x0] =	vst.idx.add.f32.msk $0xffff, v1;
	v3 =	vand.u32 $0x7F, v3;
	v56 =	vadd.s32 $0x1, v50;
	v57 =	vmul.f32 v22, v44  }
0x1da: {  	v19 =	vsub.f32 v24, v49;
	v59 =	vadd.s32 $0x101, v50;
	v61 =	vld [tilespmem:s24+$0x170];
	v60 =	vmul.f32 v55, v25  }
0x1db: {  	v62 =	vadd.s32 $0x1, v17;
	v28 =	vsub.f32 $1.000000000e+00, v18;
	v36 =	vld [tilespmem:s23+$0x130];
	v23 =	vmul.f32 v55, v57  }
0x1dc: {  	v18 =	vmul.f32 v18, v58;
	v31 =	vsub.f32 $1.000000000e+00, v19;
	v25 =	vmul.f32 v25, v51;
	[tilespmem:v50+s4+$0x0] =	vst.idx.add.f32.msk $0xffff, v60  }
0x1dd: {  	v30 =	vadd.s32 $0x101, v17;
	v4 =	vmul.f32 v51, v57;
	v29 =	vtrunc.f32 v8;
	[tilespmem:v5+s4+$0x0] =	vst.idx.add.f32.msk $0xffff, v23  }
0x1de: {  	v63 =	vadd.s32 $0x100, v17;
	v6 =	vmul.f32 v31, v18;
	v23 =	vcvt.f32.s32 v29;
	[tilespmem:v56+s4+$0x0] =	vst.idx.add.f32.msk $0xffff, v25  }
0x1df: {  	v18 =	vmul.f32 v19, v18;
	v32 =	vand.u32 $0x1FF80, v63;
	v33 =	vtrunc.f32 v61;
	[tilespmem:v59+s4+$0x0] =	vst.idx.add.f32.msk $0xffff, v4  }
0x1e0: {  	v34 =	vcvt.s32.f32 v23;
	v4 =	vcvt.f32.s32 v33;
	v38 =	vmin.u32 v23, $0xFE;
	v25 =	vld [tilespmem:s24+$0x1F0]  }
0x1e1: {  	v3 =	vor.u32 v3, v32;
	v5 =	vmul.f32 v28, v58;
	v39 =	vld [tilespmem:s24+$0x270];
	v2 =	vshll.u32 v38, $0x8  }
0x1e2: {  	v8 =	vsub.f32 v8, v34;
	v37 =	vcvt.s32.f32 v4;
	v1 =	vmin.u32 v4, $0xFE  }
0x1e3: {  	v35 =	vmul.f32 v31, v5;
	v5 =	vmul.f32 v5, v19;
	v2 =	vor.u32 v1, v2  }
0x1e4: {  	[tilespmem:v13+s4+$0x0] =	vst.idx.add.f32.msk $0xffff, v11;
	v1 =	vand.u32 $0x7F, v1;
	v40 =	vsub.f32 $1.000000000e+00, v8;
	v41 =	vsub.f32 v61, v37  }
0x1e5: {  	[tilespmem:v9+s4+$0x0] =	vst.idx.add.f32.msk $0xffff, v12;
	v43 =	vadd.s32 $0x100, v2;
	v8 =	vmul.f32 v8, v36;
	v42 =	vtrunc.f32 v25  }
0x1e6: {  	[tilespmem:v15+s4+$0x0] =	vst.idx.add.f32.msk $0xffff, v14;
	v45 =	vadd.s32 $0x1, v2;
	v46 =	vtrunc.f32 v39;
	v44 =	vcvt.f32.s32 v42  }
0x1e7: {  	v51 =	vld [tilespmem:s23+$0x230];
	v48 =	vadd.s32 $0x101, v2;
	v9 =	vand.u32 $0x1FF80, v43;
	v49 =	vcvt.f32.s32 v46  }
0x1e8: {  	[tilespmem:v17+s4+$0x0] =	vst.idx.add.f32.msk $0xffff, v35;
	v4 =	vmul.f32 v40, v36;
	v1 =	vor.u32 v1, v9;
	v47 =	vcvt.s32.f32 v44  }
0x1e9: {  	[tilespmem:v3+s4+$0x0] =	vst.idx.add.f32.msk $0xffff, v6;
	v50 =	vsub.f32 $1.000000000e+00, v41;
	v12 =	vmin.u32 v44, $0xFE;
	v3 =	vcvt.s32.f32 v49  }
0x1ea: {  	[tilespmem:v16+s4+$0x0] =	vst.idx.add.f32.msk $0xffff, v10;
	v52 =	vmin.u32 v49, $0xFE;
	v53 =	vshll.u32 v12, $0x8;
	v14 =	vsub.f32 v25, v47  }
0x1eb: {  	v54 =	vmul.f32 v50, v4;
	v10 =	vmul.f32 v50, v8;
	v9 =	vor.u32 v52, v53  }
0x1ec: {  	[tilespmem:v62+s4+$0x0] =	vst.idx.add.f32.msk $0xffff, v5;
	v3 =	vsub.f32 v39, v3;
	v55 =	vadd.s32 $0x100, v9;
	v56 =	vsub.f32 $1.000000000e+00, v14  }
0x1ed: {  	[tilespmem:v30+s4+$0x0] =	vst.idx.add.f32.msk $0xffff, v18;
	v4 =	vmul.f32 v4, v41;
	v6 =	vand.u32 $0x7F, v52;
	v5 =	vand.u32 $0x1FF80, v55  }
0x1ee: {  	[tilespmem:v2+s4+$0x0] =	vst.idx.add.f32.msk $0xffff, v54;
	v57 =	vsub.f32 $1.000000000e+00, v3;
	v2 =	vor.u32 v6, v5;
	v58 =	vmul.f32 v56, v51  }
0x1ef: {  	s22 =	sadd.s32 $0x5, s22;
	[tilespmem:v1+s4+$0x0] =	vst.idx.add.f32.msk $0xffff, v10;
	v1 =	vmul.f32 v41, v8;
	v60 =	vadd.s32 $0x1, v9;
	v59 =	vmul.f32 v14, v51  }
0x1f0: {  	p0 =	slt.u32 s22, $0x14;
	[tilespmem:v45+s4+$0x0] =	vst.idx.add.f32.msk $0xffff, v4;
	v61 =	vadd.s32 $0x101, v9;
	v62 =	vmul.f32 v57, v58  }
.Ltmp9:
0x1f1: {  	[tilespmem:v48+s4+$0x0] =	vst.idx.add.f32.msk $0xffff, v1;
	v1 =	vmul.f32 v57, v59;
	(pc) =	sbr.rel @p0 .LBB2_12-.Ltmp9, $4  }
0x1f2: {  	v63 =	vmul.f32 v58, v3;
	[tilespmem:v9+s4+$0x0] =	vst.idx.add.f32.msk $0xffff, v62  }
0x1f3: {  	[tilespmem:v2+s4+$0x0] =	vst.idx.add.f32.msk $0xffff, v1;
	v1 =	vmul.f32 v3, v59  }
0x1f4: {  	[tilespmem:v60+s4+$0x0] =	vst.idx.add.f32.msk $0xffff, v63  }
0x1f5: {  	s23 =	sadd.s32 $0x500, s23;
	s24 =	sadd.s32 $0x500, s24;
	[tilespmem:v61+s4+$0x0] =	vst.idx.add.f32.msk $0xffff, v1  }
.LBB2_13:
0x1f6: {  	p0 =	sge.u32 s21, s9  }
.Ltmp10:
0x1f7: {  	_ = 	snop;
	(pc) =	sbr.rel @p0 .LBB2_20-.Ltmp10, $1  }
0x1f8: {  	_ =	sdelay $0x3  }
0x1f9: {  	s21 =	sadd.s32 $0x2, s21  }
0x1fa: {  	_ =	swait.ge [sflag:s15], $0x1900;
	p0 =	sge.u32 s21, s6  }
.Ltmp11:
0x1fb: {  	[sflag:s15] =	ssyncset.done $0x0;
	(pc) =	sbr.rel @p0 .LBB2_18-.Ltmp11, $4  }
0x1fc: {  	[sflag:s15] =	ssyncadd.s32 $0xFFFFE700  }
0x1fd: {  	_ =	swait.ge [sflag:s15], $0xC80  }
0x1fe: {  	[sflag:s15] =	ssyncset.done $0x0  }
0x1ff: {  	[sflag:s15] =	ssyncadd.s32 $0xFFFFF380  }
0x200: {  	s21 =	sshll.u32 s21, $0x5  }
0x201: {  	s21 =	sor.u32 s5, s21  }
0x202: {  	s22 =	smul.u32 $0x320, s21  }
0x203: {  	s21 =	smul.u32 $0x190, s21  }
0x204: {  	s23 =	simm.s32 $0x0  }
0x205: {  	s24 =	simm.s32 $0x13300;
	s22 =	sadd.s32 s1, s22;
	s21 =	sadd.s32 s2, s21  }
0x206: {  	[tilespmem:s12], [sflag:$0x1] =	stream.linear.gather [hbm4b:s22+s23], $0x1900, $0x38;
	[tilespmem:$0x14B00] =	vst v63  }
0x207: {  	s22 =	simm.s32 $0x13200;
	s23 =	simm.s32 $0x10;
	s25 =	sadd.s32 $0x0, s21  }
.LBB2_16:
0x208: {  	[tilespmem:s22], [sflag:$0x1] =	stream.linear.gather [hbm4b:s25+s4], $0x80, $0x38;
	[tilespmem:$0x14B00] =	vst v63  }
0x209: {  	s25 =	smov.u32 s23;
	s22 =	smov.u32 s24;
	p0 =	sne.s32 s23, $0x180  }
.Ltmp12:
0x20a: {  	s23 =	sadd.s32 $0x10, s23;
	(pc) =	sbr.rel @p0 .LBB2_16-.Ltmp12, $2  }
0x20b: {  	_ =	sdelay $0x2  }
0x20c: {  	s24 =	sadd.s32 $0x100, s24;
	s25 =	sadd.s32 s25, s21  }
0x20d: {  	[tilespmem:s22], [sflag:$0x1] =	stream.linear.gather [hbm4b:s25+s4], $0x80, $0x38;
	[tilespmem:$0x14B00] =	vst v63  }
.LBB2_18:
0x20e: {  	s21 =	simm.s32 $0xFFFFFFFB;
	s22 =	simm.s32 $0x13480;
	s23 =	simm.s32 $0x11DF0  }
.LBB2_19:
0x20f: {  	v1 =	vld [tilespmem:s23+$0xFFFFFB10]  }
0x210: {  	v2 =	vld [tilespmem:s23+$0xFFFFFB90];
	_ =	sdelay $0x3  }
0x211: {  	v3 =	vtrunc.f32 v1  }
0x212: {  	v4 =	vtrunc.f32 v2;
	v3 =	vcvt.f32.s32 v3  }
0x213: {  	v4 =	vcvt.f32.s32 v4  }
0x214: {  	v5 =	vcvt.s32.f32 v3  }
0x215: {  	v6 =	vld [tilespmem:s22+$0xFFFFFE00];
	v3 =	vmin.u32 v3, $0xFE;
	v52 =	vcvt.s32.f32 v4  }
0x216: {  	v4 =	vmin.u32 v4, $0xFE;
	v3 =	vshll.u32 v3, $0x8;
	v1 =	vsub.f32 v1, v5  }
0x217: {  	v3 =	vor.u32 v4, v3  }
0x218: {  	v2 =	vsub.f32 v2, v52;
	v53 =	vadd.s32 $0x100, v3;
	v7 =	vsub.f32 $1.000000000e+00, v1  }
0x219: {  	v4 =	vand.u32 $0x7F, v4;
	v5 =	vand.u32 $0x1FF80, v53  }
0x21a: {  	v8 =	vsub.f32 $1.000000000e+00, v2;
	v4 =	vor.u32 v4, v5;
	v7 =	vmul.f32 v7, v6  }
0x21b: {  	v54 =	vadd.s32 $0x1, v3;
	v1 =	vmul.f32 v1, v6  }
0x21c: {  	v55 =	vadd.s32 $0x101, v3;
	v9 =	vmul.f32 v8, v7  }
0x21d: {  	v8 =	vmul.f32 v8, v1  }
0x21e: {  	[tilespmem:v3+s4+$0x0] =	vst.idx.add.f32.msk $0xffff, v9;
	v3 =	vmul.f32 v7, v2  }
0x21f: {  	v1 =	vmul.f32 v2, v1;
	[tilespmem:v4+s4+$0x0] =	vst.idx.add.f32.msk $0xffff, v8  }
0x220: {  	[tilespmem:v54+s4+$0x0] =	vst.idx.add.f32.msk $0xffff, v3  }
0x221: {  	[tilespmem:v55+s4+$0x0] =	vst.idx.add.f32.msk $0xffff, v1  }
0x222: {  	v1 =	vld [tilespmem:s23+$0xFFFFFB20]  }
0x223: {  	v2 =	vld [tilespmem:s23+$0xFFFFFBA0];
	_ =	sdelay $0x3  }
0x224: {  	v3 =	vtrunc.f32 v1  }
0x225: {  	v56 =	vtrunc.f32 v2;
	v3 =	vcvt.f32.s32 v3  }
0x226: {  	v4 =	vcvt.f32.s32 v56  }
0x227: {  	v57 =	vcvt.s32.f32 v3  }
0x228: {  	v6 =	vld [tilespmem:s22+$0xFFFFFE10];
	v3 =	vmin.u32 v3, $0xFE;
	v58 =	vcvt.s32.f32 v4  }
0x229: {  	v4 =	vmin.u32 v4, $0xFE;
	v3 =	vshll.u32 v3, $0x8;
	v1 =	vsub.f32 v1, v57  }
0x22a: {  	v3 =	vor.u32 v4, v3  }
0x22b: {  	v2 =	vsub.f32 v2, v58;
	v59 =	vadd.s32 $0x100, v3;
	v60 =	vsub.f32 $1.000000000e+00, v1  }
0x22c: {  	v4 =	vand.u32 $0x7F, v4;
	v5 =	vand.u32 $0x1FF80, v59  }
0x22d: {  	v61 =	vsub.f32 $1.000000000e+00, v2;
	v4 =	vor.u32 v4, v5;
	v7 =	vmul.f32 v60, v6  }
0x22e: {  	v62 =	vadd.s32 $0x1, v3;
	v1 =	vmul.f32 v1, v6  }
0x22f: {  	v63 =	vadd.s32 $0x101, v3;
	v12 =	vmul.f32 v61, v7  }
0x230: {  	v8 =	vmul.f32 v61, v1  }
0x231: {  	[tilespmem:v3+s4+$0x0] =	vst.idx.add.f32.msk $0xffff, v12;
	v3 =	vmul.f32 v7, v2  }
0x232: {  	v1 =	vmul.f32 v2, v1;
	[tilespmem:v4+s4+$0x0] =	vst.idx.add.f32.msk $0xffff, v8  }
0x233: {  	[tilespmem:v62+s4+$0x0] =	vst.idx.add.f32.msk $0xffff, v3  }
0x234: {  	[tilespmem:v63+s4+$0x0] =	vst.idx.add.f32.msk $0xffff, v1  }
0x235: {  	v1 =	vld [tilespmem:s23+$0xFFFFFB30];
	_ =	sdelay $0x1  }
0x236: {  	v2 =	vld [tilespmem:s23+$0xFFFFFBB0];
	_ =	sdelay $0x2  }
0x237: {  	v3 =	vtrunc.f32 v1  }
0x238: {  	v3 =	vcvt.f32.s32 v3  }
0x239: {  	v13 =	vtrunc.f32 v2  }
0x23a: {  	v4 =	vcvt.f32.s32 v13;
	v14 =	vcvt.s32.f32 v3  }
0x23b: {  	v6 =	vld [tilespmem:s22+$0xFFFFFE20]  }
0x23c: {  	v15 =	vcvt.s32.f32 v4;
	v1 =	vsub.f32 v1, v14  }
0x23d: {  	v3 =	vmin.u32 v3, $0xFE;
	v4 =	vmin.u32 v4, $0xFE  }
0x23e: {  	v3 =	vshll.u32 v3, $0x8;
	v2 =	vsub.f32 v2, v15;
	v5 =	vsub.f32 $1.000000000e+00, v1  }
0x23f: {  	v3 =	vor.u32 v4, v3  }
0x240: {  	v16 =	vadd.s32 $0x100, v3;
	v17 =	vsub.f32 $1.000000000e+00, v2;
	v5 =	vmul.f32 v5, v6  }
0x241: {  	v4 =	vand.u32 $0x7F, v4;
	v7 =	vand.u32 $0x1FF80, v16  }
0x242: {  	v4 =	vor.u32 v4, v7;
	v19 =	vmul.f32 v17, v5  }
0x243: {  	v21 =	vld [tilespmem:s23+$0xFFFFFC10];
	v18 =	vadd.s32 $0x1, v3;
	v1 =	vmul.f32 v1, v6  }
0x244: {  	v20 =	vadd.s32 $0x101, v3;
	v5 =	vmul.f32 v5, v2;
	[tilespmem:v3+s4+$0x0] =	vst.idx.add.f32.msk $0xffff, v19  }
0x245: {  	v3 =	vmul.f32 v17, v1;
	v1 =	vmul.f32 v2, v1;
	v2 =	vld [tilespmem:s23+$0xFFFFFC90];
	_ =	sdelay $0x1  }
0x246: {  	[tilespmem:v4+s4+$0x0] =	vst.idx.add.f32.msk $0xffff, v3  }
0x247: {  	v3 =	vtrunc.f32 v21;
	[tilespmem:v18+s4+$0x0] =	vst.idx.add.f32.msk $0xffff, v5  }
0x248: {  	v3 =	vcvt.f32.s32 v3;
	[tilespmem:v20+s4+$0x0] =	vst.idx.add.f32.msk $0xffff, v1  }
0x249: {  	v1 =	vld [tilespmem:s23+$0xFFFFFB40];
	v22 =	vtrunc.f32 v2  }
0x24a: {  	v23 =	vcvt.s32.f32 v3;
	v7 =	vld [tilespmem:s23+$0xFFFFFBC0];
	v3 =	vmin.u32 v3, $0xFE;
	v4 =	vcvt.f32.s32 v22  }
0x24b: {  	v25 =	vld [tilespmem:s22+$0xFFFFFF00];
	v3 =	vshll.u32 v3, $0x8  }
0x24c: {  	v5 =	vsub.f32 v21, v23;
	v26 =	vcvt.s32.f32 v4;
	v4 =	vmin.u32 v4, $0xFE  }
0x24d: {  	v3 =	vor.u32 v4, v3  }
0x24e: {  	v10 =	vsub.f32 $1.000000000e+00, v5;
	v4 =	vand.u32 $0x7F, v4;
	v24 =	vtrunc.f32 v1  }
0x24f: {  	v2 =	vsub.f32 v2, v26;
	v27 =	vadd.s32 $0x100, v3;
	v11 =	vtrunc.f32 v7  }
0x250: {  	v8 =	vcvt.f32.s32 v24;
	v6 =	vand.u32 $0x1FF80, v27;
	v10 =	vmul.f32 v10, v25  }
0x251: {  	v29 =	vcvt.f32.s32 v11;
	v12 =	vsub.f32 $1.000000000e+00, v2;
	v4 =	vor.u32 v4, v6  }
0x252: {  	v5 =	vmul.f32 v5, v25;
	v13 =	vadd.s32 $0x1, v3;
	v28 =	vcvt.s32.f32 v8  }
0x253: {  	v30 =	vadd.s32 $0x101, v3;
	v32 =	vcvt.s32.f32 v29;
	v14 =	vmul.f32 v12, v10  }
0x254: {  	v15 =	vld [tilespmem:s22+$0xFFFFFE30];
	v8 =	vmin.u32 v8, $0xFE;
	v9 =	vmin.u32 v29, $0xFE;
	v31 =	vmul.f32 v12, v5  }
0x255: {  	v8 =	vshll.u32 v8, $0x8;
	v1 =	vsub.f32 v1, v28;
	[tilespmem:v3+s4+$0x0] =	vst.idx.add.f32.msk $0xffff, v14;
	v3 =	vmul.f32 v10, v2  }
0x256: {  	v33 =	vor.u32 v9, v8;
	v2 =	vmul.f32 v2, v5;
	[tilespmem:v4+s4+$0x0] =	vst.idx.add.f32.msk $0xffff, v31  }
0x257: {  	v34 =	vadd.s32 $0x100, v33;
	v35 =	vsub.f32 $1.000000000e+00, v1;
	[tilespmem:v13+s4+$0x0] =	vst.idx.add.f32.msk $0xffff, v3;
	v3 =	vsub.f32 v7, v32  }
0x258: {  	v36 =	vand.u32 $0x7F, v9;
	[tilespmem:v30+s4+$0x0] =	vst.idx.add.f32.msk $0xffff, v2;
	v2 =	vand.u32 $0x1FF80, v34  }
0x259: {  	v6 =	vmul.f32 v35, v15;
	v38 =	vsub.f32 $1.000000000e+00, v3;
	v2 =	vor.u32 v36, v2  }
0x25a: {  	v39 =	vadd.s32 $0x1, v33;
	v1 =	vmul.f32 v1, v15;
	v37 =	vld [tilespmem:s23+$0xFFFFFC20]  }
0x25b: {  	v40 =	vadd.s32 $0x101, v33;
	v11 =	vld [tilespmem:s23+$0xFFFFFCA0];
	v41 =	vmul.f32 v38, v6  }
0x25c: {  	v8 =	vmul.f32 v38, v1  }
0x25d: {  	v42 =	vmul.f32 v6, v3;
	[tilespmem:v33+s4+$0x0] =	vst.idx.add.f32.msk $0xffff, v41  }
0x25e: {  	v1 =	vmul.f32 v3, v1;
	[tilespmem:v2+s4+$0x0] =	vst.idx.add.f32.msk $0xffff, v8  }
0x25f: {  	v43 =	vtrunc.f32 v37;
	[tilespmem:v39+s4+$0x0] =	vst.idx.add.f32.msk $0xffff, v42  }
0x260: {  	v2 =	vcvt.f32.s32 v43;
	[tilespmem:v40+s4+$0x0] =	vst.idx.add.f32.msk $0xffff, v1;
	v1 =	vtrunc.f32 v11  }
0x261: {  	v1 =	vcvt.f32.s32 v1  }
0x262: {  	v3 =	vcvt.s32.f32 v2;
	v4 =	vld [tilespmem:s23+$0xFFFFFB50]  }
0x263: {  	v44 =	vld [tilespmem:s22+$0xFFFFFF10];
	v2 =	vmin.u32 v2, $0xFE;
	v45 =	vcvt.s32.f32 v1  }
0x264: {  	v46 =	vld [tilespmem:s23+$0xFFFFFBD0];
	v2 =	vshll.u32 v2, $0x8;
	v3 =	vsub.f32 v37, v3;
	v1 =	vmin.u32 v1, $0xFE  }
0x265: {  	v2 =	vor.u32 v1, v2;
	v6 =	vsub.f32 v11, v45  }
0x266: {  	v1 =	vand.u32 $0x7F, v1;
	v47 =	vadd.s32 $0x100, v2;
	v48 =	vsub.f32 $1.000000000e+00, v3  }
0x267: {  	v49 =	vtrunc.f32 v4;
	v8 =	vand.u32 $0x1FF80, v47;
	v11 =	vsub.f32 $1.000000000e+00, v6  }
0x268: {  	v9 =	vmul.f32 v48, v44;
	v1 =	vor.u32 v1, v8;
	v50 =	vcvt.f32.s32 v49  }
0x269: {  	v51 =	vadd.s32 $0x1, v2;
	v3 =	vmul.f32 v3, v44;
	v52 =	vtrunc.f32 v46  }
0x26a: {  	v53 =	vadd.s32 $0x101, v2;
	v54 =	vmul.f32 v11, v9;
	v56 =	vcvt.s32.f32 v50  }
0x26b: {  	v55 =	vld [tilespmem:s22+$0xFFFFFE40];
	v5 =	vcvt.f32.s32 v52;
	v11 =	vmul.f32 v11, v3;
	v8 =	vmin.u32 v50, $0xFE  }
0x26c: {  	v57 =	vshll.u32 v8, $0x8;
	[tilespmem:v2+s4+$0x0] =	vst.idx.add.f32.msk $0xffff, v54;
	v2 =	vmul.f32 v9, v6;
	v4 =	vsub.f32 v4, v56  }
0x26d: {  	[tilespmem:v1+s4+$0x0] =	vst.idx.add.f32.msk $0xffff, v11;
	v1 =	vmul.f32 v6, v3;
	v3 =	vcvt.s32.f32 v5;
	v5 =	vmin.u32 v5, $0xFE  }
0x26e: {  	[tilespmem:v51+s4+$0x0] =	vst.idx.add.f32.msk $0xffff, v2;
	v2 =	vor.u32 v5, v57  }
0x26f: {  	v58 =	vsub.f32 $1.000000000e+00, v4;
	[tilespmem:v53+s4+$0x0] =	vst.idx.add.f32.msk $0xffff, v1;
	v1 =	vsub.f32 v46, v3;
	v3 =	vadd.s32 $0x100, v2  }
0x270: {  	v5 =	vand.u32 $0x7F, v5;
	v59 =	vld [tilespmem:s23+$0xFFFFFC30];
	v3 =	vand.u32 $0x1FF80, v3  }
0x271: {  	v6 =	vmul.f32 v58, v55;
	v60 =	vsub.f32 $1.000000000e+00, v1;
	v3 =	vor.u32 v5, v3  }
0x272: {  	v4 =	vmul.f32 v4, v55;
	v61 =	vadd.s32 $0x1, v2;
	v62 =	vld [tilespmem:s23+$0xFFFFFCB0]  }
0x273: {  	v63 =	vadd.s32 $0x101, v2;
	v16 =	vmul.f32 v60, v6  }
0x274: {  	v8 =	vmul.f32 v60, v4  }
0x275: {  	v17 =	vtrunc.f32 v59;
	[tilespmem:v2+s4+$0x0] =	vst.idx.add.f32.msk $0xffff, v16;
	v2 =	vmul.f32 v6, v1  }
0x276: {  	v1 =	vmul.f32 v1, v4;
	v18 =	vcvt.f32.s32 v17;
	[tilespmem:v3+s4+$0x0] =	vst.idx.add.f32.msk $0xffff, v8  }
0x277: {  	[tilespmem:v61+s4+$0x0] =	vst.idx.add.f32.msk $0xffff, v2;
	v2 =	vtrunc.f32 v62  }
0x278: {  	v3 =	vcvt.s32.f32 v18;
	[tilespmem:v63+s4+$0x0] =	vst.idx.add.f32.msk $0xffff, v1;
	v1 =	vcvt.f32.s32 v2;
	v19 =	vmin.u32 v18, $0xFE  }
0x279: {  	v2 =	vld [tilespmem:s22+$0xFFFFFF20];
	v4 =	vshll.u32 v19, $0x8  }
0x27a: {  	v3 =	vsub.f32 v59, v3;
	v20 =	vcvt.s32.f32 v1;
	v1 =	vmin.u32 v1, $0xFE  }
0x27b: {  	v4 =	vor.u32 v1, v4  }
0x27c: {  	v46 =	vld [tilespmem:s23+$0xFFFFFD90];
	v6 =	vsub.f32 v62, v20;
	v22 =	vadd.s32 $0x100, v4;
	v23 =	vsub.f32 $1.000000000e+00, v3  }
0x27d: {  	v1 =	vand.u32 $0x7F, v1;
	v8 =	vand.u32 $0x1FF80, v22  }
0x27e: {  	v43 =	vld [tilespmem:s23+$0xFFFFFD10];
	v24 =	vsub.f32 $1.000000000e+00, v6;
	v9 =	vmul.f32 v23, v2;
	v1 =	vor.u32 v1, v8  }
0x27f: {  	v5 =	vld [tilespmem:s23+$0xFFFFFB60];
	v26 =	vadd.s32 $0x1, v4;
	v2 =	vmul.f32 v3, v2  }
0x280: {  	v21 =	vld [tilespmem:s23+$0xFFFFFBE0];
	v27 =	vadd.s32 $0x101, v4;
	v28 =	vmul.f32 v24, v9  }
0x281: {  	v53 =	vtrunc.f32 v46;
	v10 =	vmul.f32 v24, v2  }
0x282: {  	v56 =	vcvt.f32.s32 v53;
	v31 =	vmul.f32 v9, v6;
	[tilespmem:v4+s4+$0x0] =	vst.idx.add.f32.msk $0xffff, v28  }
0x283: {  	v18 =	vtrunc.f32 v43;
	[tilespmem:v1+s4+$0x0] =	vst.idx.add.f32.msk $0xffff, v10;
	v1 =	vmul.f32 v6, v2  }
0x284: {  	v18 =	vcvt.f32.s32 v18;
	v25 =	vtrunc.f32 v5;
	[tilespmem:v26+s4+$0x0] =	vst.idx.add.f32.msk $0xffff, v31  }
0x285: {  	v30 =	vtrunc.f32 v21;
	v3 =	vcvt.f32.s32 v25;
	[tilespmem:v27+s4+$0x0] =	vst.idx.add.f32.msk $0xffff, v1  }
0x286: {  	v54 =	vcvt.s32.f32 v18;
	v14 =	vcvt.f32.s32 v30;
	v1 =	vld [tilespmem:s23+$0xFFFFFC40]  }
0x287: {  	v59 =	vmin.u32 v18, $0xFE;
	v32 =	vcvt.s32.f32 v3;
	v3 =	vmin.u32 v3, $0xFE;
	v34 =	vld [tilespmem:s23+$0xFFFFFCC0]  }
0x288: {  	v33 =	vcvt.s32.f32 v14;
	v35 =	vmin.u32 v14, $0xFE;
	v3 =	vshll.u32 v3, $0x8  }
0x289: {  	v29 =	vld [tilespmem:s22+$0xFFFFFE50];
	v60 =	vshll.u32 v59, $0x8;
	v7 =	vand.u32 $0x7F, v35;
	v3 =	vor.u32 v35, v3  }
0x28a: {  	v2 =	vsub.f32 v5, v32;
	v4 =	vsub.f32 v21, v33;
	v37 =	vadd.s32 $0x1, v3  }
0x28b: {  	v38 =	vadd.s32 $0x100, v3;
	v41 =	vadd.s32 $0x101, v3;
	v40 =	vtrunc.f32 v1  }
0x28c: {  	v5 =	vsub.f32 $1.000000000e+00, v2;
	v42 =	vtrunc.f32 v34;
	v12 =	vcvt.f32.s32 v40  }
0x28d: {  	v36 =	vsub.f32 $1.000000000e+00, v4;
	v10 =	vand.u32 $0x1FF80, v38;
	v14 =	vcvt.f32.s32 v42  }
0x28e: {  	v2 =	vmul.f32 v2, v29;
	v7 =	vor.u32 v7, v10;
	v44 =	vcvt.s32.f32 v12  }
0x28f: {  	v16 =	vld [tilespmem:s22+$0xFFFFFF30];
	v5 =	vmul.f32 v5, v29;
	v17 =	vcvt.s32.f32 v14;
	v12 =	vmin.u32 v12, $0xFE  }
0x290: {  	v45 =	vmin.u32 v14, $0xFE;
	v12 =	vshll.u32 v12, $0x8;
	v1 =	vsub.f32 v1, v44  }
0x291: {  	v8 =	vmul.f32 v36, v2;
	v39 =	vmul.f32 v36, v5;
	v48 =	vor.u32 v45, v12  }
0x292: {  	v47 =	vsub.f32 v34, v17;
	v19 =	vadd.s32 $0x100, v48;
	v49 =	vsub.f32 $1.000000000e+00, v1  }
0x293: {  	v58 =	vld [tilespmem:s22+$0x0];
	v5 =	vmul.f32 v5, v4;
	v52 =	vand.u32 $0x7F, v45;
	v51 =	vand.u32 $0x1FF80, v19  }
0x294: {  	[tilespmem:v3+s4+$0x0] =	vst.idx.add.f32.msk $0xffff, v39;
	v3 =	vsub.f32 $1.000000000e+00, v47;
	v55 =	vor.u32 v52, v51;
	v50 =	vmul.f32 v49, v16  }
0x295: {  	v2 =	vmul.f32 v4, v2;
	[tilespmem:v7+s4+$0x0] =	vst.idx.add.f32.msk $0xffff, v8;
	v12 =	vadd.s32 $0x1, v48;
	v1 =	vmul.f32 v1, v16  }
0x296: {  	v10 =	vsub.f32 v43, v54;
	[tilespmem:v37+s4+$0x0] =	vst.idx.add.f32.msk $0xffff, v5;
	v20 =	vadd.s32 $0x101, v48;
	v57 =	vmul.f32 v3, v50  }
0x297: {  	v7 =	vmin.u32 v56, $0xFE;
	[tilespmem:v41+s4+$0x0] =	vst.idx.add.f32.msk $0xffff, v2;
	v2 =	vcvt.s32.f32 v56;
	v3 =	vmul.f32 v3, v1  }
0x298: {  	v62 =	vsub.f32 $1.000000000e+00, v10;
	v13 =	vor.u32 v7, v60;
	v11 =	vmul.f32 v50, v47;
	[tilespmem:v48+s4+$0x0] =	vst.idx.add.f32.msk $0xffff, v57  }
0x299: {  	v61 =	vadd.s32 $0x100, v13;
	v2 =	vsub.f32 v46, v2;
	v1 =	vmul.f32 v47, v1;
	[tilespmem:v55+s4+$0x0] =	vst.idx.add.f32.msk $0xffff, v3  }
0x29a: {  	v63 =	vand.u32 $0x7F, v7;
	v3 =	vand.u32 $0x1FF80, v61;
	[tilespmem:v12+s4+$0x0] =	vst.idx.add.f32.msk $0xffff, v11  }
0x29b: {  	v14 =	vmul.f32 v62, v58;
	v12 =	vsub.f32 $1.000000000e+00, v2;
	v3 =	vor.u32 v63, v3;
	[tilespmem:v20+s4+$0x0] =	vst.idx.add.f32.msk $0xffff, v1  }
0x29c: {  	v15 =	vmul.f32 v10, v58;
	v1 =	vadd.s32 $0x1, v13;
	v16 =	vld [tilespmem:s23+$0xFFFFFC50]  }
0x29d: {  	v17 =	vadd.s32 $0x101, v13;
	v18 =	vmul.f32 v12, v14;
	v19 =	vld [tilespmem:s23+$0xFFFFFCD0]  }
0x29e: {  	v5 =	vmul.f32 v12, v15  }
0x29f: {  	v6 =	vmul.f32 v14, v2;
	[tilespmem:v13+s4+$0x0] =	vst.idx.add.f32.msk $0xffff, v18  }
0x2a0: {  	v2 =	vmul.f32 v2, v15;
	[tilespmem:v3+s4+$0x0] =	vst.idx.add.f32.msk $0xffff, v5  }
0x2a1: {  	[tilespmem:v1+s4+$0x0] =	vst.idx.add.f32.msk $0xffff, v6  }
0x2a2: {  	[tilespmem:v17+s4+$0x0] =	vst.idx.add.f32.msk $0xffff, v2;
	v3 =	vtrunc.f32 v16;
	v20 =	vtrunc.f32 v19  }
0x2a3: {  	v1 =	vld [tilespmem:s23+$0xFFFFFD20];
	v3 =	vcvt.f32.s32 v3;
	v4 =	vcvt.f32.s32 v20  }
0x2a4: {  	v5 =	vld [tilespmem:s23+$0xFFFFFDA0]  }
0x2a5: {  	v21 =	vcvt.s32.f32 v3;
	v22 =	vcvt.s32.f32 v4  }
0x2a6: {  	v12 =	vld [tilespmem:s22+$0xFFFFFF40];
	v3 =	vmin.u32 v3, $0xFE;
	v4 =	vmin.u32 v4, $0xFE  }
0x2a7: {  	v3 =	vshll.u32 v3, $0x8;
	v6 =	vsub.f32 v16, v21;
	v25 =	vsub.f32 v19, v22  }
0x2a8: {  	v3 =	vor.u32 v4, v3;
	v4 =	vand.u32 $0x7F, v4;
	v23 =	vtrunc.f32 v1  }
0x2a9: {  	v26 =	vtrunc.f32 v5;
	v9 =	vcvt.f32.s32 v23;
	v29 =	vsub.f32 $1.000000000e+00, v6  }
0x2aa: {  	v38 =	vadd.s32 $0x100, v3;
	v8 =	vcvt.f32.s32 v26;
	v30 =	vsub.f32 $1.000000000e+00, v25  }
0x2ab: {  	v39 =	vand.u32 $0x1FF80, v38;
	v27 =	vcvt.s32.f32 v9;
	v14 =	vmul.f32 v29, v12  }
0x2ac: {  	v13 =	vld [tilespmem:s22+$0x10];
	v42 =	vadd.s32 $0x1, v3;
	v4 =	vor.u32 v4, v39;
	v9 =	vmin.u32 v9, $0xFE  }
0x2ad: {  	v28 =	vcvt.s32.f32 v8;
	v1 =	vsub.f32 v1, v27;
	v35 =	vmul.f32 v30, v14  }
0x2ae: {  	v2 =	vld [tilespmem:s23+$0xFFFFFB70];
	v6 =	vmul.f32 v6, v12;
	v8 =	vmin.u32 v8, $0xFE;
	v9 =	vshll.u32 v9, $0x8  }
0x2af: {  	v5 =	vsub.f32 v5, v28;
	v32 =	vsub.f32 $1.000000000e+00, v1;
	[tilespmem:v3+s4+$0x0] =	vst.idx.add.f32.msk $0xffff, v35;
	v3 =	vadd.s32 $0x101, v3  }
0x2b0: {  	v33 =	vld [tilespmem:s23+$0xFFFFFBF0];
	v45 =	vmul.f32 v30, v6;
	v9 =	vor.u32 v8, v9;
	v46 =	vmul.f32 v14, v25  }
0x2b1: {  	v37 =	vld [tilespmem:s22+$0xFFFFFE60];
	v31 =	vadd.s32 $0x100, v9;
	v34 =	vsub.f32 $1.000000000e+00, v5;
	v16 =	vmul.f32 v32, v13  }
0x2b2: {  	v6 =	vmul.f32 v25, v6;
	v8 =	vand.u32 $0x7F, v8;
	v10 =	vand.u32 $0x1FF80, v31;
	[tilespmem:v4+s4+$0x0] =	vst.idx.add.f32.msk $0xffff, v45  }
0x2b3: {  	v24 =	vtrunc.f32 v2;
	v8 =	vor.u32 v8, v10;
	[tilespmem:v42+s4+$0x0] =	vst.idx.add.f32.msk $0xffff, v46;
	v22 =	vmul.f32 v34, v16  }
0x2b4: {  	v11 =	vcvt.f32.s32 v24;
	v36 =	vadd.s32 $0x1, v9;
	v1 =	vmul.f32 v1, v13;
	[tilespmem:v3+s4+$0x0] =	vst.idx.add.f32.msk $0xffff, v6  }
0x2b5: {  	v21 =	vadd.s32 $0x101, v9;
	[tilespmem:v9+s4+$0x0] =	vst.idx.add.f32.msk $0xffff, v22  }
0x2b6: {  	v44 =	vcvt.s32.f32 v11;
	v18 =	vmul.f32 v34, v1;
	v52 =	vld [tilespmem:s23+$0xFFFFFC60]  }
0x2b7: {  	v40 =	vtrunc.f32 v33;
	v41 =	vmul.f32 v16, v5;
	v59 =	vld [tilespmem:s23+$0xFFFFFCE0]  }
0x2b8: {  	v43 =	vcvt.f32.s32 v40;
	v2 =	vsub.f32 v2, v44;
	v1 =	vmul.f32 v5, v1;
	[tilespmem:v8+s4+$0x0] =	vst.idx.add.f32.msk $0xffff, v18  }
0x2b9: {  	v48 =	vmin.u32 v11, $0xFE;
	[tilespmem:v36+s4+$0x0] =	vst.idx.add.f32.msk $0xffff, v41  }
0x2ba: {  	v49 =	vsub.f32 $1.000000000e+00, v2;
	v4 =	vshll.u32 v48, $0x8;
	v5 =	vmin.u32 v43, $0xFE;
	[tilespmem:v21+s4+$0x0] =	vst.idx.add.f32.msk $0xffff, v1  }
0x2bb: {  	v2 =	vmul.f32 v2, v37;
	v4 =	vor.u32 v5, v4;
	v1 =	vcvt.s32.f32 v43;
	v47 =	vld [tilespmem:s23+$0xFFFFFD30]  }
0x2bc: {  	v51 =	vmul.f32 v49, v37;
	v5 =	vand.u32 $0x7F, v5;
	v55 =	vadd.s32 $0x100, v4;
	v50 =	vld [tilespmem:s23+$0xFFFFFDB0]  }
0x2bd: {  	v1 =	vsub.f32 v33, v1;
	v60 =	vtrunc.f32 v52;
	v22 =	vtrunc.f32 v59  }
0x2be: {  	v11 =	vand.u32 $0x1FF80, v55;
	v16 =	vcvt.f32.s32 v60;
	v25 =	vcvt.f32.s32 v22  }
0x2bf: {  	v3 =	vsub.f32 $1.000000000e+00, v1;
	v6 =	vmul.f32 v51, v1;
	v1 =	vmul.f32 v1, v2  }
0x2c0: {  	v5 =	vor.u32 v5, v11;
	v30 =	vcvt.s32.f32 v25;
	v53 =	vtrunc.f32 v47  }
0x2c1: {  	v54 =	vadd.s32 $0x1, v4;
	v56 =	vmul.f32 v3, v51;
	v57 =	vtrunc.f32 v50  }
0x2c2: {  	v9 =	vcvt.f32.s32 v53;
	v13 =	vcvt.f32.s32 v57  }
0x2c3: {  	v3 =	vmul.f32 v3, v2;
	v34 =	vsub.f32 v59, v30;
	[tilespmem:v4+s4+$0x0] =	vst.idx.add.f32.msk $0xffff, v56;
	v4 =	vadd.s32 $0x101, v4  }
0x2c4: {  	v61 =	vld [tilespmem:s22+$0x20];
	v58 =	vcvt.s32.f32 v9;
	v9 =	vmin.u32 v9, $0xFE;
	v62 =	vcvt.s32.f32 v13  }
0x2c5: {  	v13 =	vmin.u32 v13, $0xFE;
	[tilespmem:v5+s4+$0x0] =	vst.idx.add.f32.msk $0xffff, v3;
	v3 =	vcvt.s32.f32 v16;
	v16 =	vmin.u32 v16, $0xFE  }
0x2c6: {  	v9 =	vshll.u32 v9, $0x8;
	[tilespmem:v54+s4+$0x0] =	vst.idx.add.f32.msk $0xffff, v6;
	v6 =	vmin.u32 v25, $0xFE;
	v32 =	vshll.u32 v16, $0x8  }
0x2c7: {  	v28 =	vld [tilespmem:s22+$0xFFFFFF50];
	v14 =	vsub.f32 v47, v58;
	v9 =	vor.u32 v13, v9;
	v8 =	vsub.f32 v50, v62  }
0x2c8: {  	v13 =	vand.u32 $0x7F, v13;
	v3 =	vsub.f32 v52, v3;
	v2 =	vor.u32 v6, v32  }
0x2c9: {  	v6 =	vand.u32 $0x7F, v6;
	v63 =	vadd.s32 $0x100, v9;
	v21 =	vsub.f32 $1.000000000e+00, v14  }
0x2ca: {  	v35 =	vadd.s32 $0x100, v2;
	v15 =	vand.u32 $0x1FF80, v63;
	v36 =	vsub.f32 $1.000000000e+00, v3  }
0x2cb: {  	v23 =	vsub.f32 $1.000000000e+00, v8;
	v37 =	vand.u32 $0x1FF80, v35;
	v18 =	vmul.f32 v21, v61  }
0x2cc: {  	[tilespmem:v4+s4+$0x0] =	vst.idx.add.f32.msk $0xffff, v1;
	v1 =	vsub.f32 $1.000000000e+00, v34;
	v13 =	vor.u32 v13, v15;
	v39 =	vmul.f32 v36, v28  }
0x2cd: {  	v14 =	vmul.f32 v14, v61;
	v6 =	vor.u32 v6, v37;
	v40 =	vld [tilespmem:s23+$0xFFFFFB80];
	v27 =	vmul.f32 v23, v18  }
0x2ce: {  	v3 =	vmul.f32 v3, v28;
	v45 =	vld [tilespmem:s23+$0xFFFFFC00];
	v43 =	vmul.f32 v1, v39  }
0x2cf: {  	v24 =	vadd.s32 $0x1, v9;
	v29 =	vmul.f32 v23, v14;
	[tilespmem:v9+s4+$0x0] =	vst.idx.add.f32.msk $0xffff, v27  }
0x2d0: {  	v41 =	vadd.s32 $0x1, v2;
	v1 =	vmul.f32 v1, v3;
	[tilespmem:v2+s4+$0x0] =	vst.idx.add.f32.msk $0xffff, v43  }
0x2d1: {  	v26 =	vadd.s32 $0x101, v9;
	[tilespmem:v13+s4+$0x0] =	vst.idx.add.f32.msk $0xffff, v29  }
0x2d2: {  	v42 =	vadd.s32 $0x101, v2;
	v31 =	vmul.f32 v18, v8;
	[tilespmem:v6+s4+$0x0] =	vst.idx.add.f32.msk $0xffff, v1  }
0x2d3: {  	v2 =	vmul.f32 v39, v34;
	v1 =	vmul.f32 v34, v3;
	v34 =	vld [tilespmem:s23+$0xFFFFFE90]  }
0x2d4: {  	v33 =	vmul.f32 v8, v14;
	[tilespmem:v24+s4+$0x0] =	vst.idx.add.f32.msk $0xffff, v31  }
0x2d5: {  	[tilespmem:v41+s4+$0x0] =	vst.idx.add.f32.msk $0xffff, v2  }
0x2d6: {  	[tilespmem:v26+s4+$0x0] =	vst.idx.add.f32.msk $0xffff, v33  }
0x2d7: {  	[tilespmem:v42+s4+$0x0] =	vst.idx.add.f32.msk $0xffff, v1  }
0x2d8: {  	v38 =	vld [tilespmem:s23+$0xFFFFFD40]  }
0x2d9: {  	v44 =	vld [tilespmem:s23+$0xFFFFFDC0]  }
0x2da: {  	v47 =	vtrunc.f32 v40;
	v49 =	vld [tilespmem:s23+$0xFFFFFC70]  }
0x2db: {  	v1 =	vcvt.f32.s32 v47;
	v11 =	vld [tilespmem:s23+$0xFFFFFCF0]  }
0x2dc: {  	v50 =	vtrunc.f32 v45  }
0x2dd: {  	v54 =	vcvt.s32.f32 v1;
	v42 =	vtrunc.f32 v34  }
0x2de: {  	v21 =	vcvt.f32.s32 v42;
	v46 =	vtrunc.f32 v38  }
0x2df: {  	v2 =	vtrunc.f32 v44;
	v57 =	vtrunc.f32 v49  }
0x2e0: {  	v62 =	vtrunc.f32 v11;
	v3 =	vcvt.f32.s32 v46  }
0x2e1: {  	v2 =	vcvt.f32.s32 v2;
	v59 =	vcvt.f32.s32 v57  }
0x2e2: {  	v7 =	vsub.f32 v40, v54;
	v17 =	vcvt.f32.s32 v62;
	v48 =	vcvt.s32.f32 v3  }
0x2e3: {  	v30 =	vld [tilespmem:s23+$0xFFFFFE10];
	v52 =	vcvt.s32.f32 v2;
	v53 =	vmin.u32 v2, $0xFE;
	v2 =	vcvt.f32.s32 v50  }
0x2e4: {  	v3 =	vmin.u32 v3, $0xFE;
	v26 =	vcvt.s32.f32 v59;
	v28 =	vcvt.s32.f32 v17  }
0x2e5: {  	v51 =	vld [tilespmem:s22+$0x30];
	v33 =	vmin.u32 v17, $0xFE;
	v3 =	vshll.u32 v3, $0x8;
	v10 =	vand.u32 $0x7F, v53  }
0x2e6: {  	v9 =	vand.u32 $0x7F, v33;
	v5 =	vsub.f32 v38, v48;
	v3 =	vor.u32 v53, v3  }
0x2e7: {  	v25 =	vld [tilespmem:s22+$0xFFFFFF60];
	v8 =	vsub.f32 v44, v52;
	v27 =	vcvt.s32.f32 v2;
	v4 =	vsub.f32 v49, v26  }
0x2e8: {  	v38 =	vtrunc.f32 v30;
	v55 =	vadd.s32 $0x100, v3;
	v60 =	vadd.s32 $0x1, v3  }
0x2e9: {  	v63 =	vadd.s32 $0x101, v3;
	v19 =	vcvt.f32.s32 v38;
	v56 =	vsub.f32 $1.000000000e+00, v5  }
0x2ea: {  	v12 =	vand.u32 $0x1FF80, v55;
	v58 =	vsub.f32 $1.000000000e+00, v8;
	v5 =	vmul.f32 v5, v51  }
0x2eb: {  	v6 =	vsub.f32 v45, v27;
	v29 =	vsub.f32 $1.000000000e+00, v4;
	v14 =	vmul.f32 v56, v51  }
0x2ec: {  	v49 =	vld [tilespmem:s23+$0xFFFFFF90];
	v4 =	vmul.f32 v4, v25;
	v45 =	vcvt.s32.f32 v21;
	v10 =	vor.u32 v10, v12  }
0x2ed: {  	v21 =	vmin.u32 v21, $0xFE;
	v12 =	vmin.u32 v59, $0xFE;
	v24 =	vmul.f32 v58, v14  }
0x2ee: {  	v61 =	vld [tilespmem:s22+$0xFFFFFE70];
	v43 =	vcvt.s32.f32 v19;
	v19 =	vmin.u32 v19, $0xFE;
	v16 =	vmul.f32 v58, v5  }
0x2ef: {  	v5 =	vmul.f32 v8, v5;
	v12 =	vshll.u32 v12, $0x8;
	v19 =	vshll.u32 v19, $0x8;
	[tilespmem:v3+s4+$0x0] =	vst.idx.add.f32.msk $0xffff, v24  }
0x2f0: {  	v15 =	vsub.f32 v34, v45;
	v12 =	vor.u32 v33, v12;
	v3 =	vmul.f32 v14, v8;
	v24 =	vld [tilespmem:s22+$0x100]  }
0x2f1: {  	v19 =	vor.u32 v21, v19;
	v21 =	vand.u32 $0x7F, v21;
	v54 =	vtrunc.f32 v49;
	[tilespmem:v10+s4+$0x0] =	vst.idx.add.f32.msk $0xffff, v16  }
0x2f2: {  	v37 =	vadd.s32 $0x1, v12;
	v39 =	vadd.s32 $0x100, v12;
	v8 =	vsub.f32 v11, v28;
	[tilespmem:v60+s4+$0x0] =	vst.idx.add.f32.msk $0xffff, v3  }
0x2f3: {  	v46 =	vadd.s32 $0x100, v19;
	v27 =	vsub.f32 $1.000000000e+00, v15;
	v48 =	vadd.s32 $0x1, v19;
	[tilespmem:v63+s4+$0x0] =	vst.idx.add.f32.msk $0xffff, v5  }
0x2f4: {  	v10 =	vmul.f32 v29, v25;
	v3 =	vsub.f32 $1.000000000e+00, v7;
	v32 =	vsub.f32 $1.000000000e+00, v8;
	v31 =	vld [tilespmem:s23+$0xFFFFFD50]  }
0x2f5: {  	v50 =	vadd.s32 $0x101, v19;
	v57 =	vcvt.f32.s32 v54;
	v7 =	vmul.f32 v7, v61;
	v36 =	vld [tilespmem:s23+$0xFFFFFDD0]  }
0x2f6: {  	v20 =	vand.u32 $0x1FF80, v39;
	v25 =	vld [tilespmem:s23+$0xFFFFFF10];
	v3 =	vmul.f32 v3, v61;
	v35 =	vmul.f32 v32, v10  }
0x2f7: {  	v11 =	vsub.f32 v30, v43;
	v14 =	vmul.f32 v32, v4;
	v10 =	vmul.f32 v10, v8  }
0x2f8: {  	v9 =	vor.u32 v9, v20;
	v4 =	vmul.f32 v8, v4;
	v61 =	vcvt.s32.f32 v57  }
0x2f9: {  	v47 =	vsub.f32 $1.000000000e+00, v11;
	v11 =	vmul.f32 v11, v24;
	v40 =	vtrunc.f32 v31  }
0x2fa: {  	v53 =	vadd.s32 $0x101, v12;
	v44 =	vtrunc.f32 v36;
	v41 =	vcvt.f32.s32 v40  }
0x2fb: {  	v59 =	vld [tilespmem:s22+$0x200];
	v22 =	vand.u32 $0x1FF80, v46;
	v30 =	vtrunc.f32 v25;
	v20 =	vcvt.f32.s32 v44  }
0x2fc: {  	v21 =	vor.u32 v21, v22;
	v29 =	vld [tilespmem:s22+$0x40];
	v52 =	vcvt.f32.s32 v30;
	v23 =	vcvt.s32.f32 v41  }
0x2fd: {  	[tilespmem:v12+s4+$0x0] =	vst.idx.add.f32.msk $0xffff, v35;
	v26 =	vcvt.s32.f32 v20;
	v8 =	vmin.u32 v41, $0xFE;
	v20 =	vmin.u32 v20, $0xFE  }
0x2fe: {  	[tilespmem:v9+s4+$0x0] =	vst.idx.add.f32.msk $0xffff, v14;
	v8 =	vshll.u32 v8, $0x8;
	v13 =	vsub.f32 v31, v23;
	v23 =	vmul.f32 v47, v24  }
0x2ff: {  	[tilespmem:v37+s4+$0x0] =	vst.idx.add.f32.msk $0xffff, v10;
	v55 =	vcvt.s32.f32 v52;
	v17 =	vsub.f32 v36, v26;
	v8 =	vor.u32 v20, v8  }
0x300: {  	[tilespmem:v53+s4+$0x0] =	vst.idx.add.f32.msk $0xffff, v4;
	v24 =	vsub.f32 v49, v61;
	v20 =	vand.u32 $0x7F, v20;
	v28 =	vmul.f32 v27, v23  }
0x301: {  	v9 =	vld [tilespmem:s23+$0xFFFFFC80];
	v56 =	vadd.s32 $0x100, v8;
	v27 =	vmul.f32 v27, v11;
	v51 =	vmul.f32 v23, v15  }
0x302: {  	v11 =	vmul.f32 v15, v11;
	v15 =	vadd.s32 $0x1, v8;
	v58 =	vsub.f32 $1.000000000e+00, v13;
	[tilespmem:v19+s4+$0x0] =	vst.idx.add.f32.msk $0xffff, v28  }
0x303: {  	v23 =	vmin.u32 v52, $0xFE;
	v62 =	vsub.f32 $1.000000000e+00, v17;
	v22 =	vand.u32 $0x1FF80, v56;
	[tilespmem:v21+s4+$0x0] =	vst.idx.add.f32.msk $0xffff, v27  }
0x304: {  	v13 =	vmul.f32 v13, v29;
	v37 =	vsub.f32 $1.000000000e+00, v24;
	v46 =	vor.u32 v20, v22;
	[tilespmem:v48+s4+$0x0] =	vst.idx.add.f32.msk $0xffff, v51  }
0x305: {  	v23 =	vshll.u32 v23, $0x8;
	v63 =	vmul.f32 v58, v29;
	v21 =	vsub.f32 v25, v55;
	[tilespmem:v50+s4+$0x0] =	vst.idx.add.f32.msk $0xffff, v11  }
0x306: {  	v53 =	vmul.f32 v62, v13;
	v27 =	vadd.s32 $0x101, v8;
	v11 =	vmin.u32 v57, $0xFE;
	v60 =	vld [tilespmem:s23+$0xFFFFFE20]  }
0x307: {  	v49 =	vmul.f32 v62, v63;
	v31 =	vsub.f32 $1.000000000e+00, v21;
	v33 =	vor.u32 v11, v23;
	v34 =	vld [tilespmem:s23+$0xFFFFFEA0]  }
0x308: {  	v54 =	vmul.f32 v63, v17;
	v21 =	vmul.f32 v21, v59;
	v43 =	vld [tilespmem:s22+$0x110];
	v35 =	vadd.s32 $0x100, v33  }
0x309: {  	v11 =	vand.u32 $0x7F, v11;
	[tilespmem:v8+s4+$0x0] =	vst.idx.add.f32.msk $0xffff, v49;
	v38 =	vmul.f32 v31, v59;
	v36 =	vand.u32 $0x1FF80, v35  }
0x30a: {  	[tilespmem:v46+s4+$0x0] =	vst.idx.add.f32.msk $0xffff, v53;
	v59 =	vmul.f32 v17, v13;
	v11 =	vor.u32 v11, v36  }
0x30b: {  	v40 =	vadd.s32 $0x1, v33;
	v10 =	vmul.f32 v37, v21;
	[tilespmem:v15+s4+$0x0] =	vst.idx.add.f32.msk $0xffff, v54  }
0x30c: {  	v41 =	vadd.s32 $0x101, v33;
	v42 =	vmul.f32 v37, v38;
	[tilespmem:v27+s4+$0x0] =	vst.idx.add.f32.msk $0xffff, v59;
	v39 =	vtrunc.f32 v60  }
0x30d: {  	v19 =	vld [tilespmem:s23+$0xFFFFFD60];
	v44 =	vtrunc.f32 v34;
	v4 =	vcvt.f32.s32 v39  }
0x30e: {  	v14 =	vmul.f32 v38, v24;
	[tilespmem:v33+s4+$0x0] =	vst.idx.add.f32.msk $0xffff, v42;
	v47 =	vcvt.f32.s32 v44  }
0x30f: {  	v5 =	vsub.f32 $1.000000000e+00, v6;
	v48 =	vmul.f32 v24, v21;
	v45 =	vcvt.s32.f32 v4;
	[tilespmem:v11+s4+$0x0] =	vst.idx.add.f32.msk $0xffff, v10  }
0x310: {  	v15 =	vtrunc.f32 v9;
	v4 =	vmin.u32 v4, $0xFE;
	v51 =	vcvt.s32.f32 v47;
	[tilespmem:v40+s4+$0x0] =	vst.idx.add.f32.msk $0xffff, v14  }
0x311: {  	v52 =	vmin.u32 v47, $0xFE;
	v4 =	vshll.u32 v4, $0x8;
	v50 =	vsub.f32 v60, v45;
	[tilespmem:v41+s4+$0x0] =	vst.idx.add.f32.msk $0xffff, v48  }
0x312: {  	v15 =	vcvt.f32.s32 v15;
	v36 =	vtrunc.f32 v19;
	v55 =	vor.u32 v52, v4;
	v56 =	vld [tilespmem:s23+$0xFFFFFF20]  }
0x313: {  	v57 =	vsub.f32 v34, v51;
	v4 =	vadd.s32 $0x100, v55;
	v58 =	vsub.f32 $1.000000000e+00, v50  }
0x314: {  	v60 =	vand.u32 $0x7F, v52;
	v17 =	vcvt.f32.s32 v36;
	v61 =	vld [tilespmem:s23+$0xFFFFFFA0];
	v4 =	vand.u32 $0x1FF80, v4  }
0x315: {  	v14 =	vsub.f32 $1.000000000e+00, v57;
	v63 =	vmul.f32 v50, v43;
	v8 =	vmul.f32 v58, v43  }
0x316: {  	v52 =	vcvt.s32.f32 v17;
	v13 =	vor.u32 v60, v4;
	v4 =	vmul.f32 v5, v3  }
0x317: {  	v62 =	vadd.s32 $0x1, v55;
	v24 =	vmul.f32 v14, v8;
	v25 =	vtrunc.f32 v56  }
0x318: {  	v40 =	vld [tilespmem:s23+$0xFFFFFDE0];
	v26 =	vadd.s32 $0x101, v55;
	v14 =	vmul.f32 v14, v63;
	v27 =	vmul.f32 v8, v57  }
0x319: {  	v30 =	vld [tilespmem:s22+$0x210];
	v8 =	vmin.u32 v2, $0xFE;
	v2 =	vtrunc.f32 v61;
	v18 =	vcvt.f32.s32 v25  }
0x31a: {  	v1 =	vmin.u32 v1, $0xFE;
	v5 =	vmul.f32 v5, v7;
	v2 =	vcvt.f32.s32 v2;
	[tilespmem:v55+s4+$0x0] =	vst.idx.add.f32.msk $0xffff, v24  }
0x31b: {  	v29 =	vshll.u32 v1, $0x8;
	v1 =	vmul.f32 v57, v63;
	[tilespmem:v13+s4+$0x0] =	vst.idx.add.f32.msk $0xffff, v14;
	v28 =	vcvt.s32.f32 v18  }
0x31c: {  	v3 =	vmul.f32 v3, v6;
	v33 =	vcvt.s32.f32 v2;
	[tilespmem:v62+s4+$0x0] =	vst.idx.add.f32.msk $0xffff, v27  }
0x31d: {  	v50 =	vtrunc.f32 v40;
	v32 =	vmin.u32 v18, $0xFE;
	v31 =	vsub.f32 v56, v28;
	[tilespmem:v26+s4+$0x0] =	vst.idx.add.f32.msk $0xffff, v1  }
0x31e: {  	v2 =	vmin.u32 v2, $0xFE;
	v12 =	vshll.u32 v32, $0x8;
	v13 =	vsub.f32 v61, v33;
	v16 =	vld [tilespmem:s23+$0xFFFFFE30]  }
0x31f: {  	v1 =	vmul.f32 v6, v7;
	v12 =	vor.u32 v2, v12;
	v37 =	vld [tilespmem:s23+$0xFFFFFEB0];
	v35 =	vsub.f32 $1.000000000e+00, v31  }
0x320: {  	v34 =	vadd.s32 $0x100, v12;
	v38 =	vsub.f32 $1.000000000e+00, v13;
	v10 =	vmul.f32 v31, v30  }
0x321: {  	v2 =	vand.u32 $0x7F, v2;
	v6 =	vand.u32 $0x1FF80, v34;
	v39 =	vmul.f32 v35, v30  }
0x322: {  	v2 =	vor.u32 v2, v6;
	v20 =	vmul.f32 v38, v10;
	v10 =	vmul.f32 v13, v10  }
0x323: {  	v41 =	vadd.s32 $0x1, v12;
	v42 =	vtrunc.f32 v16;
	v44 =	vmul.f32 v38, v39  }
0x324: {  	v27 =	vld [tilespmem:s22+$0x50];
	v43 =	vadd.s32 $0x101, v12;
	v47 =	vtrunc.f32 v37;
	v48 =	vmul.f32 v39, v13  }
0x325: {  	v17 =	vmin.u32 v17, $0xFE;
	v45 =	vld [tilespmem:s22+$0x120];
	v13 =	vcvt.f32.s32 v50;
	v46 =	vcvt.f32.s32 v42  }
0x326: {  	v17 =	vshll.u32 v17, $0x8;
	v51 =	vcvt.f32.s32 v47;
	[tilespmem:v12+s4+$0x0] =	vst.idx.add.f32.msk $0xffff, v44;
	v12 =	vsub.f32 v19, v52  }
0x327: {  	v61 =	vcvt.s32.f32 v13;
	v13 =	vmin.u32 v13, $0xFE;
	v49 =	vcvt.s32.f32 v46;
	[tilespmem:v2+s4+$0x0] =	vst.idx.add.f32.msk $0xffff, v20  }
0x328: {  	v53 =	vmin.u32 v46, $0xFE;
	v54 =	vcvt.s32.f32 v51;
	v55 =	vmin.u32 v51, $0xFE;
	[tilespmem:v41+s4+$0x0] =	vst.idx.add.f32.msk $0xffff, v48  }
0x329: {  	v17 =	vor.u32 v13, v17;
	v56 =	vshll.u32 v53, $0x8;
	v16 =	vsub.f32 v16, v49;
	[tilespmem:v43+s4+$0x0] =	vst.idx.add.f32.msk $0xffff, v10  }
0x32a: {  	v11 =	vand.u32 $0x7F, v55;
	v58 =	vor.u32 v55, v56;
	v10 =	vsub.f32 v37, v54;
	v57 =	vld [tilespmem:s23+$0xFFFFFF30]  }
0x32b: {  	v44 =	vsub.f32 $1.000000000e+00, v12;
	v59 =	vadd.s32 $0x100, v58;
	v62 =	vld [tilespmem:s23+$0xFFFFFFB0];
	v60 =	vsub.f32 $1.000000000e+00, v16  }
0x32c: {  	v18 =	vand.u32 $0x1FF80, v59;
	v63 =	vsub.f32 $1.000000000e+00, v10;
	v14 =	vmul.f32 v16, v45  }
0x32d: {  	v11 =	vor.u32 v11, v18;
	v18 =	vsub.f32 v40, v61;
	v20 =	vmul.f32 v60, v45  }
0x32e: {  	v12 =	vmul.f32 v12, v27;
	v32 =	vadd.s32 $0x1, v58;
	v24 =	vmul.f32 v44, v27  }
0x32f: {  	v26 =	vmul.f32 v63, v14;
	v47 =	vsub.f32 $1.000000000e+00, v18;
	v33 =	vmul.f32 v63, v20  }
0x330: {  	v34 =	vadd.s32 $0x101, v58;
	v38 =	vld [tilespmem:s22+$0x220];
	v31 =	vtrunc.f32 v57;
	v35 =	vtrunc.f32 v62  }
0x331: {  	v13 =	vand.u32 $0x7F, v13;
	v16 =	vcvt.f32.s32 v31;
	v53 =	vmul.f32 v47, v24;
	[tilespmem:v58+s4+$0x0] =	vst.idx.add.f32.msk $0xffff, v33  }
0x332: {  	v52 =	vadd.s32 $0x1, v17;
	v37 =	vmul.f32 v20, v10;
	v19 =	vcvt.f32.s32 v35;
	[tilespmem:v11+s4+$0x0] =	vst.idx.add.f32.msk $0xffff, v26  }
0x333: {  	v54 =	vadd.s32 $0x100, v17;
	v10 =	vmul.f32 v10, v14;
	v36 =	vcvt.s32.f32 v16;
	[tilespmem:v17+s4+$0x0] =	vst.idx.add.f32.msk $0xffff, v53  }
0x334: {  	v16 =	vmin.u32 v16, $0xFE;
	v40 =	vcvt.s32.f32 v19;
	v19 =	vmin.u32 v19, $0xFE;
	[tilespmem:v32+s4+$0x0] =	vst.idx.add.f32.msk $0xffff, v37  }
0x335: {  	v16 =	vshll.u32 v16, $0x8;
	v39 =	vsub.f32 v57, v36;
	[tilespmem:v34+s4+$0x0] =	vst.idx.add.f32.msk $0xffff, v10;
	v10 =	vand.u32 $0x1FF80, v54  }
0x336: {  	v41 =	vor.u32 v19, v16;
	v11 =	vsub.f32 v62, v40;
	v10 =	vor.u32 v13, v10  }
0x337: {  	v19 =	vand.u32 $0x7F, v19;
	v42 =	vld [tilespmem:s23+$0xFFFFFE40];
	v43 =	vadd.s32 $0x100, v41;
	v23 =	vsub.f32 $1.000000000e+00, v39  }
0x338: {  	v57 =	vadd.s32 $0x101, v17;
	v45 =	vld [tilespmem:s23+$0xFFFFFEC0];
	v22 =	vand.u32 $0x1FF80, v43;
	v46 =	vsub.f32 $1.000000000e+00, v11  }
0x339: {  	v20 =	vld [tilespmem:s23+$0xFFFFFD00];
	v19 =	vor.u32 v19, v22;
	v22 =	vmul.f32 v47, v12;
	v23 =	vmul.f32 v23, v38  }
0x33a: {  	v7 =	vor.u32 v8, v29;
	v24 =	vmul.f32 v24, v18;
	v58 =	vld [tilespmem:s22+$0x130];
	v14 =	vmul.f32 v39, v38  }
0x33b: {  	v12 =	vmul.f32 v18, v12;
	v49 =	vmul.f32 v46, v23;
	[tilespmem:v10+s4+$0x0] =	vst.idx.add.f32.msk $0xffff, v22  }
0x33c: {  	v48 =	vadd.s32 $0x1, v41;
	v26 =	vmul.f32 v46, v14;
	v50 =	vtrunc.f32 v42;
	[tilespmem:v52+s4+$0x0] =	vst.idx.add.f32.msk $0xffff, v24  }
0x33d: {  	v51 =	vadd.s32 $0x101, v41;
	v55 =	vtrunc.f32 v45;
	v28 =	vcvt.f32.s32 v50;
	[tilespmem:v41+s4+$0x0] =	vst.idx.add.f32.msk $0xffff, v49  }
0x33e: {  	v8 =	vand.u32 $0x7F, v8;
	v21 =	vadd.s32 $0x100, v7;
	v59 =	vcvt.f32.s32 v55;
	[tilespmem:v57+s4+$0x0] =	vst.idx.add.f32.msk $0xffff, v12  }
0x33f: {  	v6 =	vadd.s32 $0x1, v7;
	v56 =	vmul.f32 v23, v11;
	[tilespmem:v19+s4+$0x0] =	vst.idx.add.f32.msk $0xffff, v26;
	v32 =	vcvt.s32.f32 v28  }
0x340: {  	v11 =	vmul.f32 v11, v14;
	v61 =	vmin.u32 v28, $0xFE;
	v62 =	vcvt.s32.f32 v59;
	v25 =	vld [tilespmem:s23+$0xFFFFFD70]  }
0x341: {  	v14 =	vmin.u32 v59, $0xFE;
	[tilespmem:v48+s4+$0x0] =	vst.idx.add.f32.msk $0xffff, v56;
	v16 =	vshll.u32 v61, $0x8;
	v60 =	vsub.f32 v42, v32  }
0x342: {  	v33 =	vand.u32 $0x1FF80, v21;
	v37 =	vtrunc.f32 v20;
	[tilespmem:v51+s4+$0x0] =	vst.idx.add.f32.msk $0xffff, v11;
	v16 =	vor.u32 v14, v16  }
0x343: {  	v11 =	vsub.f32 v45, v62;
	v19 =	vld [tilespmem:s23+$0xFFFFFF40];
	v63 =	vadd.s32 $0x100, v16;
	v28 =	vsub.f32 $1.000000000e+00, v60  }
0x344: {  	v50 =	vcvt.s32.f32 v15;
	v14 =	vand.u32 $0x7F, v14;
	v29 =	vld [tilespmem:s23+$0xFFFFFFC0];
	v17 =	vand.u32 $0x1FF80, v63  }
0x345: {  	v31 =	vsub.f32 $1.000000000e+00, v11;
	v13 =	vmul.f32 v60, v58;
	v32 =	vmul.f32 v28, v58  }
0x346: {  	v49 =	vcvt.f32.s32 v37;
	v14 =	vor.u32 v14, v17;
	v60 =	vtrunc.f32 v25  }
0x347: {  	v35 =	vadd.s32 $0x1, v16;
	v10 =	vmul.f32 v31, v13;
	v36 =	vmul.f32 v31, v32  }
0x348: {  	v38 =	vadd.s32 $0x101, v16;
	v43 =	vld [tilespmem:s22+$0x230];
	v58 =	vcvt.s32.f32 v49;
	v34 =	vtrunc.f32 v19  }
0x349: {  	v8 =	vor.u32 v8, v33;
	v39 =	vtrunc.f32 v29;
	v21 =	vcvt.f32.s32 v34;
	[tilespmem:v16+s4+$0x0] =	vst.idx.add.f32.msk $0xffff, v36  }
0x34a: {  	v15 =	vmin.u32 v15, $0xFE;
	v41 =	vmul.f32 v32, v11;
	v42 =	vcvt.f32.s32 v39;
	v16 =	vld [tilespmem:s23+$0xFFFFFDF0]  }
0x34b: {  	v15 =	vshll.u32 v15, $0x8;
	v11 =	vmul.f32 v11, v13;
	v40 =	vcvt.s32.f32 v21;
	[tilespmem:v14+s4+$0x0] =	vst.idx.add.f32.msk $0xffff, v10  }
0x34c: {  	v45 =	vmin.u32 v21, $0xFE;
	v46 =	vcvt.s32.f32 v42;
	v47 =	vmin.u32 v42, $0xFE;
	[tilespmem:v35+s4+$0x0] =	vst.idx.add.f32.msk $0xffff, v41  }
0x34d: {  	v48 =	vshll.u32 v45, $0x8;
	v55 =	vand.u32 $0x7F, v47;
	v44 =	vsub.f32 v19, v40;
	[tilespmem:v38+s4+$0x0] =	vst.idx.add.f32.msk $0xffff, v11  }
0x34e: {  	v14 =	vor.u32 v47, v48;
	v18 =	vsub.f32 v29, v46;
	v11 =	vsub.f32 v9, v50  }
0x34f: {  	v38 =	vcvt.f32.s32 v60;
	v52 =	vadd.s32 $0x100, v14;
	v59 =	vadd.s32 $0x1, v14  }
0x350: {  	v51 =	vld [tilespmem:s23+$0xFFFFFE50];
	v61 =	vadd.s32 $0x101, v14;
	v53 =	vsub.f32 $1.000000000e+00, v44;
	v13 =	vmul.f32 v44, v43  }
0x351: {  	v56 =	vld [tilespmem:s23+$0xFFFFFED0];
	v57 =	vsub.f32 $1.000000000e+00, v18;
	v42 =	vtrunc.f32 v16;
	v26 =	vcvt.s32.f32 v38  }
0x352: {  	v54 =	vand.u32 $0x1FF80, v52;
	v24 =	vcvt.f32.s32 v42;
	v22 =	vmul.f32 v53, v43  }
0x353: {  	v12 =	vld [tilespmem:s22+$0xFFFFFF70];
	v9 =	vor.u32 v55, v54;
	v23 =	vmul.f32 v57, v13;
	v13 =	vmul.f32 v18, v13  }
0x354: {  	v34 =	vsub.f32 $1.000000000e+00, v11;
	v52 =	vcvt.s32.f32 v24;
	v62 =	vmul.f32 v57, v22  }
0x355: {  	v63 =	vld [tilespmem:s22+$0x140];
	v25 =	vsub.f32 v25, v26;
	v32 =	vtrunc.f32 v51;
	v33 =	vmul.f32 v22, v18  }
0x356: {  	v35 =	vtrunc.f32 v56;
	v57 =	vld [tilespmem:s22+$0x60];
	v22 =	vmin.u32 v38, $0xFE;
	v29 =	vcvt.f32.s32 v32  }
0x357: {  	v36 =	vcvt.f32.s32 v35;
	v16 =	vsub.f32 v16, v52;
	v35 =	vshll.u32 v22, $0x8;
	[tilespmem:v14+s4+$0x0] =	vst.idx.add.f32.msk $0xffff, v62  }
0x358: {  	v14 =	vmul.f32 v34, v12;
	[tilespmem:v9+s4+$0x0] =	vst.idx.add.f32.msk $0xffff, v23;
	v9 =	vmin.u32 v49, $0xFE;
	v37 =	vcvt.s32.f32 v29  }
0x359: {  	v40 =	vcvt.s32.f32 v36;
	v41 =	vmin.u32 v29, $0xFE;
	v17 =	vmin.u32 v36, $0xFE;
	[tilespmem:v59+s4+$0x0] =	vst.idx.add.f32.msk $0xffff, v33  }
0x35a: {  	v36 =	vsub.f32 $1.000000000e+00, v25;
	v21 =	vshll.u32 v41, $0x8;
	[tilespmem:v61+s4+$0x0] =	vst.idx.add.f32.msk $0xffff, v13;
	v39 =	vsub.f32 v51, v37  }
0x35b: {  	v18 =	vsub.f32 v56, v40;
	v43 =	vor.u32 v17, v21;
	v17 =	vand.u32 $0x7F, v17;
	v23 =	vld [tilespmem:s23+$0xFFFFFF50]  }
0x35c: {  	v22 =	vmul.f32 v36, v57;
	v25 =	vmul.f32 v25, v57;
	v46 =	vld [tilespmem:s23+$0xFFFFFFD0];
	v44 =	vsub.f32 $1.000000000e+00, v39  }
0x35d: {  	v45 =	vadd.s32 $0x100, v43;
	v47 =	vsub.f32 $1.000000000e+00, v18;
	v13 =	vmul.f32 v39, v63  }
0x35e: {  	v53 =	vadd.s32 $0x1, v43;
	v48 =	vand.u32 $0x1FF80, v45;
	v21 =	vmul.f32 v44, v63  }
0x35f: {  	v17 =	vor.u32 v17, v48;
	v29 =	vmul.f32 v47, v13;
	v13 =	vmul.f32 v18, v13  }
0x360: {  	v54 =	vadd.s32 $0x101, v43;
	v49 =	vtrunc.f32 v23;
	v50 =	vmul.f32 v47, v21  }
0x361: {  	v44 =	vsub.f32 $1.000000000e+00, v16;
	v55 =	vtrunc.f32 v46;
	v51 =	vcvt.f32.s32 v49  }
0x362: {  	v10 =	vsub.f32 v20, v58;
	v58 =	vld [tilespmem:s22+$0x240];
	v21 =	vmul.f32 v21, v18;
	v19 =	vcvt.f32.s32 v55  }
0x363: {  	v24 =	vmin.u32 v24, $0xFE;
	v49 =	vmul.f32 v44, v22;
	[tilespmem:v43+s4+$0x0] =	vst.idx.add.f32.msk $0xffff, v50;
	v56 =	vcvt.s32.f32 v51  }
0x364: {  	v22 =	vmul.f32 v22, v16;
	v20 =	vmin.u32 v51, $0xFE;
	[tilespmem:v17+s4+$0x0] =	vst.idx.add.f32.msk $0xffff, v29;
	v59 =	vcvt.s32.f32 v19  }
0x365: {  	v19 =	vmin.u32 v19, $0xFE;
	v20 =	vshll.u32 v20, $0x8;
	[tilespmem:v53+s4+$0x0] =	vst.idx.add.f32.msk $0xffff, v21;
	v23 =	vsub.f32 v23, v56  }
0x366: {  	v36 =	vsub.f32 $1.000000000e+00, v10;
	v16 =	vmul.f32 v16, v25;
	v20 =	vor.u32 v19, v20;
	[tilespmem:v54+s4+$0x0] =	vst.idx.add.f32.msk $0xffff, v13  }
0x367: {  	v60 =	vsub.f32 v46, v59;
	v61 =	vadd.s32 $0x100, v20;
	v63 =	vld [tilespmem:s23+$0xFFFFFE60];
	v62 =	vsub.f32 $1.000000000e+00, v23  }
0x368: {  	v19 =	vand.u32 $0x7F, v19;
	v29 =	vld [tilespmem:s23+$0xFFFFFEE0];
	v37 =	vadd.s32 $0x1, v20;
	v17 =	vand.u32 $0x1FF80, v61  }
0x369: {  	v28 =	vsub.f32 $1.000000000e+00, v60;
	v18 =	vmul.f32 v23, v58;
	v21 =	vmul.f32 v62, v58  }
0x36a: {  	v39 =	vadd.s32 $0x101, v20;
	v17 =	vor.u32 v19, v17;
	v19 =	vor.u32 v24, v35  }
0x36b: {  	v24 =	vand.u32 $0x7F, v24;
	v13 =	vmul.f32 v60, v18;
	v38 =	vmul.f32 v28, v21  }
0x36c: {  	v40 =	vadd.s32 $0x1, v19;
	v28 =	vmul.f32 v28, v18;
	v41 =	vtrunc.f32 v63  }
0x36d: {  	v45 =	vld [tilespmem:s22+$0x150];
	v42 =	vadd.s32 $0x100, v19;
	v46 =	vtrunc.f32 v29;
	v26 =	vcvt.f32.s32 v41  }
0x36e: {  	v47 =	vadd.s32 $0x101, v19;
	v43 =	vmul.f32 v21, v60;
	v30 =	vcvt.f32.s32 v46;
	[tilespmem:v20+s4+$0x0] =	vst.idx.add.f32.msk $0xffff, v38  }
0x36f: {  	v21 =	vmul.f32 v44, v25;
	v20 =	vand.u32 $0x1FF80, v42;
	[tilespmem:v17+s4+$0x0] =	vst.idx.add.f32.msk $0xffff, v28;
	v48 =	vcvt.s32.f32 v26  }
0x370: {  	v51 =	vcvt.s32.f32 v30;
	v26 =	vmin.u32 v26, $0xFE;
	v20 =	vor.u32 v24, v20;
	[tilespmem:v37+s4+$0x0] =	vst.idx.add.f32.msk $0xffff, v43  }
0x371: {  	v53 =	vmin.u32 v30, $0xFE;
	v26 =	vshll.u32 v26, $0x8;
	[tilespmem:v39+s4+$0x0] =	vst.idx.add.f32.msk $0xffff, v13;
	v50 =	vsub.f32 v63, v48  }
0x372: {  	v58 =	vand.u32 $0x7F, v53;
	v37 =	vmul.f32 v11, v12;
	v11 =	vmul.f32 v36, v14;
	v52 =	vld [tilespmem:s23+$0xFFFFFF60]  }
0x373: {  	v17 =	vsub.f32 v29, v51;
	v26 =	vor.u32 v53, v26;
	v31 =	vld [tilespmem:s23+$0xFFFFFFE0];
	v54 =	vsub.f32 $1.000000000e+00, v50  }
0x374: {  	[tilespmem:v19+s4+$0x0] =	vst.idx.add.f32.msk $0xffff, v49;
	v14 =	vmul.f32 v14, v10;
	v13 =	vor.u32 v9, v15;
	v55 =	vadd.s32 $0x100, v26  }
0x375: {  	v34 =	vld [tilespmem:s22+$0x250];
	v56 =	vsub.f32 $1.000000000e+00, v17;
	v57 =	vand.u32 $0x1FF80, v55;
	v29 =	vmul.f32 v54, v45  }
0x376: {  	v2 =	vadd.s32 $0x101, v7;
	v28 =	vmul.f32 v50, v45;
	[tilespmem:v20+s4+$0x0] =	vst.idx.add.f32.msk $0xffff, v21;
	v19 =	vor.u32 v58, v57  }
0x377: {  	v61 =	vadd.s32 $0x1, v26;
	[tilespmem:v40+s4+$0x0] =	vst.idx.add.f32.msk $0xffff, v22;
	v59 =	vtrunc.f32 v52;
	v62 =	vmul.f32 v56, v29  }
0x378: {  	v30 =	vadd.s32 $0x101, v26;
	[tilespmem:v47+s4+$0x0] =	vst.idx.add.f32.msk $0xffff, v16;
	v32 =	vtrunc.f32 v31;
	v60 =	vcvt.f32.s32 v59  }
0x379: {  	v9 =	vand.u32 $0x7F, v9;
	v63 =	vmul.f32 v56, v28;
	v43 =	vld [tilespmem:s23+$0xFFFFFD80];
	v18 =	vcvt.f32.s32 v32  }
0x37a: {  	v15 =	vadd.s32 $0x1, v13;
	v33 =	vmul.f32 v29, v17;
	[tilespmem:v26+s4+$0x0] =	vst.idx.add.f32.msk $0xffff, v62;
	v24 =	vcvt.s32.f32 v60  }
0x37b: {  	v17 =	vmul.f32 v17, v28;
	v20 =	vmin.u32 v60, $0xFE;
	[tilespmem:v19+s4+$0x0] =	vst.idx.add.f32.msk $0xffff, v63;
	v35 =	vcvt.s32.f32 v18  }
0x37c: {  	v18 =	vmin.u32 v18, $0xFE;
	v20 =	vshll.u32 v20, $0x8;
	[tilespmem:v61+s4+$0x0] =	vst.idx.add.f32.msk $0xffff, v33;
	v24 =	vsub.f32 v52, v24  }
0x37d: {  	v42 =	vand.u32 $0x7F, v18;
	v20 =	vor.u32 v18, v20;
	[tilespmem:v30+s4+$0x0] =	vst.idx.add.f32.msk $0xffff, v17;
	v38 =	vsub.f32 v31, v35  }
0x37e: {  	v57 =	vtrunc.f32 v43;
	v39 =	vadd.s32 $0x100, v20;
	v41 =	vld [tilespmem:s23+$0xFFFFFE70];
	v40 =	vsub.f32 $1.000000000e+00, v24  }
0x37f: {  	v47 =	vld [tilespmem:s23+$0xFFFFFEF0];
	v61 =	vcvt.f32.s32 v57;
	v12 =	vand.u32 $0x1FF80, v39;
	v44 =	vsub.f32 $1.000000000e+00, v38  }
0x380: {  	v22 =	vmul.f32 v24, v34;
	v46 =	vor.u32 v42, v12;
	v45 =	vmul.f32 v40, v34  }
0x381: {  	v10 =	vmul.f32 v10, v37;
	v48 =	vadd.s32 $0x1, v20;
	v24 =	vld [tilespmem:s23+$0xFFFFFE00];
	v33 =	vcvt.s32.f32 v61  }
0x382: {  	[tilespmem:v7+s4+$0x0] =	vst.idx.add.f32.msk $0xffff, v4;
	v49 =	vadd.s32 $0x101, v20;
	v21 =	vmul.f32 v44, v22;
	v50 =	vmul.f32 v44, v45  }
0x383: {  	v16 =	vadd.s32 $0x101, v13;
	v51 =	vld [tilespmem:s22+$0x160];
	v17 =	vmul.f32 v38, v22;
	v53 =	vtrunc.f32 v41  }
0x384: {  	v52 =	vadd.s32 $0x100, v13;
	v54 =	vmul.f32 v45, v38;
	v58 =	vtrunc.f32 v47;
	[tilespmem:v20+s4+$0x0] =	vst.idx.add.f32.msk $0xffff, v50  }
0x385: {  	v56 =	vand.u32 $0x1FF80, v52;
	v55 =	vcvt.f32.s32 v53;
	v59 =	vcvt.f32.s32 v58;
	[tilespmem:v46+s4+$0x0] =	vst.idx.add.f32.msk $0xffff, v21  }
0x386: {  	v9 =	vor.u32 v9, v56;
	v12 =	vmul.f32 v36, v37;
	v62 =	vtrunc.f32 v24;
	[tilespmem:v48+s4+$0x0] =	vst.idx.add.f32.msk $0xffff, v54  }
0x387: {  	v18 =	vsub.f32 v43, v33;
	v60 =	vcvt.s32.f32 v55;
	v32 =	vcvt.s32.f32 v59;
	[tilespmem:v49+s4+$0x0] =	vst.idx.add.f32.msk $0xffff, v17  }
0x388: {  	v26 =	vmin.u32 v55, $0xFE;
	v20 =	vmin.u32 v59, $0xFE;
	v21 =	vcvt.f32.s32 v62;
	v63 =	vld [tilespmem:s23+$0xFFFFFF70]  }
0x389: {  	v26 =	vshll.u32 v26, $0x8;
	v19 =	vsub.f32 v41, v60;
	v23 =	vsub.f32 v47, v32;
	v29 =	vld [tilespmem:s23+$0xFFFFFFF0]  }
0x38a: {  	[tilespmem:v8+s4+$0x0] =	vst.idx.add.f32.msk $0xffff, v5;
	v26 =	vor.u32 v20, v26;
	v20 =	vand.u32 $0x7F, v20;
	v49 =	vcvt.s32.f32 v21  }
0x38b: {  	[tilespmem:v6+s4+$0x0] =	vst.idx.add.f32.msk $0xffff, v3;
	v17 =	vmin.u32 v61, $0xFE;
	v3 =	vmin.u32 v21, $0xFE;
	v34 =	vsub.f32 $1.000000000e+00, v19  }
0x38c: {  	v35 =	vadd.s32 $0x100, v26;
	v36 =	vsub.f32 $1.000000000e+00, v23;
	v19 =	vmul.f32 v19, v51  }
0x38d: {  	v28 =	vand.u32 $0x1FF80, v35;
	v27 =	vmul.f32 v34, v51;
	v37 =	vtrunc.f32 v63  }
0x38e: {  	v20 =	vor.u32 v20, v28;
	v40 =	vtrunc.f32 v29;
	v31 =	vcvt.f32.s32 v37  }
0x38f: {  	v39 =	vadd.s32 $0x1, v26;
	v43 =	vmul.f32 v36, v19;
	v7 =	vcvt.f32.s32 v40  }
0x390: {  	v58 =	vld [tilespmem:s22+$0x70];
	v42 =	vadd.s32 $0x101, v26;
	v38 =	vmul.f32 v36, v27;
	v41 =	vcvt.s32.f32 v31  }
0x391: {  	v44 =	vld [tilespmem:s22+$0x260];
	v27 =	vmul.f32 v27, v23;
	v45 =	vmin.u32 v31, $0xFE;
	v46 =	vcvt.s32.f32 v7  }
0x392: {  	[tilespmem:v26+s4+$0x0] =	vst.idx.add.f32.msk $0xffff, v38;
	v7 =	vmin.u32 v7, $0xFE;
	v47 =	vshll.u32 v45, $0x8;
	v22 =	vsub.f32 v63, v41  }
0x393: {  	v17 =	vshll.u32 v17, $0x8;
	v48 =	vmul.f32 v23, v19;
	[tilespmem:v20+s4+$0x0] =	vst.idx.add.f32.msk $0xffff, v43;
	v50 =	vor.u32 v7, v47  }
0x394: {  	[tilespmem:v39+s4+$0x0] =	vst.idx.add.f32.msk $0xffff, v27;
	v51 =	vsub.f32 v29, v46;
	v52 =	vadd.s32 $0x100, v50;
	v53 =	vsub.f32 $1.000000000e+00, v22  }
0x395: {  	v17 =	vor.u32 v3, v17;
	[tilespmem:v42+s4+$0x0] =	vst.idx.add.f32.msk $0xffff, v48;
	v7 =	vand.u32 $0x7F, v7;
	v54 =	vand.u32 $0x1FF80, v52  }
0x396: {  	v8 =	vld [tilespmem:s23+$0xFFFFFE80];
	v55 =	vsub.f32 $1.000000000e+00, v51;
	v5 =	vor.u32 v7, v54;
	v25 =	vmul.f32 v53, v44  }
0x397: {  	[tilespmem:v2+s4+$0x0] =	vst.idx.add.f32.msk $0xffff, v1;
	v3 =	vand.u32 $0x7F, v3;
	v56 =	vadd.s32 $0x1, v50;
	v57 =	vmul.f32 v22, v44  }
0x398: {  	v19 =	vsub.f32 v24, v49;
	v59 =	vadd.s32 $0x101, v50;
	v61 =	vld [tilespmem:s23+$0xFFFFFF00];
	v60 =	vmul.f32 v55, v25  }
0x399: {  	v62 =	vadd.s32 $0x1, v17;
	v28 =	vsub.f32 $1.000000000e+00, v18;
	v36 =	vld [tilespmem:s22+$0x170];
	v23 =	vmul.f32 v55, v57  }
0x39a: {  	v18 =	vmul.f32 v18, v58;
	v31 =	vsub.f32 $1.000000000e+00, v19;
	v25 =	vmul.f32 v25, v51;
	[tilespmem:v50+s4+$0x0] =	vst.idx.add.f32.msk $0xffff, v60  }
0x39b: {  	v30 =	vadd.s32 $0x101, v17;
	v4 =	vmul.f32 v51, v57;
	v29 =	vtrunc.f32 v8;
	[tilespmem:v5+s4+$0x0] =	vst.idx.add.f32.msk $0xffff, v23  }
0x39c: {  	v63 =	vadd.s32 $0x100, v17;
	v6 =	vmul.f32 v31, v18;
	v23 =	vcvt.f32.s32 v29;
	[tilespmem:v56+s4+$0x0] =	vst.idx.add.f32.msk $0xffff, v25  }
0x39d: {  	v18 =	vmul.f32 v19, v18;
	v32 =	vand.u32 $0x1FF80, v63;
	v33 =	vtrunc.f32 v61;
	[tilespmem:v59+s4+$0x0] =	vst.idx.add.f32.msk $0xffff, v4  }
0x39e: {  	v34 =	vcvt.s32.f32 v23;
	v4 =	vcvt.f32.s32 v33;
	v38 =	vmin.u32 v23, $0xFE;
	v25 =	vld [tilespmem:s23+$0xFFFFFF80]  }
0x39f: {  	v3 =	vor.u32 v3, v32;
	v5 =	vmul.f32 v28, v58;
	v39 =	vld [tilespmem:s23+$0x0];
	v2 =	vshll.u32 v38, $0x8  }
0x3a0: {  	v8 =	vsub.f32 v8, v34;
	v37 =	vcvt.s32.f32 v4;
	v1 =	vmin.u32 v4, $0xFE  }
0x3a1: {  	v35 =	vmul.f32 v31, v5;
	v5 =	vmul.f32 v5, v19;
	v2 =	vor.u32 v1, v2  }
0x3a2: {  	[tilespmem:v13+s4+$0x0] =	vst.idx.add.f32.msk $0xffff, v11;
	v1 =	vand.u32 $0x7F, v1;
	v40 =	vsub.f32 $1.000000000e+00, v8;
	v41 =	vsub.f32 v61, v37  }
0x3a3: {  	[tilespmem:v9+s4+$0x0] =	vst.idx.add.f32.msk $0xffff, v12;
	v43 =	vadd.s32 $0x100, v2;
	v8 =	vmul.f32 v8, v36;
	v42 =	vtrunc.f32 v25  }
0x3a4: {  	[tilespmem:v15+s4+$0x0] =	vst.idx.add.f32.msk $0xffff, v14;
	v45 =	vadd.s32 $0x1, v2;
	v46 =	vtrunc.f32 v39;
	v44 =	vcvt.f32.s32 v42  }
0x3a5: {  	v51 =	vld [tilespmem:s22+$0x270];
	v48 =	vadd.s32 $0x101, v2;
	v9 =	vand.u32 $0x1FF80, v43;
	v49 =	vcvt.f32.s32 v46  }
0x3a6: {  	[tilespmem:v17+s4+$0x0] =	vst.idx.add.f32.msk $0xffff, v35;
	v4 =	vmul.f32 v40, v36;
	v1 =	vor.u32 v1, v9;
	v47 =	vcvt.s32.f32 v44  }
0x3a7: {  	[tilespmem:v3+s4+$0x0] =	vst.idx.add.f32.msk $0xffff, v6;
	v50 =	vsub.f32 $1.000000000e+00, v41;
	v12 =	vmin.u32 v44, $0xFE;
	v3 =	vcvt.s32.f32 v49  }
0x3a8: {  	[tilespmem:v16+s4+$0x0] =	vst.idx.add.f32.msk $0xffff, v10;
	v52 =	vmin.u32 v49, $0xFE;
	v53 =	vshll.u32 v12, $0x8;
	v14 =	vsub.f32 v25, v47  }
0x3a9: {  	v54 =	vmul.f32 v50, v4;
	v10 =	vmul.f32 v50, v8;
	v9 =	vor.u32 v52, v53  }
0x3aa: {  	[tilespmem:v62+s4+$0x0] =	vst.idx.add.f32.msk $0xffff, v5;
	v3 =	vsub.f32 v39, v3;
	v55 =	vadd.s32 $0x100, v9;
	v56 =	vsub.f32 $1.000000000e+00, v14  }
0x3ab: {  	[tilespmem:v30+s4+$0x0] =	vst.idx.add.f32.msk $0xffff, v18;
	v4 =	vmul.f32 v4, v41;
	v6 =	vand.u32 $0x7F, v52;
	v5 =	vand.u32 $0x1FF80, v55  }
0x3ac: {  	[tilespmem:v2+s4+$0x0] =	vst.idx.add.f32.msk $0xffff, v54;
	v57 =	vsub.f32 $1.000000000e+00, v3;
	v2 =	vor.u32 v6, v5;
	v58 =	vmul.f32 v56, v51  }
0x3ad: {  	s21 =	sadd.s32 $0x5, s21;
	[tilespmem:v1+s4+$0x0] =	vst.idx.add.f32.msk $0xffff, v10;
	v1 =	vmul.f32 v41, v8;
	v60 =	vadd.s32 $0x1, v9;
	v59 =	vmul.f32 v14, v51  }
0x3ae: {  	p0 =	slt.u32 s21, $0x14;
	[tilespmem:v45+s4+$0x0] =	vst.idx.add.f32.msk $0xffff, v4;
	v61 =	vadd.s32 $0x101, v9;
	v62 =	vmul.f32 v57, v58  }
.Ltmp13:
0x3af: {  	[tilespmem:v48+s4+$0x0] =	vst.idx.add.f32.msk $0xffff, v1;
	v1 =	vmul.f32 v57, v59;
	(pc) =	sbr.rel @p0 .LBB2_19-.Ltmp13, $4  }
0x3b0: {  	v63 =	vmul.f32 v58, v3;
	[tilespmem:v9+s4+$0x0] =	vst.idx.add.f32.msk $0xffff, v62  }
0x3b1: {  	[tilespmem:v2+s4+$0x0] =	vst.idx.add.f32.msk $0xffff, v1;
	v1 =	vmul.f32 v3, v59  }
0x3b2: {  	[tilespmem:v60+s4+$0x0] =	vst.idx.add.f32.msk $0xffff, v63  }
0x3b3: {  	s22 =	sadd.s32 $0x500, s22;
	s23 =	sadd.s32 $0x500, s23;
	[tilespmem:v61+s4+$0x0] =	vst.idx.add.f32.msk $0xffff, v1  }
.Ltmp14:
0x3b4: {  	_ = 	snop;
	(pc) =	sbr.rel .LBB2_20-.Ltmp14, $1  }
0x3b5: {  	_ =	sdelay $0x3  }
.LBB2_22:
0x3b6: {  	_ =	sfence.sel $0x180000  }
0x3b7: {  	[bflag:$0x0] =	sbarrier.arrive $0xFFFF  }
0x3b8: {  	p0 =	sne.s32 s3, $0x0;
	_ =	strace $0x90000047  }
0x3b9: {  	s0 =	sadd.s32 @!p0 $0x100000, s0;
	[bflag:$0x2] =	sbarrier.arrive $0xFFFF  }
0x3ba: {  	[sflag:s0] =	ssyncadd.tile.s32 @!p0 $0x1;
	_ =	shalt  }
.Lfunc_end2:
_tile_overlayer_lowered:
.L_overlay_start_2:
0x3bb: {  	(tag) =	ssettag $0x2  }
0x3bc: {  	s0 =	rddreg [dreg:$0x0];
	s2 =	stileid.u32  }
0x3bd: {  	s1 =	rddreg [dreg:$0x1];
	p0 =	sne.s32 s2, $0x0  }
0x3be: {  	s3 =	rddreg [dreg:$0x2];
	[bflag:$0x3] =	sbarrier.arrive $0xFFFF;
	s2 =	simm.s32 @!p0 $0x1C03  }
0x3bf: {  	[timem:s3], [sflag:s2] =	dma.local @!p0 [hbm:s0], s1  }
0x3c0: {  	s0 =	simm.s32 @!p0 $0x3  }
0x3c1: {  	_ =	swait.ge @!p0 [sflag:s0], s1  }
0x3c2: {  	s1 =	ssub.s32 @!p0 $0x0, s1;
	[sflag:s0] =	ssyncset.done @!p0 $0x0  }
0x3c3: {  	[sflag:s0] =	ssyncadd.s32 @!p0 s1  }
0x3c4: {  	[bflag:$0x3] =	sbarrier.arrive $0xFFFF  }
0x3c5: {  	_ =	shalt  }

</sc_bundles>
